<compile_context>
chip_gen: v7x
topology: tpu7x:2x2x1
jax: 0.10.2.dev20260603
libtpu: 0.0.44.dev20260713+nightly
codegen_flags: <defaults>
</compile_context>

<pallas_src>
import functools

import jax
import jax.numpy as jnp
from jax import lax
from jax.experimental import pallas as pl
from jax.experimental.pallas import tpu as pltpu
from jax.experimental.pallas import tpu_sc as plsc


SC_TILES = 32
CH = 128
_HI_MASK = -65536



def _pack_pair(a, b):
    lo = lax.shift_right_logical(
        lax.bitcast_convert_type(a, jnp.int32) + 0x8000, 16)
    hi = (lax.bitcast_convert_type(b, jnp.int32) + 0x8000) & _HI_MASK
    return lo | hi


def _unpack_pair(u):
    f = lax.bitcast_convert_type(lax.shift_left(u, 16), jnp.float32)
    c = lax.bitcast_convert_type(u & _HI_MASK, jnp.float32)
    return f, c



def _node_mm_body(node_ref, wn_ref, p_ref):
    p = lax.dot_general(
        node_ref[...], wn_ref[...], (((1,), (1,)), ((), ())),
        preferred_element_type=jnp.float32)
    hn = p.shape[1] // 2
    p_ref[...] = _pack_pair(p[:, :hn], p[:, hn:])


def _edge_mm_stats_body(edge_ref, g_ref, we_ref, prm_ref, c1_ref, st_ref):
    q = lax.dot_general(
        edge_ref[...].astype(jnp.bfloat16), we_ref[...].astype(jnp.bfloat16),
        (((1,), (1,)), ((), ())), preferred_element_type=jnp.float32)
    hn = q.shape[1] // 2
    gf, gc = _unpack_pair(g_ref[...])
    c1f = q[:, :hn] + gf + prm_ref[0:1, :hn]
    c1c = q[:, hn:] + gc + prm_ref[0:1, hn:]
    c1_ref[...] = _pack_pair(c1f, c1c)

    @pl.when(pl.program_id(0) == 0)
    def _():
        st_ref[...] = jnp.zeros_like(st_ref)

    c1 = jnp.concatenate([c1f, c1c], axis=1)
    s = jnp.sum(c1, axis=0, keepdims=True)
    q2 = jnp.sum(c1 * c1, axis=0, keepdims=True)
    pad = jnp.zeros((st_ref.shape[0] - 2, c1.shape[1]), jnp.float32)
    st_ref[...] += jnp.concatenate([s, q2, pad], axis=0)


def _act_body(c1_ref, sta_ref, stb_ref, prm_ref, msg_ref, *, inv_e, hn):
    st = sta_ref[...] + stb_ref[...]
    mu = st[0:1, :] * inv_e
    var = st[1:2, :] * inv_e - mu * mu
    scale = prm_ref[1:2, :] * lax.rsqrt(var + 1e-5)
    shift = prm_ref[2:3, :] - mu * scale
    c1f, c1c = _unpack_pair(c1_ref[...])
    f = c1f * scale[:, :hn] + shift[:, :hn]
    c = c1c * scale[:, hn:] + shift[:, hn:]
    msg_ref[...] = jax.nn.sigmoid(f) * jnp.tanh(c)


def _final_body(pa_ref, pb_ref, node_ref, prm_ref, out_ref, *, inv_n):
    a = (pa_ref[0] + pa_ref[1]) + (pb_ref[0] + pb_ref[1])
    mu = jnp.sum(a, axis=0, keepdims=True) * inv_n
    d = a - mu
    var = jnp.sum(d * d, axis=0, keepdims=True) * inv_n
    bn = d * lax.rsqrt(var + 1e-5) * prm_ref[0:1, :] + prm_ref[1:2, :]
    out_ref[...] = jnp.tanh(node_ref[...] + bn)



def _sc_chunking(n_rows):
    rt = n_rows // SC_TILES
    full = rt // CH
    rem = full % 2
    tail = rt - full * CH
    return rt, full, rem, tail


def _make_gather(mesh, HN, base_rows, n_rows):
    RT, full, rem, TAIL = _sc_chunking(n_rows)
    MAIN = full - rem

    @functools.partial(
        pl.kernel,
        out_type=jax.ShapeDtypeStruct((n_rows, HN), jnp.int32),
        mesh=mesh,
        scratch_types=[
            pltpu.VMEM((CH,), jnp.int32), pltpu.VMEM((CH,), jnp.int32),
            pltpu.VMEM((CH, HN), jnp.int32), pltpu.VMEM((CH, HN), jnp.int32),
            pltpu.SemaphoreType.DMA, pltpu.SemaphoreType.DMA,
            pltpu.SemaphoreType.DMA, pltpu.SemaphoreType.DMA,
        ])
    def _gather(p_hbm, i_hbm, g_hbm,
                ib0, ib1, rb0, rb1, si0, si1, sw0, sw1):
        cid = lax.axis_index("core")
        sid = lax.axis_index("subcore")
        wid = cid * 16 + sid
        base_i = base_rows + wid * RT
        base_o = wid * RT

        def idx_copy(k, ib, si):
            return pltpu.make_async_copy(
                i_hbm.at[pl.ds(base_i + k * CH, CH)], ib, si)

        def out_copy(k, rb, sw):
            return pltpu.make_async_copy(
                rb, g_hbm.at[pl.ds(base_o + k * CH, CH), :], sw)

        idx_copy(0, ib0, si0).start()
        idx_copy(1, ib1, si1).start()
        out_copy(0, rb0, sw0).start()
        out_copy(1, rb1, sw1).start()

        @pl.loop(0, MAIN, step=2)
        def _(g):
            for b, (ib, rb, si, sw) in enumerate(
                    ((ib0, rb0, si0, sw0), (ib1, rb1, si1, sw1))):
                k = g + b
                idx_copy(k, ib, si).wait()
                out_copy(k, rb, sw).wait()
                pltpu.sync_copy(p_hbm.at[ib], rb)
                kn = jnp.minimum(k + 2, full - 1)
                idx_copy(kn, ib, si).start()
                out_copy(k, rb, sw).start()

        if rem:
            k = full - 1
            idx_copy(k, ib0, si0).wait()
            out_copy(k, rb0, sw0).wait()
            pltpu.sync_copy(p_hbm.at[ib0], rb0)
            pltpu.sync_copy(rb0, g_hbm.at[pl.ds(base_o + k * CH, CH), :])
            idx_copy(k, ib1, si1).wait()
            out_copy(k, rb1, sw1).wait()
        else:
            idx_copy(full - 1, ib0, si0).wait()
            idx_copy(full - 1, ib1, si1).wait()
            out_copy(full - 1, rb0, sw0).wait()
            out_copy(full - 1, rb1, sw1).wait()

        if TAIL:
            tb_i = base_i + full * CH
            tb_o = base_o + full * CH
            pltpu.sync_copy(i_hbm.at[pl.ds(tb_i, TAIL)],
                            ib0.at[pl.ds(0, TAIL)])
            pltpu.sync_copy(p_hbm.at[ib0.at[pl.ds(0, TAIL)]],
                            rb0.at[pl.ds(0, TAIL), :])
            pltpu.sync_copy(rb0.at[pl.ds(0, TAIL), :],
                            g_hbm.at[pl.ds(tb_o, TAIL), :])

    return _gather


def _make_scatter(mesh, N, HN, base_rows, n_rows):
    RT, full, rem, TAIL = _sc_chunking(n_rows)
    MAIN = full - rem

    @functools.partial(
        pl.kernel,
        out_type=jax.ShapeDtypeStruct((2, N, HN), jnp.float32),
        mesh=mesh,
        scratch_types=[
            pltpu.VMEM((CH,), jnp.int32), pltpu.VMEM((CH,), jnp.int32),
            pltpu.VMEM((CH, HN), jnp.float32), pltpu.VMEM((CH, HN), jnp.float32),
            pltpu.SemaphoreType.DMA, pltpu.SemaphoreType.DMA,
            pltpu.VMEM((max(8, CH // 16),), jnp.int32),
            pltpu.VMEM_SHARED((N, HN), jnp.float32),
        ])
    def _scatter(msg_hbm, i_hbm, zero_hbm, out_hbm,
                 ib0, ib1, mb0, mb1, s0, s1, it_v, acc):
        cid = lax.axis_index("core")
        sid = lax.axis_index("subcore")
        wid = cid * 16 + sid
        base_i = base_rows + wid * RT
        base_m = wid * RT

        @pl.when(sid == 0)
        def _():
            pltpu.sync_copy(zero_hbm, acc)

        plsc.subcore_barrier()

        def in_copies(k, ib, mb, s):
            return (pltpu.make_async_copy(
                        i_hbm.at[pl.ds(base_i + k * CH, CH)], ib, s),
                    pltpu.make_async_copy(
                        msg_hbm.at[pl.ds(base_m + k * CH, CH), :], mb, s))

        for c in in_copies(0, ib0, mb0, s0) + in_copies(1, ib1, mb1, s1):
            c.start()

        @pl.loop(0, MAIN, step=2)
        def _(g):
            for b, (ib, mb, s) in enumerate(((ib0, mb0, s0), (ib1, mb1, s1))):
                k = g + b
                ca, cb = in_copies(k, ib, mb, s)
                ca.wait()
                cb.wait()
                pltpu.sync_copy(mb, acc.at[ib], add=True)
                kn = jnp.minimum(k + 2, full - 1)
                for c in in_copies(kn, ib, mb, s):
                    c.start()

        if rem:
            k = full - 1
            ca, cb = in_copies(k, ib0, mb0, s0)
            ca.wait()
            cb.wait()
            pltpu.sync_copy(mb0, acc.at[ib0], add=True)
            for c in in_copies(k, ib1, mb1, s1):
                c.wait()
        else:
            for c in in_copies(full - 1, ib0, mb0, s0) + in_copies(
                    full - 1, ib1, mb1, s1):
                c.wait()

        if TAIL:
            tb_i = base_i + full * CH
            tb_m = base_m + full * CH
            pltpu.sync_copy(i_hbm.at[pl.ds(tb_i, TAIL)],
                            it_v.at[pl.ds(0, TAIL)])
            pltpu.sync_copy(msg_hbm.at[pl.ds(tb_m, TAIL), :],
                            mb0.at[pl.ds(0, TAIL), :])
            pltpu.sync_copy(mb0.at[pl.ds(0, TAIL), :],
                            acc.at[it_v.at[pl.ds(0, TAIL)]], add=True)

        plsc.subcore_barrier()

        @pl.when(sid == 0)
        def _():
            pltpu.sync_copy(acc, out_hbm.at[cid])

    return _scatter



def kernel(node_emb, edge_emb, i, W1, b1, gamma1, beta1, gamma2, beta2):
    N, HN = node_emb.shape
    E, HE = edge_emb.shape
    H2 = W1.shape[0]

    Wn = W1[:, :HN]
    We = W1[:, HN:]
    prm1 = jnp.concatenate(
        [b1[None], gamma1[None], beta1[None],
         jnp.zeros((5, H2), jnp.float32)], axis=0)
    prm2 = jnp.concatenate(
        [gamma2[None], beta2[None], jnp.zeros((6, HN), jnp.float32)], axis=0)

    mesh = plsc.VectorSubcoreMesh(core_axis_name="core",
                                  subcore_axis_name="subcore")

    NS = 2
    ES = E // NS
    TILE = 4000
    grid_s = ES // TILE
    zeros_init = jnp.zeros((N, HN), jnp.float32)

    P = pl.pallas_call(
        _node_mm_body,
        out_shape=jax.ShapeDtypeStruct((N, HN), jnp.int32),
    )(node_emb, Wn)

    G = [_make_gather(mesh, HN, s * ES, ES)(P, i) for s in range(NS)]

    c1, stats = [], []
    for s in range(NS):
        c1_s, st_s = pl.pallas_call(
            _edge_mm_stats_body,
            grid=(grid_s,),
            in_specs=[
                pl.BlockSpec((TILE, HE), lambda t, s=s: (t + s * grid_s, 0)),
                pl.BlockSpec((TILE, HN), lambda t: (t, 0)),
                pl.BlockSpec((H2, HE), lambda t: (0, 0)),
                pl.BlockSpec((8, H2), lambda t: (0, 0)),
            ],
            out_specs=[
                pl.BlockSpec((TILE, HN), lambda t: (t, 0)),
                pl.BlockSpec((8, H2), lambda t: (0, 0)),
            ],
            out_shape=[
                jax.ShapeDtypeStruct((ES, HN), jnp.int32),
                jax.ShapeDtypeStruct((8, H2), jnp.float32),
            ],
        )(edge_emb, G[s], We, prm1)
        c1.append(c1_s)
        stats.append(st_s)

    partials = []
    for s in range(NS):
        msg_s = pl.pallas_call(
            functools.partial(_act_body, inv_e=1.0 / E, hn=HN),
            grid=(grid_s,),
            in_specs=[
                pl.BlockSpec((TILE, HN), lambda t: (t, 0)),
                pl.BlockSpec((8, H2), lambda t: (0, 0)),
                pl.BlockSpec((8, H2), lambda t: (0, 0)),
                pl.BlockSpec((8, H2), lambda t: (0, 0)),
            ],
            out_specs=pl.BlockSpec((TILE, HN), lambda t: (t, 0)),
            out_shape=jax.ShapeDtypeStruct((ES, HN), jnp.float32),
        )(c1[s], stats[0], stats[1], prm1)
        partials.append(
            _make_scatter(mesh, N, HN, s * ES, ES)(msg_s, i, zeros_init))

    out = pl.pallas_call(
        functools.partial(_final_body, inv_n=1.0 / N),
        out_shape=jax.ShapeDtypeStruct((N, HN), jnp.float32),
    )(partials[0], partials[1], node_emb, prm2)
    return out

# --- scband reference (transcript-rebuilt; emitter-appended) ---
"""Pipeline reference for scband-node-block-2929167696135 (READ-ONLY COPY).

The authoritative reference and input builder live on the scoring server;
editing this copy changes nothing except your own understanding.
"""

import jax, jax.numpy as jnp
import numpy as np

N = 10000
E = 320000
HN = 128
HE = 128


def _bn(x, gamma, beta, eps=1e-5):
    # BatchNorm1d in training mode: batch statistics, biased variance
    mu = jnp.mean(x, axis=0)
    var = jnp.mean((x - mu) ** 2, axis=0)
    return (x - mu) / jnp.sqrt(var + eps) * gamma + beta


def setup_inputs(seed: int = 0) -> dict:
    key = jax.random.key(seed)
    ks = jax.random.split(key, 4)
    node_emb = jax.random.normal(ks[0], (N, HN), dtype=jnp.float32)
    edge_emb = jax.random.normal(ks[1], (E, HE), dtype=jnp.float32)
    i = jax.random.randint(ks[2], (E,), 0, N, dtype=jnp.int32)
    fan_in = HN + HE
    W1 = jax.random.normal(ks[3], (2 * HN, fan_in), dtype=jnp.float32) / jnp.sqrt(fan_in)
    b1 = jnp.zeros((2 * HN,), dtype=jnp.float32)
    gamma1 = jnp.ones((2 * HN,), dtype=jnp.float32)
    beta1 = jnp.zeros((2 * HN,), dtype=jnp.float32)
    gamma2 = jnp.ones((HN,), dtype=jnp.float32)
    beta2 = jnp.zeros((HN,), dtype=jnp.float32)
    return {"node_emb": node_emb, "edge_emb": edge_emb, "i": i,
            "W1": W1, "b1": b1, "gamma1": gamma1, "beta1": beta1,
            "gamma2": gamma2, "beta2": beta2}


def reference(node_emb, edge_emb, i, W1, b1, gamma1, beta1, gamma2, beta2):
    # c1 = cat([node_emb[i], edge_emb], dim=1)
    gathered = jnp.take(node_emb, i, axis=0)
    c1 = jnp.concatenate([gathered, edge_emb], axis=1)
    # lin_c1 then bn_c1
    c1 = c1 @ W1.T + b1
    c1 = _bn(c1, gamma1, beta1)
    # chunk into filter / core
    c1_filter, c1_core = jnp.split(c1, 2, axis=1)
    c1_filter = jax.nn.sigmoid(c1_filter)
    c1_core = jnp.tanh(c1_core)
    # scatter-sum over destination nodes
    c1_emb = jax.ops.segment_sum(c1_filter * c1_core, i, num_segments=node_emb.shape[0])
    c1_emb = _bn(c1_emb, gamma2, beta2)
    return jnp.tanh(node_emb + c1_emb)

if __name__ == "__main__":
    import jax
    _d = setup_inputs()
    print(jax.jit(kernel)(*tuple(_d.values())))

</pallas_src>

<mosaic_0001>
#map = affine_map<(d0, d1) -> (0, 0)>
#map1 = affine_map<(d0, d1) -> (0)>
#map2 = affine_map<(d0, d1) -> (0, 0, 0)>
module attributes {stable_mosaic.version = 14 : i64} {
  func.func @_scatter(%arg0: i32, %arg1: i32, %arg2: memref<160000x128xf32, #tpu.memory_space<hbm>>, %arg3: memref<320000xi32, #tpu.memory_space<hbm>>, %arg4: memref<10000x128xf32, #tpu.memory_space<hbm>>, %arg5: memref<2x10000x128xf32, #tpu.memory_space<hbm>>, %arg6: memref<128xi32, #tpu.memory_space<vmem>>, %arg7: memref<128xi32, #tpu.memory_space<vmem>>, %arg8: memref<128x128xf32, #tpu.memory_space<vmem>>, %arg9: memref<128x128xf32, #tpu.memory_space<vmem>>, %arg10: memref<!tpu.dma_semaphore, #tpu.memory_space<semaphore_mem>>, %arg11: memref<!tpu.dma_semaphore, #tpu.memory_space<semaphore_mem>>, %arg12: memref<8xi32, #tpu.memory_space<vmem>>, %arg13: memref<10000x128xf32, #tpu.memory_space<vmem_shared>>) attributes {dimension_semantics = [#tpu.dimension_semantics<core_parallel>, #tpu.dimension_semantics<subcore_parallel>], iteration_bounds = array<i64: 2, 16>, scalar_prefetch = 0 : i64, scratch_operands = 8 : i64, tpu.core_type = #tpu.core_type<sc_vector_subcore>, window_params = [{transform_indices = #map}, {transform_indices = #map1}, {transform_indices = #map}, {transform_indices = #map2}]} {
    %mul3A = arith.constant 16 : i32
    %mul3A_0 = arith.muli %arg0, %mul3A : i32
    %add3A = arith.addi %mul3A_0, %arg1 : i32
    %mul3A_1 = arith.constant 5000 : i32
    %mul3A_2 = arith.muli %add3A, %mul3A_1 : i32
    %add3A_3 = arith.constant 0 : i32
    %add3A_4 = arith.addi %add3A_3, %mul3A_2 : i32
    %mul3A_5 = arith.constant 5000 : i32
    %mul3A_6 = arith.muli %add3A, %mul3A_5 : i32
    %eq3A = arith.constant 0 : i32
    %eq3A_7 = arith.cmpi eq, %arg1, %eq3A : i32
    %convert_element_type3A = arith.extui %eq3A_7 : i1 to i32
    %cond3A = arith.constant 0 : i32
    %cond3A_8 = arith.cmpi ne, %convert_element_type3A, %cond3A : i32
    scf.if %cond3A_8 {
      "tpu.region"() ({
        %run_scoped3A = tpu.sem_alloc : memref<!tpu.dma_semaphore, #tpu.memory_space<semaphore_mem>>
        tpu.enqueue_dma source(%arg4 : memref<10000x128xf32, #tpu.memory_space<hbm>>) target(%arg13 : memref<10000x128xf32, #tpu.memory_space<vmem_shared>>) target_semaphore(%run_scoped3A : memref<!tpu.dma_semaphore, #tpu.memory_space<semaphore_mem>>)
        tpu.wait_dma2 semaphore(%run_scoped3A : memref<!tpu.dma_semaphore, #tpu.memory_space<semaphore_mem>>) src(%arg4 : memref<10000x128xf32, #tpu.memory_space<hbm>>) dst(%arg13 : memref<10000x128xf32, #tpu.memory_space<vmem_shared>>)
        tpu.yield
      }) : () -> ()
    } else {
    }
    %barrier3A = arith.constant 0 : index
    tpu.barrier barrier_id(%barrier3A)
    %add3A_9 = arith.constant 0 : i32
    %add3A_10 = arith.addi %add3A_4, %add3A_9 : i32
    %add3A_11 = arith.constant 0 : i32
    %add3A_12 = arith.addi %mul3A_6, %add3A_11 : i32
    %add3A_13 = arith.constant 128 : i32
    %add3A_14 = arith.addi %add3A_4, %add3A_13 : i32
    %add3A_15 = arith.constant 128 : i32
    %add3A_16 = arith.addi %mul3A_6, %add3A_15 : i32
    %dma_start3A = tpu.memref_slice %arg3[%add3A_10] : memref<320000xi32, #tpu.memory_space<hbm>> -> memref<128xi32, #tpu.memory_space<hbm>>
    %dma_start3A_17 = tpu.memref_slice %arg3[%add3A_10] : memref<320000xi32, #tpu.memory_space<hbm>> -> memref<128xi32, #tpu.memory_space<hbm>>
    tpu.enqueue_dma source(%dma_start3A_17 : memref<128xi32, #tpu.memory_space<hbm>>) target(%arg6 : memref<128xi32, #tpu.memory_space<vmem>>) target_semaphore(%arg10 : memref<!tpu.dma_semaphore, #tpu.memory_space<semaphore_mem>>)
    %dma_start3A_18 = arith.constant 0 : i32
    %dma_start3A_19 = tpu.memref_slice %arg2[%add3A_12, %dma_start3A_18] : memref<160000x128xf32, #tpu.memory_space<hbm>> -> memref<128x128xf32, #tpu.memory_space<hbm>>
    %dma_start3A_20 = arith.constant 0 : i32
    %dma_start3A_21 = tpu.memref_slice %arg2[%add3A_12, %dma_start3A_20] : memref<160000x128xf32, #tpu.memory_space<hbm>> -> memref<128x128xf32, #tpu.memory_space<hbm>>
    tpu.enqueue_dma source(%dma_start3A_21 : memref<128x128xf32, #tpu.memory_space<hbm>>) target(%arg8 : memref<128x128xf32, #tpu.memory_space<vmem>>) target_semaphore(%arg10 : memref<!tpu.dma_semaphore, #tpu.memory_space<semaphore_mem>>)
    %dma_start3A_22 = tpu.memref_slice %arg3[%add3A_14] : memref<320000xi32, #tpu.memory_space<hbm>> -> memref<128xi32, #tpu.memory_space<hbm>>
    %dma_start3A_23 = tpu.memref_slice %arg3[%add3A_14] : memref<320000xi32, #tpu.memory_space<hbm>> -> memref<128xi32, #tpu.memory_space<hbm>>
    tpu.enqueue_dma source(%dma_start3A_23 : memref<128xi32, #tpu.memory_space<hbm>>) target(%arg7 : memref<128xi32, #tpu.memory_space<vmem>>) target_semaphore(%arg11 : memref<!tpu.dma_semaphore, #tpu.memory_space<semaphore_mem>>)
    %dma_start3A_24 = arith.constant 0 : i32
    %dma_start3A_25 = tpu.memref_slice %arg2[%add3A_16, %dma_start3A_24] : memref<160000x128xf32, #tpu.memory_space<hbm>> -> memref<128x128xf32, #tpu.memory_space<hbm>>
    %dma_start3A_26 = arith.constant 0 : i32
    %dma_start3A_27 = tpu.memref_slice %arg2[%add3A_16, %dma_start3A_26] : memref<160000x128xf32, #tpu.memory_space<hbm>> -> memref<128x128xf32, #tpu.memory_space<hbm>>
    tpu.enqueue_dma source(%dma_start3A_27 : memref<128x128xf32, #tpu.memory_space<hbm>>) target(%arg9 : memref<128x128xf32, #tpu.memory_space<vmem>>) target_semaphore(%arg11 : memref<!tpu.dma_semaphore, #tpu.memory_space<semaphore_mem>>)
    %scan3A = arith.constant 0 : i32
    %scan3A_28 = arith.constant 19 : i32
    %scan3A_29 = arith.addi %scan3A, %scan3A_28 : i32
    %scan3A_30 = arith.constant 1 : i32
    scf.for %scan3A_61 = %scan3A to %scan3A_29 step %scan3A_30  : i32 {
      %mul3A_62 = arith.constant 2 : i32
      %mul3A_63 = arith.muli %scan3A_61, %mul3A_62 : i32
      %add3A_64 = arith.constant 0 : i32
      %add3A_65 = arith.addi %add3A_64, %mul3A_63 : i32
      %add3A_66 = arith.constant 0 : i32
      %add3A_67 = arith.addi %add3A_65, %add3A_66 : i32
      %mul3A_68 = arith.constant 128 : i32
      %mul3A_69 = arith.muli %add3A_67, %mul3A_68 : i32
      %add3A_70 = arith.addi %add3A_4, %mul3A_69 : i32
      %mul3A_71 = arith.constant 128 : i32
      %mul3A_72 = arith.muli %add3A_67, %mul3A_71 : i32
      %add3A_73 = arith.addi %mul3A_6, %mul3A_72 : i32
      %dma_wait3A_74 = tpu.memref_slice %arg3[%add3A_70] : memref<320000xi32, #tpu.memory_space<hbm>> -> memref<128xi32, #tpu.memory_space<hbm>>
      %dma_wait3A_75 = tpu.memref_slice %arg3[%add3A_70] : memref<320000xi32, #tpu.memory_space<hbm>> -> memref<128xi32, #tpu.memory_space<hbm>>
      tpu.wait_dma2 semaphore(%arg10 : memref<!tpu.dma_semaphore, #tpu.memory_space<semaphore_mem>>) src(%dma_wait3A_75 : memref<128xi32, #tpu.memory_space<hbm>>) dst(%arg6 : memref<128xi32, #tpu.memory_space<vmem>>)
      %dma_wait3A_76 = arith.constant 0 : i32
      %dma_wait3A_77 = tpu.memref_slice %arg2[%add3A_73, %dma_wait3A_76] : memref<160000x128xf32, #tpu.memory_space<hbm>> -> memref<128x128xf32, #tpu.memory_space<hbm>>
      %dma_wait3A_78 = arith.constant 0 : i32
      %dma_wait3A_79 = tpu.memref_slice %arg2[%add3A_73, %dma_wait3A_78] : memref<160000x128xf32, #tpu.memory_space<hbm>> -> memref<128x128xf32, #tpu.memory_space<hbm>>
      tpu.wait_dma2 semaphore(%arg10 : memref<!tpu.dma_semaphore, #tpu.memory_space<semaphore_mem>>) src(%dma_wait3A_79 : memref<128x128xf32, #tpu.memory_space<hbm>>) dst(%arg8 : memref<128x128xf32, #tpu.memory_space<vmem>>)
      "tpu.region"() ({
        %run_scoped3A = tpu.sem_alloc : memref<!tpu.dma_semaphore, #tpu.memory_space<semaphore_mem>>
        %dma_start3A_125 = arith.constant 0 : i32
        %dma_start3A_126 = arith.constant 0 : i32
        %dma_start3A_127 = tpu.memref_slice %arg13[%dma_start3A_125, %dma_start3A_126] : memref<10000x128xf32, #tpu.memory_space<vmem_shared>> -> memref<10000x128xf32, #tpu.memory_space<vmem_shared>>
        tpu.enqueue_indirect_dma source(%arg8 : memref<128x128xf32, #tpu.memory_space<vmem>>) target(%dma_start3A_127 : memref<10000x128xf32, #tpu.memory_space<vmem_shared>>) offsets(%arg6 : memref<128xi32, #tpu.memory_space<vmem>>) semaphore(%run_scoped3A : memref<!tpu.dma_semaphore, #tpu.memory_space<semaphore_mem>>) {add = true}
        %dma_wait3A_128 = arith.constant 0 : i32
        %dma_wait3A_129 = arith.constant 0 : i32
        %dma_wait3A_130 = tpu.memref_slice %arg13[%dma_wait3A_128, %dma_wait3A_129] : memref<10000x128xf32, #tpu.memory_space<vmem_shared>> -> memref<10000x128xf32, #tpu.memory_space<vmem_shared>>
        tpu.wait_indirect_dma semaphore(%run_scoped3A : memref<!tpu.dma_semaphore, #tpu.memory_space<semaphore_mem>>) src(%arg8 : memref<128x128xf32, #tpu.memory_space<vmem>>) dst(%dma_wait3A_130 : memref<10000x128xf32, #tpu.memory_space<vmem_shared>>)
        tpu.yield
      }) : () -> ()
      %add3A_80 = arith.constant 2 : i32
      %add3A_81 = arith.addi %add3A_67, %add3A_80 : i32
      %min3A = arith.constant 38 : i32
      %min3A_82 = arith.minsi %add3A_81, %min3A : i32
      %mul3A_83 = arith.constant 128 : i32
      %mul3A_84 = arith.muli %min3A_82, %mul3A_83 : i32
      %add3A_85 = arith.addi %add3A_4, %mul3A_84 : i32
      %mul3A_86 = arith.constant 128 : i32
      %mul3A_87 = arith.muli %min3A_82, %mul3A_86 : i32
      %add3A_88 = arith.addi %mul3A_6, %mul3A_87 : i32
      %dma_start3A_89 = tpu.memref_slice %arg3[%add3A_85] : memref<320000xi32, #tpu.memory_space<hbm>> -> memref<128xi32, #tpu.memory_space<hbm>>
      %dma_start3A_90 = tpu.memref_slice %arg3[%add3A_85] : memref<320000xi32, #tpu.memory_space<hbm>> -> memref<128xi32, #tpu.memory_space<hbm>>
      tpu.enqueue_dma source(%dma_start3A_90 : memref<128xi32, #tpu.memory_space<hbm>>) target(%arg6 : memref<128xi32, #tpu.memory_space<vmem>>) target_semaphore(%arg10 : memref<!tpu.dma_semaphore, #tpu.memory_space<semaphore_mem>>)
      %dma_start3A_91 = arith.constant 0 : i32
      %dma_start3A_92 = tpu.memref_slice %arg2[%add3A_88, %dma_start3A_91] : memref<160000x128xf32, #tpu.memory_space<hbm>> -> memref<128x128xf32, #tpu.memory_space<hbm>>
      %dma_start3A_93 = arith.constant 0 : i32
      %dma_start3A_94 = tpu.memref_slice %arg2[%add3A_88, %dma_start3A_93] : memref<160000x128xf32, #tpu.memory_space<hbm>> -> memref<128x128xf32, #tpu.memory_space<hbm>>
      tpu.enqueue_dma source(%dma_start3A_94 : memref<128x128xf32, #tpu.memory_space<hbm>>) target(%arg8 : memref<128x128xf32, #tpu.memory_space<vmem>>) target_semaphore(%arg10 : memref<!tpu.dma_semaphore, #tpu.memory_space<semaphore_mem>>)
      %add3A_95 = arith.constant 1 : i32
      %add3A_96 = arith.addi %add3A_65, %add3A_95 : i32
      %mul3A_97 = arith.constant 128 : i32
      %mul3A_98 = arith.muli %add3A_96, %mul3A_97 : i32
      %add3A_99 = arith.addi %add3A_4, %mul3A_98 : i32
      %mul3A_100 = arith.constant 128 : i32
      %mul3A_101 = arith.muli %add3A_96, %mul3A_100 : i32
      %add3A_102 = arith.addi %mul3A_6, %mul3A_101 : i32
      %dma_wait3A_103 = tpu.memref_slice %arg3[%add3A_99] : memref<320000xi32, #tpu.memory_space<hbm>> -> memref<128xi32, #tpu.memory_space<hbm>>
      %dma_wait3A_104 = tpu.memref_slice %arg3[%add3A_99] : memref<320000xi32, #tpu.memory_space<hbm>> -> memref<128xi32, #tpu.memory_space<hbm>>
      tpu.wait_dma2 semaphore(%arg11 : memref<!tpu.dma_semaphore, #tpu.memory_space<semaphore_mem>>) src(%dma_wait3A_104 : memref<128xi32, #tpu.memory_space<hbm>>) dst(%arg7 : memref<128xi32, #tpu.memory_space<vmem>>)
      %dma_wait3A_105 = arith.constant 0 : i32
      %dma_wait3A_106 = tpu.memref_slice %arg2[%add3A_102, %dma_wait3A_105] : memref<160000x128xf32, #tpu.memory_space<hbm>> -> memref<128x128xf32, #tpu.memory_space<hbm>>
      %dma_wait3A_107 = arith.constant 0 : i32
      %dma_wait3A_108 = tpu.memref_slice %arg2[%add3A_102, %dma_wait3A_107] : memref<160000x128xf32, #tpu.memory_space<hbm>> -> memref<128x128xf32, #tpu.memory_space<hbm>>
      tpu.wait_dma2 semaphore(%arg11 : memref<!tpu.dma_semaphore, #tpu.memory_space<semaphore_mem>>) src(%dma_wait3A_108 : memref<128x128xf32, #tpu.memory_space<hbm>>) dst(%arg9 : memref<128x128xf32, #tpu.memory_space<vmem>>)
      "tpu.region"() ({
        %run_scoped3A = tpu.sem_alloc : memref<!tpu.dma_semaphore, #tpu.memory_space<semaphore_mem>>
        %dma_start3A_125 = arith.constant 0 : i32
        %dma_start3A_126 = arith.constant 0 : i32
        %dma_start3A_127 = tpu.memref_slice %arg13[%dma_start3A_125, %dma_start3A_126] : memref<10000x128xf32, #tpu.memory_space<vmem_shared>> -> memref<10000x128xf32, #tpu.memory_space<vmem_shared>>
        tpu.enqueue_indirect_dma source(%arg9 : memref<128x128xf32, #tpu.memory_space<vmem>>) target(%dma_start3A_127 : memref<10000x128xf32, #tpu.memory_space<vmem_shared>>) offsets(%arg7 : memref<128xi32, #tpu.memory_space<vmem>>) semaphore(%run_scoped3A : memref<!tpu.dma_semaphore, #tpu.memory_space<semaphore_mem>>) {add = true}
        %dma_wait3A_128 = arith.constant 0 : i32
        %dma_wait3A_129 = arith.constant 0 : i32
        %dma_wait3A_130 = tpu.memref_slice %arg13[%dma_wait3A_128, %dma_wait3A_129] : memref<10000x128xf32, #tpu.memory_space<vmem_shared>> -> memref<10000x128xf32, #tpu.memory_space<vmem_shared>>
        tpu.wait_indirect_dma semaphore(%run_scoped3A : memref<!tpu.dma_semaphore, #tpu.memory_space<semaphore_mem>>) src(%arg9 : memref<128x128xf32, #tpu.memory_space<vmem>>) dst(%dma_wait3A_130 : memref<10000x128xf32, #tpu.memory_space<vmem_shared>>)
        tpu.yield
      }) : () -> ()
      %add3A_109 = arith.constant 2 : i32
      %add3A_110 = arith.addi %add3A_96, %add3A_109 : i32
      %min3A_111 = arith.constant 38 : i32
      %min3A_112 = arith.minsi %add3A_110, %min3A_111 : i32
      %mul3A_113 = arith.constant 128 : i32
      %mul3A_114 = arith.muli %min3A_112, %mul3A_113 : i32
      %add3A_115 = arith.addi %add3A_4, %mul3A_114 : i32
      %mul3A_116 = arith.constant 128 : i32
      %mul3A_117 = arith.muli %min3A_112, %mul3A_116 : i32
      %add3A_118 = arith.addi %mul3A_6, %mul3A_117 : i32
      %dma_start3A_119 = tpu.memref_slice %arg3[%add3A_115] : memref<320000xi32, #tpu.memory_space<hbm>> -> memref<128xi32, #tpu.memory_space<hbm>>
      %dma_start3A_120 = tpu.memref_slice %arg3[%add3A_115] : memref<320000xi32, #tpu.memory_space<hbm>> -> memref<128xi32, #tpu.memory_space<hbm>>
      tpu.enqueue_dma source(%dma_start3A_120 : memref<128xi32, #tpu.memory_space<hbm>>) target(%arg7 : memref<128xi32, #tpu.memory_space<vmem>>) target_semaphore(%arg11 : memref<!tpu.dma_semaphore, #tpu.memory_space<semaphore_mem>>)
      %dma_start3A_121 = arith.constant 0 : i32
      %dma_start3A_122 = tpu.memref_slice %arg2[%add3A_118, %dma_start3A_121] : memref<160000x128xf32, #tpu.memory_space<hbm>> -> memref<128x128xf32, #tpu.memory_space<hbm>>
      %dma_start3A_123 = arith.constant 0 : i32
      %dma_start3A_124 = tpu.memref_slice %arg2[%add3A_118, %dma_start3A_123] : memref<160000x128xf32, #tpu.memory_space<hbm>> -> memref<128x128xf32, #tpu.memory_space<hbm>>
      tpu.enqueue_dma source(%dma_start3A_124 : memref<128x128xf32, #tpu.memory_space<hbm>>) target(%arg9 : memref<128x128xf32, #tpu.memory_space<vmem>>) target_semaphore(%arg11 : memref<!tpu.dma_semaphore, #tpu.memory_space<semaphore_mem>>)
    }
    %scan3A_31 = arith.constant 19 : i32
    %add3A_32 = arith.constant 4864 : i32
    %add3A_33 = arith.addi %add3A_4, %add3A_32 : i32
    %add3A_34 = arith.constant 4864 : i32
    %add3A_35 = arith.addi %mul3A_6, %add3A_34 : i32
    %dma_wait3A = tpu.memref_slice %arg3[%add3A_33] : memref<320000xi32, #tpu.memory_space<hbm>> -> memref<128xi32, #tpu.memory_space<hbm>>
    %dma_wait3A_36 = tpu.memref_slice %arg3[%add3A_33] : memref<320000xi32, #tpu.memory_space<hbm>> -> memref<128xi32, #tpu.memory_space<hbm>>
    tpu.wait_dma2 semaphore(%arg10 : memref<!tpu.dma_semaphore, #tpu.memory_space<semaphore_mem>>) src(%dma_wait3A_36 : memref<128xi32, #tpu.memory_space<hbm>>) dst(%arg6 : memref<128xi32, #tpu.memory_space<vmem>>)
    %dma_wait3A_37 = arith.constant 0 : i32
    %dma_wait3A_38 = tpu.memref_slice %arg2[%add3A_35, %dma_wait3A_37] : memref<160000x128xf32, #tpu.memory_space<hbm>> -> memref<128x128xf32, #tpu.memory_space<hbm>>
    %dma_wait3A_39 = arith.constant 0 : i32
    %dma_wait3A_40 = tpu.memref_slice %arg2[%add3A_35, %dma_wait3A_39] : memref<160000x128xf32, #tpu.memory_space<hbm>> -> memref<128x128xf32, #tpu.memory_space<hbm>>
    tpu.wait_dma2 semaphore(%arg10 : memref<!tpu.dma_semaphore, #tpu.memory_space<semaphore_mem>>) src(%dma_wait3A_40 : memref<128x128xf32, #tpu.memory_space<hbm>>) dst(%arg8 : memref<128x128xf32, #tpu.memory_space<vmem>>)
    "tpu.region"() ({
      %run_scoped3A = tpu.sem_alloc : memref<!tpu.dma_semaphore, #tpu.memory_space<semaphore_mem>>
      %dma_start3A_61 = arith.constant 0 : i32
      %dma_start3A_62 = arith.constant 0 : i32
      %dma_start3A_63 = tpu.memref_slice %arg13[%dma_start3A_61, %dma_start3A_62] : memref<10000x128xf32, #tpu.memory_space<vmem_shared>> -> memref<10000x128xf32, #tpu.memory_space<vmem_shared>>
      tpu.enqueue_indirect_dma source(%arg8 : memref<128x128xf32, #tpu.memory_space<vmem>>) target(%dma_start3A_63 : memref<10000x128xf32, #tpu.memory_space<vmem_shared>>) offsets(%arg6 : memref<128xi32, #tpu.memory_space<vmem>>) semaphore(%run_scoped3A : memref<!tpu.dma_semaphore, #tpu.memory_space<semaphore_mem>>) {add = true}
      %dma_wait3A_64 = arith.constant 0 : i32
      %dma_wait3A_65 = arith.constant 0 : i32
      %dma_wait3A_66 = tpu.memref_slice %arg13[%dma_wait3A_64, %dma_wait3A_65] : memref<10000x128xf32, #tpu.memory_space<vmem_shared>> -> memref<10000x128xf32, #tpu.memory_space<vmem_shared>>
      tpu.wait_indirect_dma semaphore(%run_scoped3A : memref<!tpu.dma_semaphore, #tpu.memory_space<semaphore_mem>>) src(%arg8 : memref<128x128xf32, #tpu.memory_space<vmem>>) dst(%dma_wait3A_66 : memref<10000x128xf32, #tpu.memory_space<vmem_shared>>)
      tpu.yield
    }) : () -> ()
    %add3A_41 = arith.constant 4864 : i32
    %add3A_42 = arith.addi %add3A_4, %add3A_41 : i32
    %add3A_43 = arith.constant 4864 : i32
    %add3A_44 = arith.addi %mul3A_6, %add3A_43 : i32
    %dma_wait3A_45 = tpu.memref_slice %arg3[%add3A_42] : memref<320000xi32, #tpu.memory_space<hbm>> -> memref<128xi32, #tpu.memory_space<hbm>>
    %dma_wait3A_46 = tpu.memref_slice %arg3[%add3A_42] : memref<320000xi32, #tpu.memory_space<hbm>> -> memref<128xi32, #tpu.memory_space<hbm>>
    tpu.wait_dma2 semaphore(%arg11 : memref<!tpu.dma_semaphore, #tpu.memory_space<semaphore_mem>>) src(%dma_wait3A_46 : memref<128xi32, #tpu.memory_space<hbm>>) dst(%arg7 : memref<128xi32, #tpu.memory_space<vmem>>)
    %dma_wait3A_47 = arith.constant 0 : i32
    %dma_wait3A_48 = tpu.memref_slice %arg2[%add3A_44, %dma_wait3A_47] : memref<160000x128xf32, #tpu.memory_space<hbm>> -> memref<128x128xf32, #tpu.memory_space<hbm>>
    %dma_wait3A_49 = arith.constant 0 : i32
    %dma_wait3A_50 = tpu.memref_slice %arg2[%add3A_44, %dma_wait3A_49] : memref<160000x128xf32, #tpu.memory_space<hbm>> -> memref<128x128xf32, #tpu.memory_space<hbm>>
    tpu.wait_dma2 semaphore(%arg11 : memref<!tpu.dma_semaphore, #tpu.memory_space<semaphore_mem>>) src(%dma_wait3A_50 : memref<128x128xf32, #tpu.memory_space<hbm>>) dst(%arg9 : memref<128x128xf32, #tpu.memory_space<vmem>>)
    %add3A_51 = arith.constant 4992 : i32
    %add3A_52 = arith.addi %add3A_4, %add3A_51 : i32
    %add3A_53 = arith.constant 4992 : i32
    %add3A_54 = arith.addi %mul3A_6, %add3A_53 : i32
    "tpu.region"() ({
      %run_scoped3A = tpu.sem_alloc : memref<!tpu.dma_semaphore, #tpu.memory_space<semaphore_mem>>
      %dma_start3A_61 = arith.constant 0 : i32
      %dma_start3A_62 = tpu.memref_slice %arg12[%dma_start3A_61] : memref<8xi32, #tpu.memory_space<vmem>> -> memref<8xi32, #tpu.memory_space<vmem>>
      %dma_start3A_63 = tpu.memref_slice %arg3[%add3A_52] : memref<320000xi32, #tpu.memory_space<hbm>> -> memref<8xi32, #tpu.memory_space<hbm>>
      %dma_start3A_64 = arith.constant 0 : i32
      %dma_start3A_65 = tpu.memref_slice %arg12[%dma_start3A_64] : memref<8xi32, #tpu.memory_space<vmem>> -> memref<8xi32, #tpu.memory_space<vmem>>
      %dma_start3A_66 = tpu.memref_slice %arg3[%add3A_52] : memref<320000xi32, #tpu.memory_space<hbm>> -> memref<8xi32, #tpu.memory_space<hbm>>
      tpu.enqueue_dma source(%dma_start3A_66 : memref<8xi32, #tpu.memory_space<hbm>>) target(%dma_start3A_65 : memref<8xi32, #tpu.memory_space<vmem>>) target_semaphore(%run_scoped3A : memref<!tpu.dma_semaphore, #tpu.memory_space<semaphore_mem>>)
      %dma_wait3A_67 = arith.constant 0 : i32
      %dma_wait3A_68 = tpu.memref_slice %arg12[%dma_wait3A_67] : memref<8xi32, #tpu.memory_space<vmem>> -> memref<8xi32, #tpu.memory_space<vmem>>
      %dma_wait3A_69 = tpu.memref_slice %arg3[%add3A_52] : memref<320000xi32, #tpu.memory_space<hbm>> -> memref<8xi32, #tpu.memory_space<hbm>>
      %dma_wait3A_70 = arith.constant 0 : i32
      %dma_wait3A_71 = tpu.memref_slice %arg12[%dma_wait3A_70] : memref<8xi32, #tpu.memory_space<vmem>> -> memref<8xi32, #tpu.memory_space<vmem>>
      %dma_wait3A_72 = tpu.memref_slice %arg3[%add3A_52] : memref<320000xi32, #tpu.memory_space<hbm>> -> memref<8xi32, #tpu.memory_space<hbm>>
      tpu.wait_dma2 semaphore(%run_scoped3A : memref<!tpu.dma_semaphore, #tpu.memory_space<semaphore_mem>>) src(%dma_wait3A_72 : memref<8xi32, #tpu.memory_space<hbm>>) dst(%dma_wait3A_71 : memref<8xi32, #tpu.memory_space<vmem>>)
      tpu.yield
    }) : () -> ()
    "tpu.region"() ({
      %run_scoped3A = tpu.sem_alloc : memref<!tpu.dma_semaphore, #tpu.memory_space<semaphore_mem>>
      %dma_start3A_61 = arith.constant 0 : i32
      %dma_start3A_62 = arith.constant 0 : i32
      %dma_start3A_63 = tpu.memref_slice %arg8[%dma_start3A_61, %dma_start3A_62] : memref<128x128xf32, #tpu.memory_space<vmem>> -> memref<8x128xf32, #tpu.memory_space<vmem>>
      %dma_start3A_64 = arith.constant 0 : i32
      %dma_start3A_65 = tpu.memref_slice %arg2[%add3A_54, %dma_start3A_64] : memref<160000x128xf32, #tpu.memory_space<hbm>> -> memref<8x128xf32, #tpu.memory_space<hbm>>
      %dma_start3A_66 = arith.constant 0 : i32
      %dma_start3A_67 = arith.constant 0 : i32
      %dma_start3A_68 = tpu.memref_slice %arg8[%dma_start3A_66, %dma_start3A_67] : memref<128x128xf32, #tpu.memory_space<vmem>> -> memref<8x128xf32, #tpu.memory_space<vmem>>
      %dma_start3A_69 = arith.constant 0 : i32
      %dma_start3A_70 = tpu.memref_slice %arg2[%add3A_54, %dma_start3A_69] : memref<160000x128xf32, #tpu.memory_space<hbm>> -> memref<8x128xf32, #tpu.memory_space<hbm>>
      tpu.enqueue_dma source(%dma_start3A_70 : memref<8x128xf32, #tpu.memory_space<hbm>>) target(%dma_start3A_68 : memref<8x128xf32, #tpu.memory_space<vmem>>) target_semaphore(%run_scoped3A : memref<!tpu.dma_semaphore, #tpu.memory_space<semaphore_mem>>)
      %dma_wait3A_71 = arith.constant 0 : i32
      %dma_wait3A_72 = arith.constant 0 : i32
      %dma_wait3A_73 = tpu.memref_slice %arg8[%dma_wait3A_71, %dma_wait3A_72] : memref<128x128xf32, #tpu.memory_space<vmem>> -> memref<8x128xf32, #tpu.memory_space<vmem>>
      %dma_wait3A_74 = arith.constant 0 : i32
      %dma_wait3A_75 = tpu.memref_slice %arg2[%add3A_54, %dma_wait3A_74] : memref<160000x128xf32, #tpu.memory_space<hbm>> -> memref<8x128xf32, #tpu.memory_space<hbm>>
      %dma_wait3A_76 = arith.constant 0 : i32
      %dma_wait3A_77 = arith.constant 0 : i32
      %dma_wait3A_78 = tpu.memref_slice %arg8[%dma_wait3A_76, %dma_wait3A_77] : memref<128x128xf32, #tpu.memory_space<vmem>> -> memref<8x128xf32, #tpu.memory_space<vmem>>
      %dma_wait3A_79 = arith.constant 0 : i32
      %dma_wait3A_80 = tpu.memref_slice %arg2[%add3A_54, %dma_wait3A_79] : memref<160000x128xf32, #tpu.memory_space<hbm>> -> memref<8x128xf32, #tpu.memory_space<hbm>>
      tpu.wait_dma2 semaphore(%run_scoped3A : memref<!tpu.dma_semaphore, #tpu.memory_space<semaphore_mem>>) src(%dma_wait3A_80 : memref<8x128xf32, #tpu.memory_space<hbm>>) dst(%dma_wait3A_78 : memref<8x128xf32, #tpu.memory_space<vmem>>)
      tpu.yield
    }) : () -> ()
    "tpu.region"() ({
      %run_scoped3A = tpu.sem_alloc : memref<!tpu.dma_semaphore, #tpu.memory_space<semaphore_mem>>
      %dma_start3A_61 = arith.constant 0 : i32
      %dma_start3A_62 = arith.constant 0 : i32
      %dma_start3A_63 = tpu.memref_slice %arg8[%dma_start3A_61, %dma_start3A_62] : memref<128x128xf32, #tpu.memory_space<vmem>> -> memref<8x128xf32, #tpu.memory_space<vmem>>
      %dma_start3A_64 = arith.constant 0 : i32
      %dma_start3A_65 = tpu.memref_slice %arg12[%dma_start3A_64] : memref<8xi32, #tpu.memory_space<vmem>> -> memref<8xi32, #tpu.memory_space<vmem>>
      %dma_start3A_66 = arith.constant 0 : i32
      %dma_start3A_67 = arith.constant 0 : i32
      %dma_start3A_68 = tpu.memref_slice %arg13[%dma_start3A_66, %dma_start3A_67] : memref<10000x128xf32, #tpu.memory_space<vmem_shared>> -> memref<10000x128xf32, #tpu.memory_space<vmem_shared>>
      tpu.enqueue_indirect_dma source(%dma_start3A_63 : memref<8x128xf32, #tpu.memory_space<vmem>>) target(%dma_start3A_68 : memref<10000x128xf32, #tpu.memory_space<vmem_shared>>) offsets(%dma_start3A_65 : memref<8xi32, #tpu.memory_space<vmem>>) semaphore(%run_scoped3A : memref<!tpu.dma_semaphore, #tpu.memory_space<semaphore_mem>>) {add = true}
      %dma_wait3A_69 = arith.constant 0 : i32
      %dma_wait3A_70 = arith.constant 0 : i32
      %dma_wait3A_71 = tpu.memref_slice %arg8[%dma_wait3A_69, %dma_wait3A_70] : memref<128x128xf32, #tpu.memory_space<vmem>> -> memref<8x128xf32, #tpu.memory_space<vmem>>
      %dma_wait3A_72 = arith.constant 0 : i32
      %dma_wait3A_73 = tpu.memref_slice %arg12[%dma_wait3A_72] : memref<8xi32, #tpu.memory_space<vmem>> -> memref<8xi32, #tpu.memory_space<vmem>>
      %dma_wait3A_74 = arith.constant 0 : i32
      %dma_wait3A_75 = arith.constant 0 : i32
      %dma_wait3A_76 = tpu.memref_slice %arg13[%dma_wait3A_74, %dma_wait3A_75] : memref<10000x128xf32, #tpu.memory_space<vmem_shared>> -> memref<10000x128xf32, #tpu.memory_space<vmem_shared>>
      tpu.wait_indirect_dma semaphore(%run_scoped3A : memref<!tpu.dma_semaphore, #tpu.memory_space<semaphore_mem>>) src(%dma_wait3A_71 : memref<8x128xf32, #tpu.memory_space<vmem>>) dst(%dma_wait3A_76 : memref<10000x128xf32, #tpu.memory_space<vmem_shared>>)
      tpu.yield
    }) : () -> ()
    %barrier3A_55 = arith.constant 0 : index
    tpu.barrier barrier_id(%barrier3A_55)
    %eq3A_56 = arith.constant 0 : i32
    %eq3A_57 = arith.cmpi eq, %arg1, %eq3A_56 : i32
    %convert_element_type3A_58 = arith.extui %eq3A_57 : i1 to i32
    %cond3A_59 = arith.constant 0 : i32
    %cond3A_60 = arith.cmpi ne, %convert_element_type3A_58, %cond3A_59 : i32
    scf.if %cond3A_60 {
      "tpu.region"() ({
        %run_scoped3A = tpu.sem_alloc : memref<!tpu.dma_semaphore, #tpu.memory_space<semaphore_mem>>
        %dma_start3A_61 = arith.constant 0 : i32
        %dma_start3A_62 = arith.constant 0 : i32
        %dma_start3A_63 = tpu.memref_slice %arg5[%arg0, %dma_start3A_61, %dma_start3A_62] : memref<2x10000x128xf32, #tpu.memory_space<hbm>> -> memref<1x10000x128xf32, #tpu.memory_space<hbm>>
        %dma_start3A_64 = tpu.memref_squeeze %dma_start3A_63 : memref<1x10000x128xf32, #tpu.memory_space<hbm>> -> memref<10000x128xf32, #tpu.memory_space<hbm>>
        tpu.enqueue_dma source(%arg13 : memref<10000x128xf32, #tpu.memory_space<vmem_shared>>) target(%dma_start3A_64 : memref<10000x128xf32, #tpu.memory_space<hbm>>) target_semaphore(%run_scoped3A : memref<!tpu.dma_semaphore, #tpu.memory_space<semaphore_mem>>)
        %dma_wait3A_65 = arith.constant 0 : i32
        %dma_wait3A_66 = arith.constant 0 : i32
        %dma_wait3A_67 = tpu.memref_slice %arg5[%arg0, %dma_wait3A_65, %dma_wait3A_66] : memref<2x10000x128xf32, #tpu.memory_space<hbm>> -> memref<1x10000x128xf32, #tpu.memory_space<hbm>>
        %dma_wait3A_68 = tpu.memref_squeeze %dma_wait3A_67 : memref<1x10000x128xf32, #tpu.memory_space<hbm>> -> memref<10000x128xf32, #tpu.memory_space<hbm>>
        tpu.wait_dma2 semaphore(%run_scoped3A : memref<!tpu.dma_semaphore, #tpu.memory_space<semaphore_mem>>) src(%arg13 : memref<10000x128xf32, #tpu.memory_space<vmem_shared>>) dst(%dma_wait3A_68 : memref<10000x128xf32, #tpu.memory_space<hbm>>)
        tpu.yield
      }) : () -> ()
    } else {
    }
    return
  }
}

#map = affine_map<(d0, d1) -> (0, 0)>
#map1 = affine_map<(d0, d1) -> (0)>
module attributes {stable_mosaic.version = 14 : i64} {
  func.func @_gather(%arg0: i32, %arg1: i32, %arg2: memref<10000x128xi32, #tpu.memory_space<hbm>>, %arg3: memref<320000xi32, #tpu.memory_space<hbm>>, %arg4: memref<160000x128xi32, #tpu.memory_space<hbm>>, %arg5: memref<128xi32, #tpu.memory_space<vmem>>, %arg6: memref<128xi32, #tpu.memory_space<vmem>>, %arg7: memref<128x128xi32, #tpu.memory_space<vmem>>, %arg8: memref<128x128xi32, #tpu.memory_space<vmem>>, %arg9: memref<!tpu.dma_semaphore, #tpu.memory_space<semaphore_mem>>, %arg10: memref<!tpu.dma_semaphore, #tpu.memory_space<semaphore_mem>>, %arg11: memref<!tpu.dma_semaphore, #tpu.memory_space<semaphore_mem>>, %arg12: memref<!tpu.dma_semaphore, #tpu.memory_space<semaphore_mem>>) attributes {dimension_semantics = [#tpu.dimension_semantics<core_parallel>, #tpu.dimension_semantics<subcore_parallel>], iteration_bounds = array<i64: 2, 16>, scalar_prefetch = 0 : i64, scratch_operands = 8 : i64, tpu.core_type = #tpu.core_type<sc_vector_subcore>, window_params = [{transform_indices = #map}, {transform_indices = #map1}, {transform_indices = #map}]} {
    %mul3A = arith.constant 16 : i32
    %mul3A_0 = arith.muli %arg0, %mul3A : i32
    %add3A = arith.addi %mul3A_0, %arg1 : i32
    %mul3A_1 = arith.constant 5000 : i32
    %mul3A_2 = arith.muli %add3A, %mul3A_1 : i32
    %add3A_3 = arith.constant 160000 : i32
    %add3A_4 = arith.addi %add3A_3, %mul3A_2 : i32
    %mul3A_5 = arith.constant 5000 : i32
    %mul3A_6 = arith.muli %add3A, %mul3A_5 : i32
    %add3A_7 = arith.constant 0 : i32
    %add3A_8 = arith.addi %add3A_4, %add3A_7 : i32
    %dma_start3A = tpu.memref_slice %arg3[%add3A_8] : memref<320000xi32, #tpu.memory_space<hbm>> -> memref<128xi32, #tpu.memory_space<hbm>>
    %dma_start3A_9 = tpu.memref_slice %arg3[%add3A_8] : memref<320000xi32, #tpu.memory_space<hbm>> -> memref<128xi32, #tpu.memory_space<hbm>>
    tpu.enqueue_dma source(%dma_start3A_9 : memref<128xi32, #tpu.memory_space<hbm>>) target(%arg5 : memref<128xi32, #tpu.memory_space<vmem>>) target_semaphore(%arg9 : memref<!tpu.dma_semaphore, #tpu.memory_space<semaphore_mem>>)
    %add3A_10 = arith.constant 128 : i32
    %add3A_11 = arith.addi %add3A_4, %add3A_10 : i32
    %dma_start3A_12 = tpu.memref_slice %arg3[%add3A_11] : memref<320000xi32, #tpu.memory_space<hbm>> -> memref<128xi32, #tpu.memory_space<hbm>>
    %dma_start3A_13 = tpu.memref_slice %arg3[%add3A_11] : memref<320000xi32, #tpu.memory_space<hbm>> -> memref<128xi32, #tpu.memory_space<hbm>>
    tpu.enqueue_dma source(%dma_start3A_13 : memref<128xi32, #tpu.memory_space<hbm>>) target(%arg6 : memref<128xi32, #tpu.memory_space<vmem>>) target_semaphore(%arg10 : memref<!tpu.dma_semaphore, #tpu.memory_space<semaphore_mem>>)
    %add3A_14 = arith.constant 0 : i32
    %add3A_15 = arith.addi %mul3A_6, %add3A_14 : i32
    %dma_start3A_16 = arith.constant 0 : i32
    %dma_start3A_17 = tpu.memref_slice %arg4[%add3A_15, %dma_start3A_16] : memref<160000x128xi32, #tpu.memory_space<hbm>> -> memref<128x128xi32, #tpu.memory_space<hbm>>
    %dma_start3A_18 = arith.constant 0 : i32
    %dma_start3A_19 = tpu.memref_slice %arg4[%add3A_15, %dma_start3A_18] : memref<160000x128xi32, #tpu.memory_space<hbm>> -> memref<128x128xi32, #tpu.memory_space<hbm>>
    tpu.enqueue_dma source(%arg7 : memref<128x128xi32, #tpu.memory_space<vmem>>) target(%dma_start3A_19 : memref<128x128xi32, #tpu.memory_space<hbm>>) target_semaphore(%arg11 : memref<!tpu.dma_semaphore, #tpu.memory_space<semaphore_mem>>)
    %add3A_20 = arith.constant 128 : i32
    %add3A_21 = arith.addi %mul3A_6, %add3A_20 : i32
    %dma_start3A_22 = arith.constant 0 : i32
    %dma_start3A_23 = tpu.memref_slice %arg4[%add3A_21, %dma_start3A_22] : memref<160000x128xi32, #tpu.memory_space<hbm>> -> memref<128x128xi32, #tpu.memory_space<hbm>>
    %dma_start3A_24 = arith.constant 0 : i32
    %dma_start3A_25 = tpu.memref_slice %arg4[%add3A_21, %dma_start3A_24] : memref<160000x128xi32, #tpu.memory_space<hbm>> -> memref<128x128xi32, #tpu.memory_space<hbm>>
    tpu.enqueue_dma source(%arg8 : memref<128x128xi32, #tpu.memory_space<vmem>>) target(%dma_start3A_25 : memref<128x128xi32, #tpu.memory_space<hbm>>) target_semaphore(%arg12 : memref<!tpu.dma_semaphore, #tpu.memory_space<semaphore_mem>>)
    %scan3A = arith.constant 0 : i32
    %scan3A_26 = arith.constant 19 : i32
    %scan3A_27 = arith.addi %scan3A, %scan3A_26 : i32
    %scan3A_28 = arith.constant 1 : i32
    scf.for %scan3A_55 = %scan3A to %scan3A_27 step %scan3A_28  : i32 {
      %mul3A_56 = arith.constant 2 : i32
      %mul3A_57 = arith.muli %scan3A_55, %mul3A_56 : i32
      %add3A_58 = arith.constant 0 : i32
      %add3A_59 = arith.addi %add3A_58, %mul3A_57 : i32
      %add3A_60 = arith.constant 0 : i32
      %add3A_61 = arith.addi %add3A_59, %add3A_60 : i32
      %mul3A_62 = arith.constant 128 : i32
      %mul3A_63 = arith.muli %add3A_61, %mul3A_62 : i32
      %add3A_64 = arith.addi %add3A_4, %mul3A_63 : i32
      %dma_wait3A_65 = tpu.memref_slice %arg3[%add3A_64] : memref<320000xi32, #tpu.memory_space<hbm>> -> memref<128xi32, #tpu.memory_space<hbm>>
      %dma_wait3A_66 = tpu.memref_slice %arg3[%add3A_64] : memref<320000xi32, #tpu.memory_space<hbm>> -> memref<128xi32, #tpu.memory_space<hbm>>
      tpu.wait_dma2 semaphore(%arg9 : memref<!tpu.dma_semaphore, #tpu.memory_space<semaphore_mem>>) src(%dma_wait3A_66 : memref<128xi32, #tpu.memory_space<hbm>>) dst(%arg5 : memref<128xi32, #tpu.memory_space<vmem>>)
      %mul3A_67 = arith.constant 128 : i32
      %mul3A_68 = arith.muli %add3A_61, %mul3A_67 : i32
      %add3A_69 = arith.addi %mul3A_6, %mul3A_68 : i32
      %dma_wait3A_70 = arith.constant 0 : i32
      %dma_wait3A_71 = tpu.memref_slice %arg4[%add3A_69, %dma_wait3A_70] : memref<160000x128xi32, #tpu.memory_space<hbm>> -> memref<128x128xi32, #tpu.memory_space<hbm>>
      %dma_wait3A_72 = arith.constant 0 : i32
      %dma_wait3A_73 = tpu.memref_slice %arg4[%add3A_69, %dma_wait3A_72] : memref<160000x128xi32, #tpu.memory_space<hbm>> -> memref<128x128xi32, #tpu.memory_space<hbm>>
      tpu.wait_dma2 semaphore(%arg11 : memref<!tpu.dma_semaphore, #tpu.memory_space<semaphore_mem>>) src(%arg7 : memref<128x128xi32, #tpu.memory_space<vmem>>) dst(%dma_wait3A_73 : memref<128x128xi32, #tpu.memory_space<hbm>>)
      "tpu.region"() ({
        %run_scoped3A = tpu.sem_alloc : memref<!tpu.dma_semaphore, #tpu.memory_space<semaphore_mem>>
        %dma_start3A_119 = arith.constant 0 : i32
        %dma_start3A_120 = arith.constant 0 : i32
        %dma_start3A_121 = tpu.memref_slice %arg2[%dma_start3A_119, %dma_start3A_120] : memref<10000x128xi32, #tpu.memory_space<hbm>> -> memref<10000x128xi32, #tpu.memory_space<hbm>>
        tpu.enqueue_indirect_dma source(%dma_start3A_121 : memref<10000x128xi32, #tpu.memory_space<hbm>>) target(%arg7 : memref<128x128xi32, #tpu.memory_space<vmem>>) offsets(%arg5 : memref<128xi32, #tpu.memory_space<vmem>>) semaphore(%run_scoped3A : memref<!tpu.dma_semaphore, #tpu.memory_space<semaphore_mem>>)
        %dma_wait3A_122 = arith.constant 0 : i32
        %dma_wait3A_123 = arith.constant 0 : i32
        %dma_wait3A_124 = tpu.memref_slice %arg2[%dma_wait3A_122, %dma_wait3A_123] : memref<10000x128xi32, #tpu.memory_space<hbm>> -> memref<10000x128xi32, #tpu.memory_space<hbm>>
        tpu.wait_indirect_dma semaphore(%run_scoped3A : memref<!tpu.dma_semaphore, #tpu.memory_space<semaphore_mem>>) src(%dma_wait3A_124 : memref<10000x128xi32, #tpu.memory_space<hbm>>) dst(%arg7 : memref<128x128xi32, #tpu.memory_space<vmem>>)
        tpu.yield
      }) : () -> ()
      %add3A_74 = arith.constant 2 : i32
      %add3A_75 = arith.addi %add3A_61, %add3A_74 : i32
      %min3A = arith.constant 38 : i32
      %min3A_76 = arith.minsi %add3A_75, %min3A : i32
      %mul3A_77 = arith.constant 128 : i32
      %mul3A_78 = arith.muli %min3A_76, %mul3A_77 : i32
      %add3A_79 = arith.addi %add3A_4, %mul3A_78 : i32
      %dma_start3A_80 = tpu.memref_slice %arg3[%add3A_79] : memref<320000xi32, #tpu.memory_space<hbm>> -> memref<128xi32, #tpu.memory_space<hbm>>
      %dma_start3A_81 = tpu.memref_slice %arg3[%add3A_79] : memref<320000xi32, #tpu.memory_space<hbm>> -> memref<128xi32, #tpu.memory_space<hbm>>
      tpu.enqueue_dma source(%dma_start3A_81 : memref<128xi32, #tpu.memory_space<hbm>>) target(%arg5 : memref<128xi32, #tpu.memory_space<vmem>>) target_semaphore(%arg9 : memref<!tpu.dma_semaphore, #tpu.memory_space<semaphore_mem>>)
      %mul3A_82 = arith.constant 128 : i32
      %mul3A_83 = arith.muli %add3A_61, %mul3A_82 : i32
      %add3A_84 = arith.addi %mul3A_6, %mul3A_83 : i32
      %dma_start3A_85 = arith.constant 0 : i32
      %dma_start3A_86 = tpu.memref_slice %arg4[%add3A_84, %dma_start3A_85] : memref<160000x128xi32, #tpu.memory_space<hbm>> -> memref<128x128xi32, #tpu.memory_space<hbm>>
      %dma_start3A_87 = arith.constant 0 : i32
      %dma_start3A_88 = tpu.memref_slice %arg4[%add3A_84, %dma_start3A_87] : memref<160000x128xi32, #tpu.memory_space<hbm>> -> memref<128x128xi32, #tpu.memory_space<hbm>>
      tpu.enqueue_dma source(%arg7 : memref<128x128xi32, #tpu.memory_space<vmem>>) target(%dma_start3A_88 : memref<128x128xi32, #tpu.memory_space<hbm>>) target_semaphore(%arg11 : memref<!tpu.dma_semaphore, #tpu.memory_space<semaphore_mem>>)
      %add3A_89 = arith.constant 1 : i32
      %add3A_90 = arith.addi %add3A_59, %add3A_89 : i32
      %mul3A_91 = arith.constant 128 : i32
      %mul3A_92 = arith.muli %add3A_90, %mul3A_91 : i32
      %add3A_93 = arith.addi %add3A_4, %mul3A_92 : i32
      %dma_wait3A_94 = tpu.memref_slice %arg3[%add3A_93] : memref<320000xi32, #tpu.memory_space<hbm>> -> memref<128xi32, #tpu.memory_space<hbm>>
      %dma_wait3A_95 = tpu.memref_slice %arg3[%add3A_93] : memref<320000xi32, #tpu.memory_space<hbm>> -> memref<128xi32, #tpu.memory_space<hbm>>
      tpu.wait_dma2 semaphore(%arg10 : memref<!tpu.dma_semaphore, #tpu.memory_space<semaphore_mem>>) src(%dma_wait3A_95 : memref<128xi32, #tpu.memory_space<hbm>>) dst(%arg6 : memref<128xi32, #tpu.memory_space<vmem>>)
      %mul3A_96 = arith.constant 128 : i32
      %mul3A_97 = arith.muli %add3A_90, %mul3A_96 : i32
      %add3A_98 = arith.addi %mul3A_6, %mul3A_97 : i32
      %dma_wait3A_99 = arith.constant 0 : i32
      %dma_wait3A_100 = tpu.memref_slice %arg4[%add3A_98, %dma_wait3A_99] : memref<160000x128xi32, #tpu.memory_space<hbm>> -> memref<128x128xi32, #tpu.memory_space<hbm>>
      %dma_wait3A_101 = arith.constant 0 : i32
      %dma_wait3A_102 = tpu.memref_slice %arg4[%add3A_98, %dma_wait3A_101] : memref<160000x128xi32, #tpu.memory_space<hbm>> -> memref<128x128xi32, #tpu.memory_space<hbm>>
      tpu.wait_dma2 semaphore(%arg12 : memref<!tpu.dma_semaphore, #tpu.memory_space<semaphore_mem>>) src(%arg8 : memref<128x128xi32, #tpu.memory_space<vmem>>) dst(%dma_wait3A_102 : memref<128x128xi32, #tpu.memory_space<hbm>>)
      "tpu.region"() ({
        %run_scoped3A = tpu.sem_alloc : memref<!tpu.dma_semaphore, #tpu.memory_space<semaphore_mem>>
        %dma_start3A_119 = arith.constant 0 : i32
        %dma_start3A_120 = arith.constant 0 : i32
        %dma_start3A_121 = tpu.memref_slice %arg2[%dma_start3A_119, %dma_start3A_120] : memref<10000x128xi32, #tpu.memory_space<hbm>> -> memref<10000x128xi32, #tpu.memory_space<hbm>>
        tpu.enqueue_indirect_dma source(%dma_start3A_121 : memref<10000x128xi32, #tpu.memory_space<hbm>>) target(%arg8 : memref<128x128xi32, #tpu.memory_space<vmem>>) offsets(%arg6 : memref<128xi32, #tpu.memory_space<vmem>>) semaphore(%run_scoped3A : memref<!tpu.dma_semaphore, #tpu.memory_space<semaphore_mem>>)
        %dma_wait3A_122 = arith.constant 0 : i32
        %dma_wait3A_123 = arith.constant 0 : i32
        %dma_wait3A_124 = tpu.memref_slice %arg2[%dma_wait3A_122, %dma_wait3A_123] : memref<10000x128xi32, #tpu.memory_space<hbm>> -> memref<10000x128xi32, #tpu.memory_space<hbm>>
        tpu.wait_indirect_dma semaphore(%run_scoped3A : memref<!tpu.dma_semaphore, #tpu.memory_space<semaphore_mem>>) src(%dma_wait3A_124 : memref<10000x128xi32, #tpu.memory_space<hbm>>) dst(%arg8 : memref<128x128xi32, #tpu.memory_space<vmem>>)
        tpu.yield
      }) : () -> ()
      %add3A_103 = arith.constant 2 : i32
      %add3A_104 = arith.addi %add3A_90, %add3A_103 : i32
      %min3A_105 = arith.constant 38 : i32
      %min3A_106 = arith.minsi %add3A_104, %min3A_105 : i32
      %mul3A_107 = arith.constant 128 : i32
      %mul3A_108 = arith.muli %min3A_106, %mul3A_107 : i32
      %add3A_109 = arith.addi %add3A_4, %mul3A_108 : i32
      %dma_start3A_110 = tpu.memref_slice %arg3[%add3A_109] : memref<320000xi32, #tpu.memory_space<hbm>> -> memref<128xi32, #tpu.memory_space<hbm>>
      %dma_start3A_111 = tpu.memref_slice %arg3[%add3A_109] : memref<320000xi32, #tpu.memory_space<hbm>> -> memref<128xi32, #tpu.memory_space<hbm>>
      tpu.enqueue_dma source(%dma_start3A_111 : memref<128xi32, #tpu.memory_space<hbm>>) target(%arg6 : memref<128xi32, #tpu.memory_space<vmem>>) target_semaphore(%arg10 : memref<!tpu.dma_semaphore, #tpu.memory_space<semaphore_mem>>)
      %mul3A_112 = arith.constant 128 : i32
      %mul3A_113 = arith.muli %add3A_90, %mul3A_112 : i32
      %add3A_114 = arith.addi %mul3A_6, %mul3A_113 : i32
      %dma_start3A_115 = arith.constant 0 : i32
      %dma_start3A_116 = tpu.memref_slice %arg4[%add3A_114, %dma_start3A_115] : memref<160000x128xi32, #tpu.memory_space<hbm>> -> memref<128x128xi32, #tpu.memory_space<hbm>>
      %dma_start3A_117 = arith.constant 0 : i32
      %dma_start3A_118 = tpu.memref_slice %arg4[%add3A_114, %dma_start3A_117] : memref<160000x128xi32, #tpu.memory_space<hbm>> -> memref<128x128xi32, #tpu.memory_space<hbm>>
      tpu.enqueue_dma source(%arg8 : memref<128x128xi32, #tpu.memory_space<vmem>>) target(%dma_start3A_118 : memref<128x128xi32, #tpu.memory_space<hbm>>) target_semaphore(%arg12 : memref<!tpu.dma_semaphore, #tpu.memory_space<semaphore_mem>>)
    }
    %scan3A_29 = arith.constant 19 : i32
    %add3A_30 = arith.constant 4864 : i32
    %add3A_31 = arith.addi %add3A_4, %add3A_30 : i32
    %dma_wait3A = tpu.memref_slice %arg3[%add3A_31] : memref<320000xi32, #tpu.memory_space<hbm>> -> memref<128xi32, #tpu.memory_space<hbm>>
    %dma_wait3A_32 = tpu.memref_slice %arg3[%add3A_31] : memref<320000xi32, #tpu.memory_space<hbm>> -> memref<128xi32, #tpu.memory_space<hbm>>
    tpu.wait_dma2 semaphore(%arg9 : memref<!tpu.dma_semaphore, #tpu.memory_space<semaphore_mem>>) src(%dma_wait3A_32 : memref<128xi32, #tpu.memory_space<hbm>>) dst(%arg5 : memref<128xi32, #tpu.memory_space<vmem>>)
    %add3A_33 = arith.constant 4864 : i32
    %add3A_34 = arith.addi %mul3A_6, %add3A_33 : i32
    %dma_wait3A_35 = arith.constant 0 : i32
    %dma_wait3A_36 = tpu.memref_slice %arg4[%add3A_34, %dma_wait3A_35] : memref<160000x128xi32, #tpu.memory_space<hbm>> -> memref<128x128xi32, #tpu.memory_space<hbm>>
    %dma_wait3A_37 = arith.constant 0 : i32
    %dma_wait3A_38 = tpu.memref_slice %arg4[%add3A_34, %dma_wait3A_37] : memref<160000x128xi32, #tpu.memory_space<hbm>> -> memref<128x128xi32, #tpu.memory_space<hbm>>
    tpu.wait_dma2 semaphore(%arg11 : memref<!tpu.dma_semaphore, #tpu.memory_space<semaphore_mem>>) src(%arg7 : memref<128x128xi32, #tpu.memory_space<vmem>>) dst(%dma_wait3A_38 : memref<128x128xi32, #tpu.memory_space<hbm>>)
    "tpu.region"() ({
      %run_scoped3A = tpu.sem_alloc : memref<!tpu.dma_semaphore, #tpu.memory_space<semaphore_mem>>
      %dma_start3A_55 = arith.constant 0 : i32
      %dma_start3A_56 = arith.constant 0 : i32
      %dma_start3A_57 = tpu.memref_slice %arg2[%dma_start3A_55, %dma_start3A_56] : memref<10000x128xi32, #tpu.memory_space<hbm>> -> memref<10000x128xi32, #tpu.memory_space<hbm>>
      tpu.enqueue_indirect_dma source(%dma_start3A_57 : memref<10000x128xi32, #tpu.memory_space<hbm>>) target(%arg7 : memref<128x128xi32, #tpu.memory_space<vmem>>) offsets(%arg5 : memref<128xi32, #tpu.memory_space<vmem>>) semaphore(%run_scoped3A : memref<!tpu.dma_semaphore, #tpu.memory_space<semaphore_mem>>)
      %dma_wait3A_58 = arith.constant 0 : i32
      %dma_wait3A_59 = arith.constant 0 : i32
      %dma_wait3A_60 = tpu.memref_slice %arg2[%dma_wait3A_58, %dma_wait3A_59] : memref<10000x128xi32, #tpu.memory_space<hbm>> -> memref<10000x128xi32, #tpu.memory_space<hbm>>
      tpu.wait_indirect_dma semaphore(%run_scoped3A : memref<!tpu.dma_semaphore, #tpu.memory_space<semaphore_mem>>) src(%dma_wait3A_60 : memref<10000x128xi32, #tpu.memory_space<hbm>>) dst(%arg7 : memref<128x128xi32, #tpu.memory_space<vmem>>)
      tpu.yield
    }) : () -> ()
    %add3A_39 = arith.constant 4864 : i32
    %add3A_40 = arith.addi %mul3A_6, %add3A_39 : i32
    "tpu.region"() ({
      %run_scoped3A = tpu.sem_alloc : memref<!tpu.dma_semaphore, #tpu.memory_space<semaphore_mem>>
      %dma_start3A_55 = arith.constant 0 : i32
      %dma_start3A_56 = tpu.memref_slice %arg4[%add3A_40, %dma_start3A_55] : memref<160000x128xi32, #tpu.memory_space<hbm>> -> memref<128x128xi32, #tpu.memory_space<hbm>>
      %dma_start3A_57 = arith.constant 0 : i32
      %dma_start3A_58 = tpu.memref_slice %arg4[%add3A_40, %dma_start3A_57] : memref<160000x128xi32, #tpu.memory_space<hbm>> -> memref<128x128xi32, #tpu.memory_space<hbm>>
      tpu.enqueue_dma source(%arg7 : memref<128x128xi32, #tpu.memory_space<vmem>>) target(%dma_start3A_58 : memref<128x128xi32, #tpu.memory_space<hbm>>) target_semaphore(%run_scoped3A : memref<!tpu.dma_semaphore, #tpu.memory_space<semaphore_mem>>)
      %dma_wait3A_59 = arith.constant 0 : i32
      %dma_wait3A_60 = tpu.memref_slice %arg4[%add3A_40, %dma_wait3A_59] : memref<160000x128xi32, #tpu.memory_space<hbm>> -> memref<128x128xi32, #tpu.memory_space<hbm>>
      %dma_wait3A_61 = arith.constant 0 : i32
      %dma_wait3A_62 = tpu.memref_slice %arg4[%add3A_40, %dma_wait3A_61] : memref<160000x128xi32, #tpu.memory_space<hbm>> -> memref<128x128xi32, #tpu.memory_space<hbm>>
      tpu.wait_dma2 semaphore(%run_scoped3A : memref<!tpu.dma_semaphore, #tpu.memory_space<semaphore_mem>>) src(%arg7 : memref<128x128xi32, #tpu.memory_space<vmem>>) dst(%dma_wait3A_62 : memref<128x128xi32, #tpu.memory_space<hbm>>)
      tpu.yield
    }) : () -> ()
    %add3A_41 = arith.constant 4864 : i32
    %add3A_42 = arith.addi %add3A_4, %add3A_41 : i32
    %dma_wait3A_43 = tpu.memref_slice %arg3[%add3A_42] : memref<320000xi32, #tpu.memory_space<hbm>> -> memref<128xi32, #tpu.memory_space<hbm>>
    %dma_wait3A_44 = tpu.memref_slice %arg3[%add3A_42] : memref<320000xi32, #tpu.memory_space<hbm>> -> memref<128xi32, #tpu.memory_space<hbm>>
    tpu.wait_dma2 semaphore(%arg10 : memref<!tpu.dma_semaphore, #tpu.memory_space<semaphore_mem>>) src(%dma_wait3A_44 : memref<128xi32, #tpu.memory_space<hbm>>) dst(%arg6 : memref<128xi32, #tpu.memory_space<vmem>>)
    %add3A_45 = arith.constant 4864 : i32
    %add3A_46 = arith.addi %mul3A_6, %add3A_45 : i32
    %dma_wait3A_47 = arith.constant 0 : i32
    %dma_wait3A_48 = tpu.memref_slice %arg4[%add3A_46, %dma_wait3A_47] : memref<160000x128xi32, #tpu.memory_space<hbm>> -> memref<128x128xi32, #tpu.memory_space<hbm>>
    %dma_wait3A_49 = arith.constant 0 : i32
    %dma_wait3A_50 = tpu.memref_slice %arg4[%add3A_46, %dma_wait3A_49] : memref<160000x128xi32, #tpu.memory_space<hbm>> -> memref<128x128xi32, #tpu.memory_space<hbm>>
    tpu.wait_dma2 semaphore(%arg12 : memref<!tpu.dma_semaphore, #tpu.memory_space<semaphore_mem>>) src(%arg8 : memref<128x128xi32, #tpu.memory_space<vmem>>) dst(%dma_wait3A_50 : memref<128x128xi32, #tpu.memory_space<hbm>>)
    %add3A_51 = arith.constant 4992 : i32
    %add3A_52 = arith.addi %add3A_4, %add3A_51 : i32
    %add3A_53 = arith.constant 4992 : i32
    %add3A_54 = arith.addi %mul3A_6, %add3A_53 : i32
    "tpu.region"() ({
      %run_scoped3A = tpu.sem_alloc : memref<!tpu.dma_semaphore, #tpu.memory_space<semaphore_mem>>
      %dma_start3A_55 = arith.constant 0 : i32
      %dma_start3A_56 = tpu.memref_slice %arg5[%dma_start3A_55] : memref<128xi32, #tpu.memory_space<vmem>> -> memref<8xi32, #tpu.memory_space<vmem>>
      %dma_start3A_57 = tpu.memref_slice %arg3[%add3A_52] : memref<320000xi32, #tpu.memory_space<hbm>> -> memref<8xi32, #tpu.memory_space<hbm>>
      %dma_start3A_58 = arith.constant 0 : i32
      %dma_start3A_59 = tpu.memref_slice %arg5[%dma_start3A_58] : memref<128xi32, #tpu.memory_space<vmem>> -> memref<8xi32, #tpu.memory_space<vmem>>
      %dma_start3A_60 = tpu.memref_slice %arg3[%add3A_52] : memref<320000xi32, #tpu.memory_space<hbm>> -> memref<8xi32, #tpu.memory_space<hbm>>
      tpu.enqueue_dma source(%dma_start3A_60 : memref<8xi32, #tpu.memory_space<hbm>>) target(%dma_start3A_59 : memref<8xi32, #tpu.memory_space<vmem>>) target_semaphore(%run_scoped3A : memref<!tpu.dma_semaphore, #tpu.memory_space<semaphore_mem>>)
      %dma_wait3A_61 = arith.constant 0 : i32
      %dma_wait3A_62 = tpu.memref_slice %arg5[%dma_wait3A_61] : memref<128xi32, #tpu.memory_space<vmem>> -> memref<8xi32, #tpu.memory_space<vmem>>
      %dma_wait3A_63 = tpu.memref_slice %arg3[%add3A_52] : memref<320000xi32, #tpu.memory_space<hbm>> -> memref<8xi32, #tpu.memory_space<hbm>>
      %dma_wait3A_64 = arith.constant 0 : i32
      %dma_wait3A_65 = tpu.memref_slice %arg5[%dma_wait3A_64] : memref<128xi32, #tpu.memory_space<vmem>> -> memref<8xi32, #tpu.memory_space<vmem>>
      %dma_wait3A_66 = tpu.memref_slice %arg3[%add3A_52] : memref<320000xi32, #tpu.memory_space<hbm>> -> memref<8xi32, #tpu.memory_space<hbm>>
      tpu.wait_dma2 semaphore(%run_scoped3A : memref<!tpu.dma_semaphore, #tpu.memory_space<semaphore_mem>>) src(%dma_wait3A_66 : memref<8xi32, #tpu.memory_space<hbm>>) dst(%dma_wait3A_65 : memref<8xi32, #tpu.memory_space<vmem>>)
      tpu.yield
    }) : () -> ()
    "tpu.region"() ({
      %run_scoped3A = tpu.sem_alloc : memref<!tpu.dma_semaphore, #tpu.memory_space<semaphore_mem>>
      %dma_start3A_55 = arith.constant 0 : i32
      %dma_start3A_56 = arith.constant 0 : i32
      %dma_start3A_57 = tpu.memref_slice %arg7[%dma_start3A_55, %dma_start3A_56] : memref<128x128xi32, #tpu.memory_space<vmem>> -> memref<8x128xi32, #tpu.memory_space<vmem>>
      %dma_start3A_58 = arith.constant 0 : i32
      %dma_start3A_59 = tpu.memref_slice %arg5[%dma_start3A_58] : memref<128xi32, #tpu.memory_space<vmem>> -> memref<8xi32, #tpu.memory_space<vmem>>
      %dma_start3A_60 = arith.constant 0 : i32
      %dma_start3A_61 = arith.constant 0 : i32
      %dma_start3A_62 = tpu.memref_slice %arg2[%dma_start3A_60, %dma_start3A_61] : memref<10000x128xi32, #tpu.memory_space<hbm>> -> memref<10000x128xi32, #tpu.memory_space<hbm>>
      tpu.enqueue_indirect_dma source(%dma_start3A_62 : memref<10000x128xi32, #tpu.memory_space<hbm>>) target(%dma_start3A_57 : memref<8x128xi32, #tpu.memory_space<vmem>>) offsets(%dma_start3A_59 : memref<8xi32, #tpu.memory_space<vmem>>) semaphore(%run_scoped3A : memref<!tpu.dma_semaphore, #tpu.memory_space<semaphore_mem>>)
      %dma_wait3A_63 = arith.constant 0 : i32
      %dma_wait3A_64 = arith.constant 0 : i32
      %dma_wait3A_65 = tpu.memref_slice %arg7[%dma_wait3A_63, %dma_wait3A_64] : memref<128x128xi32, #tpu.memory_space<vmem>> -> memref<8x128xi32, #tpu.memory_space<vmem>>
      %dma_wait3A_66 = arith.constant 0 : i32
      %dma_wait3A_67 = tpu.memref_slice %arg5[%dma_wait3A_66] : memref<128xi32, #tpu.memory_space<vmem>> -> memref<8xi32, #tpu.memory_space<vmem>>
      %dma_wait3A_68 = arith.constant 0 : i32
      %dma_wait3A_69 = arith.constant 0 : i32
      %dma_wait3A_70 = tpu.memref_slice %arg2[%dma_wait3A_68, %dma_wait3A_69] : memref<10000x128xi32, #tpu.memory_space<hbm>> -> memref<10000x128xi32, #tpu.memory_space<hbm>>
      tpu.wait_indirect_dma semaphore(%run_scoped3A : memref<!tpu.dma_semaphore, #tpu.memory_space<semaphore_mem>>) src(%dma_wait3A_70 : memref<10000x128xi32, #tpu.memory_space<hbm>>) dst(%dma_wait3A_65 : memref<8x128xi32, #tpu.memory_space<vmem>>)
      tpu.yield
    }) : () -> ()
    "tpu.region"() ({
      %run_scoped3A = tpu.sem_alloc : memref<!tpu.dma_semaphore, #tpu.memory_space<semaphore_mem>>
      %dma_start3A_55 = arith.constant 0 : i32
      %dma_start3A_56 = arith.constant 0 : i32
      %dma_start3A_57 = tpu.memref_slice %arg7[%dma_start3A_55, %dma_start3A_56] : memref<128x128xi32, #tpu.memory_space<vmem>> -> memref<8x128xi32, #tpu.memory_space<vmem>>
      %dma_start3A_58 = arith.constant 0 : i32
      %dma_start3A_59 = tpu.memref_slice %arg4[%add3A_54, %dma_start3A_58] : memref<160000x128xi32, #tpu.memory_space<hbm>> -> memref<8x128xi32, #tpu.memory_space<hbm>>
      %dma_start3A_60 = arith.constant 0 : i32
      %dma_start3A_61 = tpu.memref_slice %arg4[%add3A_54, %dma_start3A_60] : memref<160000x128xi32, #tpu.memory_space<hbm>> -> memref<8x128xi32, #tpu.memory_space<hbm>>
      %dma_start3A_62 = arith.constant 0 : i32
      %dma_start3A_63 = arith.constant 0 : i32
      %dma_start3A_64 = tpu.memref_slice %arg7[%dma_start3A_62, %dma_start3A_63] : memref<128x128xi32, #tpu.memory_space<vmem>> -> memref<8x128xi32, #tpu.memory_space<vmem>>
      tpu.enqueue_dma source(%dma_start3A_64 : memref<8x128xi32, #tpu.memory_space<vmem>>) target(%dma_start3A_61 : memref<8x128xi32, #tpu.memory_space<hbm>>) target_semaphore(%run_scoped3A : memref<!tpu.dma_semaphore, #tpu.memory_space<semaphore_mem>>)
      %dma_wait3A_65 = arith.constant 0 : i32
      %dma_wait3A_66 = arith.constant 0 : i32
      %dma_wait3A_67 = tpu.memref_slice %arg7[%dma_wait3A_65, %dma_wait3A_66] : memref<128x128xi32, #tpu.memory_space<vmem>> -> memref<8x128xi32, #tpu.memory_space<vmem>>
      %dma_wait3A_68 = arith.constant 0 : i32
      %dma_wait3A_69 = tpu.memref_slice %arg4[%add3A_54, %dma_wait3A_68] : memref<160000x128xi32, #tpu.memory_space<hbm>> -> memref<8x128xi32, #tpu.memory_space<hbm>>
      %dma_wait3A_70 = arith.constant 0 : i32
      %dma_wait3A_71 = tpu.memref_slice %arg4[%add3A_54, %dma_wait3A_70] : memref<160000x128xi32, #tpu.memory_space<hbm>> -> memref<8x128xi32, #tpu.memory_space<hbm>>
      %dma_wait3A_72 = arith.constant 0 : i32
      %dma_wait3A_73 = arith.constant 0 : i32
      %dma_wait3A_74 = tpu.memref_slice %arg7[%dma_wait3A_72, %dma_wait3A_73] : memref<128x128xi32, #tpu.memory_space<vmem>> -> memref<8x128xi32, #tpu.memory_space<vmem>>
      tpu.wait_dma2 semaphore(%run_scoped3A : memref<!tpu.dma_semaphore, #tpu.memory_space<semaphore_mem>>) src(%dma_wait3A_74 : memref<8x128xi32, #tpu.memory_space<vmem>>) dst(%dma_wait3A_71 : memref<8x128xi32, #tpu.memory_space<hbm>>)
      tpu.yield
    }) : () -> ()
    return
  }
}

#map = affine_map<(d0, d1) -> (0, 0)>
#map1 = affine_map<(d0, d1) -> (0)>
module attributes {stable_mosaic.version = 14 : i64} {
  func.func @_gather(%arg0: i32, %arg1: i32, %arg2: memref<10000x128xi32, #tpu.memory_space<hbm>>, %arg3: memref<320000xi32, #tpu.memory_space<hbm>>, %arg4: memref<160000x128xi32, #tpu.memory_space<hbm>>, %arg5: memref<128xi32, #tpu.memory_space<vmem>>, %arg6: memref<128xi32, #tpu.memory_space<vmem>>, %arg7: memref<128x128xi32, #tpu.memory_space<vmem>>, %arg8: memref<128x128xi32, #tpu.memory_space<vmem>>, %arg9: memref<!tpu.dma_semaphore, #tpu.memory_space<semaphore_mem>>, %arg10: memref<!tpu.dma_semaphore, #tpu.memory_space<semaphore_mem>>, %arg11: memref<!tpu.dma_semaphore, #tpu.memory_space<semaphore_mem>>, %arg12: memref<!tpu.dma_semaphore, #tpu.memory_space<semaphore_mem>>) attributes {dimension_semantics = [#tpu.dimension_semantics<core_parallel>, #tpu.dimension_semantics<subcore_parallel>], iteration_bounds = array<i64: 2, 16>, scalar_prefetch = 0 : i64, scratch_operands = 8 : i64, tpu.core_type = #tpu.core_type<sc_vector_subcore>, window_params = [{transform_indices = #map}, {transform_indices = #map1}, {transform_indices = #map}]} {
    %mul3A = arith.constant 16 : i32
    %mul3A_0 = arith.muli %arg0, %mul3A : i32
    %add3A = arith.addi %mul3A_0, %arg1 : i32
    %mul3A_1 = arith.constant 5000 : i32
    %mul3A_2 = arith.muli %add3A, %mul3A_1 : i32
    %add3A_3 = arith.constant 0 : i32
    %add3A_4 = arith.addi %add3A_3, %mul3A_2 : i32
    %mul3A_5 = arith.constant 5000 : i32
    %mul3A_6 = arith.muli %add3A, %mul3A_5 : i32
    %add3A_7 = arith.constant 0 : i32
    %add3A_8 = arith.addi %add3A_4, %add3A_7 : i32
    %dma_start3A = tpu.memref_slice %arg3[%add3A_8] : memref<320000xi32, #tpu.memory_space<hbm>> -> memref<128xi32, #tpu.memory_space<hbm>>
    %dma_start3A_9 = tpu.memref_slice %arg3[%add3A_8] : memref<320000xi32, #tpu.memory_space<hbm>> -> memref<128xi32, #tpu.memory_space<hbm>>
    tpu.enqueue_dma source(%dma_start3A_9 : memref<128xi32, #tpu.memory_space<hbm>>) target(%arg5 : memref<128xi32, #tpu.memory_space<vmem>>) target_semaphore(%arg9 : memref<!tpu.dma_semaphore, #tpu.memory_space<semaphore_mem>>)
    %add3A_10 = arith.constant 128 : i32
    %add3A_11 = arith.addi %add3A_4, %add3A_10 : i32
    %dma_start3A_12 = tpu.memref_slice %arg3[%add3A_11] : memref<320000xi32, #tpu.memory_space<hbm>> -> memref<128xi32, #tpu.memory_space<hbm>>
    %dma_start3A_13 = tpu.memref_slice %arg3[%add3A_11] : memref<320000xi32, #tpu.memory_space<hbm>> -> memref<128xi32, #tpu.memory_space<hbm>>
    tpu.enqueue_dma source(%dma_start3A_13 : memref<128xi32, #tpu.memory_space<hbm>>) target(%arg6 : memref<128xi32, #tpu.memory_space<vmem>>) target_semaphore(%arg10 : memref<!tpu.dma_semaphore, #tpu.memory_space<semaphore_mem>>)
    %add3A_14 = arith.constant 0 : i32
    %add3A_15 = arith.addi %mul3A_6, %add3A_14 : i32
    %dma_start3A_16 = arith.constant 0 : i32
    %dma_start3A_17 = tpu.memref_slice %arg4[%add3A_15, %dma_start3A_16] : memref<160000x128xi32, #tpu.memory_space<hbm>> -> memref<128x128xi32, #tpu.memory_space<hbm>>
    %dma_start3A_18 = arith.constant 0 : i32
    %dma_start3A_19 = tpu.memref_slice %arg4[%add3A_15, %dma_start3A_18] : memref<160000x128xi32, #tpu.memory_space<hbm>> -> memref<128x128xi32, #tpu.memory_space<hbm>>
    tpu.enqueue_dma source(%arg7 : memref<128x128xi32, #tpu.memory_space<vmem>>) target(%dma_start3A_19 : memref<128x128xi32, #tpu.memory_space<hbm>>) target_semaphore(%arg11 : memref<!tpu.dma_semaphore, #tpu.memory_space<semaphore_mem>>)
    %add3A_20 = arith.constant 128 : i32
    %add3A_21 = arith.addi %mul3A_6, %add3A_20 : i32
    %dma_start3A_22 = arith.constant 0 : i32
    %dma_start3A_23 = tpu.memref_slice %arg4[%add3A_21, %dma_start3A_22] : memref<160000x128xi32, #tpu.memory_space<hbm>> -> memref<128x128xi32, #tpu.memory_space<hbm>>
    %dma_start3A_24 = arith.constant 0 : i32
    %dma_start3A_25 = tpu.memref_slice %arg4[%add3A_21, %dma_start3A_24] : memref<160000x128xi32, #tpu.memory_space<hbm>> -> memref<128x128xi32, #tpu.memory_space<hbm>>
    tpu.enqueue_dma source(%arg8 : memref<128x128xi32, #tpu.memory_space<vmem>>) target(%dma_start3A_25 : memref<128x128xi32, #tpu.memory_space<hbm>>) target_semaphore(%arg12 : memref<!tpu.dma_semaphore, #tpu.memory_space<semaphore_mem>>)
    %scan3A = arith.constant 0 : i32
    %scan3A_26 = arith.constant 19 : i32
    %scan3A_27 = arith.addi %scan3A, %scan3A_26 : i32
    %scan3A_28 = arith.constant 1 : i32
    scf.for %scan3A_55 = %scan3A to %scan3A_27 step %scan3A_28  : i32 {
      %mul3A_56 = arith.constant 2 : i32
      %mul3A_57 = arith.muli %scan3A_55, %mul3A_56 : i32
      %add3A_58 = arith.constant 0 : i32
      %add3A_59 = arith.addi %add3A_58, %mul3A_57 : i32
      %add3A_60 = arith.constant 0 : i32
      %add3A_61 = arith.addi %add3A_59, %add3A_60 : i32
      %mul3A_62 = arith.constant 128 : i32
      %mul3A_63 = arith.muli %add3A_61, %mul3A_62 : i32
      %add3A_64 = arith.addi %add3A_4, %mul3A_63 : i32
      %dma_wait3A_65 = tpu.memref_slice %arg3[%add3A_64] : memref<320000xi32, #tpu.memory_space<hbm>> -> memref<128xi32, #tpu.memory_space<hbm>>
      %dma_wait3A_66 = tpu.memref_slice %arg3[%add3A_64] : memref<320000xi32, #tpu.memory_space<hbm>> -> memref<128xi32, #tpu.memory_space<hbm>>
      tpu.wait_dma2 semaphore(%arg9 : memref<!tpu.dma_semaphore, #tpu.memory_space<semaphore_mem>>) src(%dma_wait3A_66 : memref<128xi32, #tpu.memory_space<hbm>>) dst(%arg5 : memref<128xi32, #tpu.memory_space<vmem>>)
      %mul3A_67 = arith.constant 128 : i32
      %mul3A_68 = arith.muli %add3A_61, %mul3A_67 : i32
      %add3A_69 = arith.addi %mul3A_6, %mul3A_68 : i32
      %dma_wait3A_70 = arith.constant 0 : i32
      %dma_wait3A_71 = tpu.memref_slice %arg4[%add3A_69, %dma_wait3A_70] : memref<160000x128xi32, #tpu.memory_space<hbm>> -> memref<128x128xi32, #tpu.memory_space<hbm>>
      %dma_wait3A_72 = arith.constant 0 : i32
      %dma_wait3A_73 = tpu.memref_slice %arg4[%add3A_69, %dma_wait3A_72] : memref<160000x128xi32, #tpu.memory_space<hbm>> -> memref<128x128xi32, #tpu.memory_space<hbm>>
      tpu.wait_dma2 semaphore(%arg11 : memref<!tpu.dma_semaphore, #tpu.memory_space<semaphore_mem>>) src(%arg7 : memref<128x128xi32, #tpu.memory_space<vmem>>) dst(%dma_wait3A_73 : memref<128x128xi32, #tpu.memory_space<hbm>>)
      "tpu.region"() ({
        %run_scoped3A = tpu.sem_alloc : memref<!tpu.dma_semaphore, #tpu.memory_space<semaphore_mem>>
        %dma_start3A_119 = arith.constant 0 : i32
        %dma_start3A_120 = arith.constant 0 : i32
        %dma_start3A_121 = tpu.memref_slice %arg2[%dma_start3A_119, %dma_start3A_120] : memref<10000x128xi32, #tpu.memory_space<hbm>> -> memref<10000x128xi32, #tpu.memory_space<hbm>>
        tpu.enqueue_indirect_dma source(%dma_start3A_121 : memref<10000x128xi32, #tpu.memory_space<hbm>>) target(%arg7 : memref<128x128xi32, #tpu.memory_space<vmem>>) offsets(%arg5 : memref<128xi32, #tpu.memory_space<vmem>>) semaphore(%run_scoped3A : memref<!tpu.dma_semaphore, #tpu.memory_space<semaphore_mem>>)
        %dma_wait3A_122 = arith.constant 0 : i32
        %dma_wait3A_123 = arith.constant 0 : i32
        %dma_wait3A_124 = tpu.memref_slice %arg2[%dma_wait3A_122, %dma_wait3A_123] : memref<10000x128xi32, #tpu.memory_space<hbm>> -> memref<10000x128xi32, #tpu.memory_space<hbm>>
        tpu.wait_indirect_dma semaphore(%run_scoped3A : memref<!tpu.dma_semaphore, #tpu.memory_space<semaphore_mem>>) src(%dma_wait3A_124 : memref<10000x128xi32, #tpu.memory_space<hbm>>) dst(%arg7 : memref<128x128xi32, #tpu.memory_space<vmem>>)
        tpu.yield
      }) : () -> ()
      %add3A_74 = arith.constant 2 : i32
      %add3A_75 = arith.addi %add3A_61, %add3A_74 : i32
      %min3A = arith.constant 38 : i32
      %min3A_76 = arith.minsi %add3A_75, %min3A : i32
      %mul3A_77 = arith.constant 128 : i32
      %mul3A_78 = arith.muli %min3A_76, %mul3A_77 : i32
      %add3A_79 = arith.addi %add3A_4, %mul3A_78 : i32
      %dma_start3A_80 = tpu.memref_slice %arg3[%add3A_79] : memref<320000xi32, #tpu.memory_space<hbm>> -> memref<128xi32, #tpu.memory_space<hbm>>
      %dma_start3A_81 = tpu.memref_slice %arg3[%add3A_79] : memref<320000xi32, #tpu.memory_space<hbm>> -> memref<128xi32, #tpu.memory_space<hbm>>
      tpu.enqueue_dma source(%dma_start3A_81 : memref<128xi32, #tpu.memory_space<hbm>>) target(%arg5 : memref<128xi32, #tpu.memory_space<vmem>>) target_semaphore(%arg9 : memref<!tpu.dma_semaphore, #tpu.memory_space<semaphore_mem>>)
      %mul3A_82 = arith.constant 128 : i32
      %mul3A_83 = arith.muli %add3A_61, %mul3A_82 : i32
      %add3A_84 = arith.addi %mul3A_6, %mul3A_83 : i32
      %dma_start3A_85 = arith.constant 0 : i32
      %dma_start3A_86 = tpu.memref_slice %arg4[%add3A_84, %dma_start3A_85] : memref<160000x128xi32, #tpu.memory_space<hbm>> -> memref<128x128xi32, #tpu.memory_space<hbm>>
      %dma_start3A_87 = arith.constant 0 : i32
      %dma_start3A_88 = tpu.memref_slice %arg4[%add3A_84, %dma_start3A_87] : memref<160000x128xi32, #tpu.memory_space<hbm>> -> memref<128x128xi32, #tpu.memory_space<hbm>>
      tpu.enqueue_dma source(%arg7 : memref<128x128xi32, #tpu.memory_space<vmem>>) target(%dma_start3A_88 : memref<128x128xi32, #tpu.memory_space<hbm>>) target_semaphore(%arg11 : memref<!tpu.dma_semaphore, #tpu.memory_space<semaphore_mem>>)
      %add3A_89 = arith.constant 1 : i32
      %add3A_90 = arith.addi %add3A_59, %add3A_89 : i32
      %mul3A_91 = arith.constant 128 : i32
      %mul3A_92 = arith.muli %add3A_90, %mul3A_91 : i32
      %add3A_93 = arith.addi %add3A_4, %mul3A_92 : i32
      %dma_wait3A_94 = tpu.memref_slice %arg3[%add3A_93] : memref<320000xi32, #tpu.memory_space<hbm>> -> memref<128xi32, #tpu.memory_space<hbm>>
      %dma_wait3A_95 = tpu.memref_slice %arg3[%add3A_93] : memref<320000xi32, #tpu.memory_space<hbm>> -> memref<128xi32, #tpu.memory_space<hbm>>
      tpu.wait_dma2 semaphore(%arg10 : memref<!tpu.dma_semaphore, #tpu.memory_space<semaphore_mem>>) src(%dma_wait3A_95 : memref<128xi32, #tpu.memory_space<hbm>>) dst(%arg6 : memref<128xi32, #tpu.memory_space<vmem>>)
      %mul3A_96 = arith.constant 128 : i32
      %mul3A_97 = arith.muli %add3A_90, %mul3A_96 : i32
      %add3A_98 = arith.addi %mul3A_6, %mul3A_97 : i32
      %dma_wait3A_99 = arith.constant 0 : i32
      %dma_wait3A_100 = tpu.memref_slice %arg4[%add3A_98, %dma_wait3A_99] : memref<160000x128xi32, #tpu.memory_space<hbm>> -> memref<128x128xi32, #tpu.memory_space<hbm>>
      %dma_wait3A_101 = arith.constant 0 : i32
      %dma_wait3A_102 = tpu.memref_slice %arg4[%add3A_98, %dma_wait3A_101] : memref<160000x128xi32, #tpu.memory_space<hbm>> -> memref<128x128xi32, #tpu.memory_space<hbm>>
      tpu.wait_dma2 semaphore(%arg12 : memref<!tpu.dma_semaphore, #tpu.memory_space<semaphore_mem>>) src(%arg8 : memref<128x128xi32, #tpu.memory_space<vmem>>) dst(%dma_wait3A_102 : memref<128x128xi32, #tpu.memory_space<hbm>>)
      "tpu.region"() ({
        %run_scoped3A = tpu.sem_alloc : memref<!tpu.dma_semaphore, #tpu.memory_space<semaphore_mem>>
        %dma_start3A_119 = arith.constant 0 : i32
        %dma_start3A_120 = arith.constant 0 : i32
        %dma_start3A_121 = tpu.memref_slice %arg2[%dma_start3A_119, %dma_start3A_120] : memref<10000x128xi32, #tpu.memory_space<hbm>> -> memref<10000x128xi32, #tpu.memory_space<hbm>>
        tpu.enqueue_indirect_dma source(%dma_start3A_121 : memref<10000x128xi32, #tpu.memory_space<hbm>>) target(%arg8 : memref<128x128xi32, #tpu.memory_space<vmem>>) offsets(%arg6 : memref<128xi32, #tpu.memory_space<vmem>>) semaphore(%run_scoped3A : memref<!tpu.dma_semaphore, #tpu.memory_space<semaphore_mem>>)
        %dma_wait3A_122 = arith.constant 0 : i32
        %dma_wait3A_123 = arith.constant 0 : i32
        %dma_wait3A_124 = tpu.memref_slice %arg2[%dma_wait3A_122, %dma_wait3A_123] : memref<10000x128xi32, #tpu.memory_space<hbm>> -> memref<10000x128xi32, #tpu.memory_space<hbm>>
        tpu.wait_indirect_dma semaphore(%run_scoped3A : memref<!tpu.dma_semaphore, #tpu.memory_space<semaphore_mem>>) src(%dma_wait3A_124 : memref<10000x128xi32, #tpu.memory_space<hbm>>) dst(%arg8 : memref<128x128xi32, #tpu.memory_space<vmem>>)
        tpu.yield
      }) : () -> ()
      %add3A_103 = arith.constant 2 : i32
      %add3A_104 = arith.addi %add3A_90, %add3A_103 : i32
      %min3A_105 = arith.constant 38 : i32
      %min3A_106 = arith.minsi %add3A_104, %min3A_105 : i32
      %mul3A_107 = arith.constant 128 : i32
      %mul3A_108 = arith.muli %min3A_106, %mul3A_107 : i32
      %add3A_109 = arith.addi %add3A_4, %mul3A_108 : i32
      %dma_start3A_110 = tpu.memref_slice %arg3[%add3A_109] : memref<320000xi32, #tpu.memory_space<hbm>> -> memref<128xi32, #tpu.memory_space<hbm>>
      %dma_start3A_111 = tpu.memref_slice %arg3[%add3A_109] : memref<320000xi32, #tpu.memory_space<hbm>> -> memref<128xi32, #tpu.memory_space<hbm>>
      tpu.enqueue_dma source(%dma_start3A_111 : memref<128xi32, #tpu.memory_space<hbm>>) target(%arg6 : memref<128xi32, #tpu.memory_space<vmem>>) target_semaphore(%arg10 : memref<!tpu.dma_semaphore, #tpu.memory_space<semaphore_mem>>)
      %mul3A_112 = arith.constant 128 : i32
      %mul3A_113 = arith.muli %add3A_90, %mul3A_112 : i32
      %add3A_114 = arith.addi %mul3A_6, %mul3A_113 : i32
      %dma_start3A_115 = arith.constant 0 : i32
      %dma_start3A_116 = tpu.memref_slice %arg4[%add3A_114, %dma_start3A_115] : memref<160000x128xi32, #tpu.memory_space<hbm>> -> memref<128x128xi32, #tpu.memory_space<hbm>>
      %dma_start3A_117 = arith.constant 0 : i32
      %dma_start3A_118 = tpu.memref_slice %arg4[%add3A_114, %dma_start3A_117] : memref<160000x128xi32, #tpu.memory_space<hbm>> -> memref<128x128xi32, #tpu.memory_space<hbm>>
      tpu.enqueue_dma source(%arg8 : memref<128x128xi32, #tpu.memory_space<vmem>>) target(%dma_start3A_118 : memref<128x128xi32, #tpu.memory_space<hbm>>) target_semaphore(%arg12 : memref<!tpu.dma_semaphore, #tpu.memory_space<semaphore_mem>>)
    }
    %scan3A_29 = arith.constant 19 : i32
    %add3A_30 = arith.constant 4864 : i32
    %add3A_31 = arith.addi %add3A_4, %add3A_30 : i32
    %dma_wait3A = tpu.memref_slice %arg3[%add3A_31] : memref<320000xi32, #tpu.memory_space<hbm>> -> memref<128xi32, #tpu.memory_space<hbm>>
    %dma_wait3A_32 = tpu.memref_slice %arg3[%add3A_31] : memref<320000xi32, #tpu.memory_space<hbm>> -> memref<128xi32, #tpu.memory_space<hbm>>
    tpu.wait_dma2 semaphore(%arg9 : memref<!tpu.dma_semaphore, #tpu.memory_space<semaphore_mem>>) src(%dma_wait3A_32 : memref<128xi32, #tpu.memory_space<hbm>>) dst(%arg5 : memref<128xi32, #tpu.memory_space<vmem>>)
    %add3A_33 = arith.constant 4864 : i32
    %add3A_34 = arith.addi %mul3A_6, %add3A_33 : i32
    %dma_wait3A_35 = arith.constant 0 : i32
    %dma_wait3A_36 = tpu.memref_slice %arg4[%add3A_34, %dma_wait3A_35] : memref<160000x128xi32, #tpu.memory_space<hbm>> -> memref<128x128xi32, #tpu.memory_space<hbm>>
    %dma_wait3A_37 = arith.constant 0 : i32
    %dma_wait3A_38 = tpu.memref_slice %arg4[%add3A_34, %dma_wait3A_37] : memref<160000x128xi32, #tpu.memory_space<hbm>> -> memref<128x128xi32, #tpu.memory_space<hbm>>
    tpu.wait_dma2 semaphore(%arg11 : memref<!tpu.dma_semaphore, #tpu.memory_space<semaphore_mem>>) src(%arg7 : memref<128x128xi32, #tpu.memory_space<vmem>>) dst(%dma_wait3A_38 : memref<128x128xi32, #tpu.memory_space<hbm>>)
    "tpu.region"() ({
      %run_scoped3A = tpu.sem_alloc : memref<!tpu.dma_semaphore, #tpu.memory_space<semaphore_mem>>
      %dma_start3A_55 = arith.constant 0 : i32
      %dma_start3A_56 = arith.constant 0 : i32
      %dma_start3A_57 = tpu.memref_slice %arg2[%dma_start3A_55, %dma_start3A_56] : memref<10000x128xi32, #tpu.memory_space<hbm>> -> memref<10000x128xi32, #tpu.memory_space<hbm>>
      tpu.enqueue_indirect_dma source(%dma_start3A_57 : memref<10000x128xi32, #tpu.memory_space<hbm>>) target(%arg7 : memref<128x128xi32, #tpu.memory_space<vmem>>) offsets(%arg5 : memref<128xi32, #tpu.memory_space<vmem>>) semaphore(%run_scoped3A : memref<!tpu.dma_semaphore, #tpu.memory_space<semaphore_mem>>)
      %dma_wait3A_58 = arith.constant 0 : i32
      %dma_wait3A_59 = arith.constant 0 : i32
      %dma_wait3A_60 = tpu.memref_slice %arg2[%dma_wait3A_58, %dma_wait3A_59] : memref<10000x128xi32, #tpu.memory_space<hbm>> -> memref<10000x128xi32, #tpu.memory_space<hbm>>
      tpu.wait_indirect_dma semaphore(%run_scoped3A : memref<!tpu.dma_semaphore, #tpu.memory_space<semaphore_mem>>) src(%dma_wait3A_60 : memref<10000x128xi32, #tpu.memory_space<hbm>>) dst(%arg7 : memref<128x128xi32, #tpu.memory_space<vmem>>)
      tpu.yield
    }) : () -> ()
    %add3A_39 = arith.constant 4864 : i32
    %add3A_40 = arith.addi %mul3A_6, %add3A_39 : i32
    "tpu.region"() ({
      %run_scoped3A = tpu.sem_alloc : memref<!tpu.dma_semaphore, #tpu.memory_space<semaphore_mem>>
      %dma_start3A_55 = arith.constant 0 : i32
      %dma_start3A_56 = tpu.memref_slice %arg4[%add3A_40, %dma_start3A_55] : memref<160000x128xi32, #tpu.memory_space<hbm>> -> memref<128x128xi32, #tpu.memory_space<hbm>>
      %dma_start3A_57 = arith.constant 0 : i32
      %dma_start3A_58 = tpu.memref_slice %arg4[%add3A_40, %dma_start3A_57] : memref<160000x128xi32, #tpu.memory_space<hbm>> -> memref<128x128xi32, #tpu.memory_space<hbm>>
      tpu.enqueue_dma source(%arg7 : memref<128x128xi32, #tpu.memory_space<vmem>>) target(%dma_start3A_58 : memref<128x128xi32, #tpu.memory_space<hbm>>) target_semaphore(%run_scoped3A : memref<!tpu.dma_semaphore, #tpu.memory_space<semaphore_mem>>)
      %dma_wait3A_59 = arith.constant 0 : i32
      %dma_wait3A_60 = tpu.memref_slice %arg4[%add3A_40, %dma_wait3A_59] : memref<160000x128xi32, #tpu.memory_space<hbm>> -> memref<128x128xi32, #tpu.memory_space<hbm>>
      %dma_wait3A_61 = arith.constant 0 : i32
      %dma_wait3A_62 = tpu.memref_slice %arg4[%add3A_40, %dma_wait3A_61] : memref<160000x128xi32, #tpu.memory_space<hbm>> -> memref<128x128xi32, #tpu.memory_space<hbm>>
      tpu.wait_dma2 semaphore(%run_scoped3A : memref<!tpu.dma_semaphore, #tpu.memory_space<semaphore_mem>>) src(%arg7 : memref<128x128xi32, #tpu.memory_space<vmem>>) dst(%dma_wait3A_62 : memref<128x128xi32, #tpu.memory_space<hbm>>)
      tpu.yield
    }) : () -> ()
    %add3A_41 = arith.constant 4864 : i32
    %add3A_42 = arith.addi %add3A_4, %add3A_41 : i32
    %dma_wait3A_43 = tpu.memref_slice %arg3[%add3A_42] : memref<320000xi32, #tpu.memory_space<hbm>> -> memref<128xi32, #tpu.memory_space<hbm>>
    %dma_wait3A_44 = tpu.memref_slice %arg3[%add3A_42] : memref<320000xi32, #tpu.memory_space<hbm>> -> memref<128xi32, #tpu.memory_space<hbm>>
    tpu.wait_dma2 semaphore(%arg10 : memref<!tpu.dma_semaphore, #tpu.memory_space<semaphore_mem>>) src(%dma_wait3A_44 : memref<128xi32, #tpu.memory_space<hbm>>) dst(%arg6 : memref<128xi32, #tpu.memory_space<vmem>>)
    %add3A_45 = arith.constant 4864 : i32
    %add3A_46 = arith.addi %mul3A_6, %add3A_45 : i32
    %dma_wait3A_47 = arith.constant 0 : i32
    %dma_wait3A_48 = tpu.memref_slice %arg4[%add3A_46, %dma_wait3A_47] : memref<160000x128xi32, #tpu.memory_space<hbm>> -> memref<128x128xi32, #tpu.memory_space<hbm>>
    %dma_wait3A_49 = arith.constant 0 : i32
    %dma_wait3A_50 = tpu.memref_slice %arg4[%add3A_46, %dma_wait3A_49] : memref<160000x128xi32, #tpu.memory_space<hbm>> -> memref<128x128xi32, #tpu.memory_space<hbm>>
    tpu.wait_dma2 semaphore(%arg12 : memref<!tpu.dma_semaphore, #tpu.memory_space<semaphore_mem>>) src(%arg8 : memref<128x128xi32, #tpu.memory_space<vmem>>) dst(%dma_wait3A_50 : memref<128x128xi32, #tpu.memory_space<hbm>>)
    %add3A_51 = arith.constant 4992 : i32
    %add3A_52 = arith.addi %add3A_4, %add3A_51 : i32
    %add3A_53 = arith.constant 4992 : i32
    %add3A_54 = arith.addi %mul3A_6, %add3A_53 : i32
    "tpu.region"() ({
      %run_scoped3A = tpu.sem_alloc : memref<!tpu.dma_semaphore, #tpu.memory_space<semaphore_mem>>
      %dma_start3A_55 = arith.constant 0 : i32
      %dma_start3A_56 = tpu.memref_slice %arg5[%dma_start3A_55] : memref<128xi32, #tpu.memory_space<vmem>> -> memref<8xi32, #tpu.memory_space<vmem>>
      %dma_start3A_57 = tpu.memref_slice %arg3[%add3A_52] : memref<320000xi32, #tpu.memory_space<hbm>> -> memref<8xi32, #tpu.memory_space<hbm>>
      %dma_start3A_58 = arith.constant 0 : i32
      %dma_start3A_59 = tpu.memref_slice %arg5[%dma_start3A_58] : memref<128xi32, #tpu.memory_space<vmem>> -> memref<8xi32, #tpu.memory_space<vmem>>
      %dma_start3A_60 = tpu.memref_slice %arg3[%add3A_52] : memref<320000xi32, #tpu.memory_space<hbm>> -> memref<8xi32, #tpu.memory_space<hbm>>
      tpu.enqueue_dma source(%dma_start3A_60 : memref<8xi32, #tpu.memory_space<hbm>>) target(%dma_start3A_59 : memref<8xi32, #tpu.memory_space<vmem>>) target_semaphore(%run_scoped3A : memref<!tpu.dma_semaphore, #tpu.memory_space<semaphore_mem>>)
      %dma_wait3A_61 = arith.constant 0 : i32
      %dma_wait3A_62 = tpu.memref_slice %arg5[%dma_wait3A_61] : memref<128xi32, #tpu.memory_space<vmem>> -> memref<8xi32, #tpu.memory_space<vmem>>
      %dma_wait3A_63 = tpu.memref_slice %arg3[%add3A_52] : memref<320000xi32, #tpu.memory_space<hbm>> -> memref<8xi32, #tpu.memory_space<hbm>>
      %dma_wait3A_64 = arith.constant 0 : i32
      %dma_wait3A_65 = tpu.memref_slice %arg5[%dma_wait3A_64] : memref<128xi32, #tpu.memory_space<vmem>> -> memref<8xi32, #tpu.memory_space<vmem>>
      %dma_wait3A_66 = tpu.memref_slice %arg3[%add3A_52] : memref<320000xi32, #tpu.memory_space<hbm>> -> memref<8xi32, #tpu.memory_space<hbm>>
      tpu.wait_dma2 semaphore(%run_scoped3A : memref<!tpu.dma_semaphore, #tpu.memory_space<semaphore_mem>>) src(%dma_wait3A_66 : memref<8xi32, #tpu.memory_space<hbm>>) dst(%dma_wait3A_65 : memref<8xi32, #tpu.memory_space<vmem>>)
      tpu.yield
    }) : () -> ()
    "tpu.region"() ({
      %run_scoped3A = tpu.sem_alloc : memref<!tpu.dma_semaphore, #tpu.memory_space<semaphore_mem>>
      %dma_start3A_55 = arith.constant 0 : i32
      %dma_start3A_56 = arith.constant 0 : i32
      %dma_start3A_57 = tpu.memref_slice %arg7[%dma_start3A_55, %dma_start3A_56] : memref<128x128xi32, #tpu.memory_space<vmem>> -> memref<8x128xi32, #tpu.memory_space<vmem>>
      %dma_start3A_58 = arith.constant 0 : i32
      %dma_start3A_59 = tpu.memref_slice %arg5[%dma_start3A_58] : memref<128xi32, #tpu.memory_space<vmem>> -> memref<8xi32, #tpu.memory_space<vmem>>
      %dma_start3A_60 = arith.constant 0 : i32
      %dma_start3A_61 = arith.constant 0 : i32
      %dma_start3A_62 = tpu.memref_slice %arg2[%dma_start3A_60, %dma_start3A_61] : memref<10000x128xi32, #tpu.memory_space<hbm>> -> memref<10000x128xi32, #tpu.memory_space<hbm>>
      tpu.enqueue_indirect_dma source(%dma_start3A_62 : memref<10000x128xi32, #tpu.memory_space<hbm>>) target(%dma_start3A_57 : memref<8x128xi32, #tpu.memory_space<vmem>>) offsets(%dma_start3A_59 : memref<8xi32, #tpu.memory_space<vmem>>) semaphore(%run_scoped3A : memref<!tpu.dma_semaphore, #tpu.memory_space<semaphore_mem>>)
      %dma_wait3A_63 = arith.constant 0 : i32
      %dma_wait3A_64 = arith.constant 0 : i32
      %dma_wait3A_65 = tpu.memref_slice %arg7[%dma_wait3A_63, %dma_wait3A_64] : memref<128x128xi32, #tpu.memory_space<vmem>> -> memref<8x128xi32, #tpu.memory_space<vmem>>
      %dma_wait3A_66 = arith.constant 0 : i32
      %dma_wait3A_67 = tpu.memref_slice %arg5[%dma_wait3A_66] : memref<128xi32, #tpu.memory_space<vmem>> -> memref<8xi32, #tpu.memory_space<vmem>>
      %dma_wait3A_68 = arith.constant 0 : i32
      %dma_wait3A_69 = arith.constant 0 : i32
      %dma_wait3A_70 = tpu.memref_slice %arg2[%dma_wait3A_68, %dma_wait3A_69] : memref<10000x128xi32, #tpu.memory_space<hbm>> -> memref<10000x128xi32, #tpu.memory_space<hbm>>
      tpu.wait_indirect_dma semaphore(%run_scoped3A : memref<!tpu.dma_semaphore, #tpu.memory_space<semaphore_mem>>) src(%dma_wait3A_70 : memref<10000x128xi32, #tpu.memory_space<hbm>>) dst(%dma_wait3A_65 : memref<8x128xi32, #tpu.memory_space<vmem>>)
      tpu.yield
    }) : () -> ()
    "tpu.region"() ({
      %run_scoped3A = tpu.sem_alloc : memref<!tpu.dma_semaphore, #tpu.memory_space<semaphore_mem>>
      %dma_start3A_55 = arith.constant 0 : i32
      %dma_start3A_56 = arith.constant 0 : i32
      %dma_start3A_57 = tpu.memref_slice %arg7[%dma_start3A_55, %dma_start3A_56] : memref<128x128xi32, #tpu.memory_space<vmem>> -> memref<8x128xi32, #tpu.memory_space<vmem>>
      %dma_start3A_58 = arith.constant 0 : i32
      %dma_start3A_59 = tpu.memref_slice %arg4[%add3A_54, %dma_start3A_58] : memref<160000x128xi32, #tpu.memory_space<hbm>> -> memref<8x128xi32, #tpu.memory_space<hbm>>
      %dma_start3A_60 = arith.constant 0 : i32
      %dma_start3A_61 = tpu.memref_slice %arg4[%add3A_54, %dma_start3A_60] : memref<160000x128xi32, #tpu.memory_space<hbm>> -> memref<8x128xi32, #tpu.memory_space<hbm>>
      %dma_start3A_62 = arith.constant 0 : i32
      %dma_start3A_63 = arith.constant 0 : i32
      %dma_start3A_64 = tpu.memref_slice %arg7[%dma_start3A_62, %dma_start3A_63] : memref<128x128xi32, #tpu.memory_space<vmem>> -> memref<8x128xi32, #tpu.memory_space<vmem>>
      tpu.enqueue_dma source(%dma_start3A_64 : memref<8x128xi32, #tpu.memory_space<vmem>>) target(%dma_start3A_61 : memref<8x128xi32, #tpu.memory_space<hbm>>) target_semaphore(%run_scoped3A : memref<!tpu.dma_semaphore, #tpu.memory_space<semaphore_mem>>)
      %dma_wait3A_65 = arith.constant 0 : i32
      %dma_wait3A_66 = arith.constant 0 : i32
      %dma_wait3A_67 = tpu.memref_slice %arg7[%dma_wait3A_65, %dma_wait3A_66] : memref<128x128xi32, #tpu.memory_space<vmem>> -> memref<8x128xi32, #tpu.memory_space<vmem>>
      %dma_wait3A_68 = arith.constant 0 : i32
      %dma_wait3A_69 = tpu.memref_slice %arg4[%add3A_54, %dma_wait3A_68] : memref<160000x128xi32, #tpu.memory_space<hbm>> -> memref<8x128xi32, #tpu.memory_space<hbm>>
      %dma_wait3A_70 = arith.constant 0 : i32
      %dma_wait3A_71 = tpu.memref_slice %arg4[%add3A_54, %dma_wait3A_70] : memref<160000x128xi32, #tpu.memory_space<hbm>> -> memref<8x128xi32, #tpu.memory_space<hbm>>
      %dma_wait3A_72 = arith.constant 0 : i32
      %dma_wait3A_73 = arith.constant 0 : i32
      %dma_wait3A_74 = tpu.memref_slice %arg7[%dma_wait3A_72, %dma_wait3A_73] : memref<128x128xi32, #tpu.memory_space<vmem>> -> memref<8x128xi32, #tpu.memory_space<vmem>>
      tpu.wait_dma2 semaphore(%run_scoped3A : memref<!tpu.dma_semaphore, #tpu.memory_space<semaphore_mem>>) src(%dma_wait3A_74 : memref<8x128xi32, #tpu.memory_space<vmem>>) dst(%dma_wait3A_71 : memref<8x128xi32, #tpu.memory_space<hbm>>)
      tpu.yield
    }) : () -> ()
    return
  }
}

#map = affine_map<(d0, d1) -> (0, 0)>
#map1 = affine_map<(d0, d1) -> (0)>
#map2 = affine_map<(d0, d1) -> (0, 0, 0)>
module attributes {stable_mosaic.version = 14 : i64} {
  func.func @_scatter(%arg0: i32, %arg1: i32, %arg2: memref<160000x128xf32, #tpu.memory_space<hbm>>, %arg3: memref<320000xi32, #tpu.memory_space<hbm>>, %arg4: memref<10000x128xf32, #tpu.memory_space<hbm>>, %arg5: memref<2x10000x128xf32, #tpu.memory_space<hbm>>, %arg6: memref<128xi32, #tpu.memory_space<vmem>>, %arg7: memref<128xi32, #tpu.memory_space<vmem>>, %arg8: memref<128x128xf32, #tpu.memory_space<vmem>>, %arg9: memref<128x128xf32, #tpu.memory_space<vmem>>, %arg10: memref<!tpu.dma_semaphore, #tpu.memory_space<semaphore_mem>>, %arg11: memref<!tpu.dma_semaphore, #tpu.memory_space<semaphore_mem>>, %arg12: memref<8xi32, #tpu.memory_space<vmem>>, %arg13: memref<10000x128xf32, #tpu.memory_space<vmem_shared>>) attributes {dimension_semantics = [#tpu.dimension_semantics<core_parallel>, #tpu.dimension_semantics<subcore_parallel>], iteration_bounds = array<i64: 2, 16>, scalar_prefetch = 0 : i64, scratch_operands = 8 : i64, tpu.core_type = #tpu.core_type<sc_vector_subcore>, window_params = [{transform_indices = #map}, {transform_indices = #map1}, {transform_indices = #map}, {transform_indices = #map2}]} {
    %mul3A = arith.constant 16 : i32
    %mul3A_0 = arith.muli %arg0, %mul3A : i32
    %add3A = arith.addi %mul3A_0, %arg1 : i32
    %mul3A_1 = arith.constant 5000 : i32
    %mul3A_2 = arith.muli %add3A, %mul3A_1 : i32
    %add3A_3 = arith.constant 160000 : i32
    %add3A_4 = arith.addi %add3A_3, %mul3A_2 : i32
    %mul3A_5 = arith.constant 5000 : i32
    %mul3A_6 = arith.muli %add3A, %mul3A_5 : i32
    %eq3A = arith.constant 0 : i32
    %eq3A_7 = arith.cmpi eq, %arg1, %eq3A : i32
    %convert_element_type3A = arith.extui %eq3A_7 : i1 to i32
    %cond3A = arith.constant 0 : i32
    %cond3A_8 = arith.cmpi ne, %convert_element_type3A, %cond3A : i32
    scf.if %cond3A_8 {
      "tpu.region"() ({
        %run_scoped3A = tpu.sem_alloc : memref<!tpu.dma_semaphore, #tpu.memory_space<semaphore_mem>>
        tpu.enqueue_dma source(%arg4 : memref<10000x128xf32, #tpu.memory_space<hbm>>) target(%arg13 : memref<10000x128xf32, #tpu.memory_space<vmem_shared>>) target_semaphore(%run_scoped3A : memref<!tpu.dma_semaphore, #tpu.memory_space<semaphore_mem>>)
        tpu.wait_dma2 semaphore(%run_scoped3A : memref<!tpu.dma_semaphore, #tpu.memory_space<semaphore_mem>>) src(%arg4 : memref<10000x128xf32, #tpu.memory_space<hbm>>) dst(%arg13 : memref<10000x128xf32, #tpu.memory_space<vmem_shared>>)
        tpu.yield
      }) : () -> ()
    } else {
    }
    %barrier3A = arith.constant 0 : index
    tpu.barrier barrier_id(%barrier3A)
    %add3A_9 = arith.constant 0 : i32
    %add3A_10 = arith.addi %add3A_4, %add3A_9 : i32
    %add3A_11 = arith.constant 0 : i32
    %add3A_12 = arith.addi %mul3A_6, %add3A_11 : i32
    %add3A_13 = arith.constant 128 : i32
    %add3A_14 = arith.addi %add3A_4, %add3A_13 : i32
    %add3A_15 = arith.constant 128 : i32
    %add3A_16 = arith.addi %mul3A_6, %add3A_15 : i32
    %dma_start3A = tpu.memref_slice %arg3[%add3A_10] : memref<320000xi32, #tpu.memory_space<hbm>> -> memref<128xi32, #tpu.memory_space<hbm>>
    %dma_start3A_17 = tpu.memref_slice %arg3[%add3A_10] : memref<320000xi32, #tpu.memory_space<hbm>> -> memref<128xi32, #tpu.memory_space<hbm>>
    tpu.enqueue_dma source(%dma_start3A_17 : memref<128xi32, #tpu.memory_space<hbm>>) target(%arg6 : memref<128xi32, #tpu.memory_space<vmem>>) target_semaphore(%arg10 : memref<!tpu.dma_semaphore, #tpu.memory_space<semaphore_mem>>)
    %dma_start3A_18 = arith.constant 0 : i32
    %dma_start3A_19 = tpu.memref_slice %arg2[%add3A_12, %dma_start3A_18] : memref<160000x128xf32, #tpu.memory_space<hbm>> -> memref<128x128xf32, #tpu.memory_space<hbm>>
    %dma_start3A_20 = arith.constant 0 : i32
    %dma_start3A_21 = tpu.memref_slice %arg2[%add3A_12, %dma_start3A_20] : memref<160000x128xf32, #tpu.memory_space<hbm>> -> memref<128x128xf32, #tpu.memory_space<hbm>>
    tpu.enqueue_dma source(%dma_start3A_21 : memref<128x128xf32, #tpu.memory_space<hbm>>) target(%arg8 : memref<128x128xf32, #tpu.memory_space<vmem>>) target_semaphore(%arg10 : memref<!tpu.dma_semaphore, #tpu.memory_space<semaphore_mem>>)
    %dma_start3A_22 = tpu.memref_slice %arg3[%add3A_14] : memref<320000xi32, #tpu.memory_space<hbm>> -> memref<128xi32, #tpu.memory_space<hbm>>
    %dma_start3A_23 = tpu.memref_slice %arg3[%add3A_14] : memref<320000xi32, #tpu.memory_space<hbm>> -> memref<128xi32, #tpu.memory_space<hbm>>
    tpu.enqueue_dma source(%dma_start3A_23 : memref<128xi32, #tpu.memory_space<hbm>>) target(%arg7 : memref<128xi32, #tpu.memory_space<vmem>>) target_semaphore(%arg11 : memref<!tpu.dma_semaphore, #tpu.memory_space<semaphore_mem>>)
    %dma_start3A_24 = arith.constant 0 : i32
    %dma_start3A_25 = tpu.memref_slice %arg2[%add3A_16, %dma_start3A_24] : memref<160000x128xf32, #tpu.memory_space<hbm>> -> memref<128x128xf32, #tpu.memory_space<hbm>>
    %dma_start3A_26 = arith.constant 0 : i32
    %dma_start3A_27 = tpu.memref_slice %arg2[%add3A_16, %dma_start3A_26] : memref<160000x128xf32, #tpu.memory_space<hbm>> -> memref<128x128xf32, #tpu.memory_space<hbm>>
    tpu.enqueue_dma source(%dma_start3A_27 : memref<128x128xf32, #tpu.memory_space<hbm>>) target(%arg9 : memref<128x128xf32, #tpu.memory_space<vmem>>) target_semaphore(%arg11 : memref<!tpu.dma_semaphore, #tpu.memory_space<semaphore_mem>>)
    %scan3A = arith.constant 0 : i32
    %scan3A_28 = arith.constant 19 : i32
    %scan3A_29 = arith.addi %scan3A, %scan3A_28 : i32
    %scan3A_30 = arith.constant 1 : i32
    scf.for %scan3A_61 = %scan3A to %scan3A_29 step %scan3A_30  : i32 {
      %mul3A_62 = arith.constant 2 : i32
      %mul3A_63 = arith.muli %scan3A_61, %mul3A_62 : i32
      %add3A_64 = arith.constant 0 : i32
      %add3A_65 = arith.addi %add3A_64, %mul3A_63 : i32
      %add3A_66 = arith.constant 0 : i32
      %add3A_67 = arith.addi %add3A_65, %add3A_66 : i32
      %mul3A_68 = arith.constant 128 : i32
      %mul3A_69 = arith.muli %add3A_67, %mul3A_68 : i32
      %add3A_70 = arith.addi %add3A_4, %mul3A_69 : i32
      %mul3A_71 = arith.constant 128 : i32
      %mul3A_72 = arith.muli %add3A_67, %mul3A_71 : i32
      %add3A_73 = arith.addi %mul3A_6, %mul3A_72 : i32
      %dma_wait3A_74 = tpu.memref_slice %arg3[%add3A_70] : memref<320000xi32, #tpu.memory_space<hbm>> -> memref<128xi32, #tpu.memory_space<hbm>>
      %dma_wait3A_75 = tpu.memref_slice %arg3[%add3A_70] : memref<320000xi32, #tpu.memory_space<hbm>> -> memref<128xi32, #tpu.memory_space<hbm>>
      tpu.wait_dma2 semaphore(%arg10 : memref<!tpu.dma_semaphore, #tpu.memory_space<semaphore_mem>>) src(%dma_wait3A_75 : memref<128xi32, #tpu.memory_space<hbm>>) dst(%arg6 : memref<128xi32, #tpu.memory_space<vmem>>)
      %dma_wait3A_76 = arith.constant 0 : i32
      %dma_wait3A_77 = tpu.memref_slice %arg2[%add3A_73, %dma_wait3A_76] : memref<160000x128xf32, #tpu.memory_space<hbm>> -> memref<128x128xf32, #tpu.memory_space<hbm>>
      %dma_wait3A_78 = arith.constant 0 : i32
      %dma_wait3A_79 = tpu.memref_slice %arg2[%add3A_73, %dma_wait3A_78] : memref<160000x128xf32, #tpu.memory_space<hbm>> -> memref<128x128xf32, #tpu.memory_space<hbm>>
      tpu.wait_dma2 semaphore(%arg10 : memref<!tpu.dma_semaphore, #tpu.memory_space<semaphore_mem>>) src(%dma_wait3A_79 : memref<128x128xf32, #tpu.memory_space<hbm>>) dst(%arg8 : memref<128x128xf32, #tpu.memory_space<vmem>>)
      "tpu.region"() ({
        %run_scoped3A = tpu.sem_alloc : memref<!tpu.dma_semaphore, #tpu.memory_space<semaphore_mem>>
        %dma_start3A_125 = arith.constant 0 : i32
        %dma_start3A_126 = arith.constant 0 : i32
        %dma_start3A_127 = tpu.memref_slice %arg13[%dma_start3A_125, %dma_start3A_126] : memref<10000x128xf32, #tpu.memory_space<vmem_shared>> -> memref<10000x128xf32, #tpu.memory_space<vmem_shared>>
        tpu.enqueue_indirect_dma source(%arg8 : memref<128x128xf32, #tpu.memory_space<vmem>>) target(%dma_start3A_127 : memref<10000x128xf32, #tpu.memory_space<vmem_shared>>) offsets(%arg6 : memref<128xi32, #tpu.memory_space<vmem>>) semaphore(%run_scoped3A : memref<!tpu.dma_semaphore, #tpu.memory_space<semaphore_mem>>) {add = true}
        %dma_wait3A_128 = arith.constant 0 : i32
        %dma_wait3A_129 = arith.constant 0 : i32
        %dma_wait3A_130 = tpu.memref_slice %arg13[%dma_wait3A_128, %dma_wait3A_129] : memref<10000x128xf32, #tpu.memory_space<vmem_shared>> -> memref<10000x128xf32, #tpu.memory_space<vmem_shared>>
        tpu.wait_indirect_dma semaphore(%run_scoped3A : memref<!tpu.dma_semaphore, #tpu.memory_space<semaphore_mem>>) src(%arg8 : memref<128x128xf32, #tpu.memory_space<vmem>>) dst(%dma_wait3A_130 : memref<10000x128xf32, #tpu.memory_space<vmem_shared>>)
        tpu.yield
      }) : () -> ()
      %add3A_80 = arith.constant 2 : i32
      %add3A_81 = arith.addi %add3A_67, %add3A_80 : i32
      %min3A = arith.constant 38 : i32
      %min3A_82 = arith.minsi %add3A_81, %min3A : i32
      %mul3A_83 = arith.constant 128 : i32
      %mul3A_84 = arith.muli %min3A_82, %mul3A_83 : i32
      %add3A_85 = arith.addi %add3A_4, %mul3A_84 : i32
      %mul3A_86 = arith.constant 128 : i32
      %mul3A_87 = arith.muli %min3A_82, %mul3A_86 : i32
      %add3A_88 = arith.addi %mul3A_6, %mul3A_87 : i32
      %dma_start3A_89 = tpu.memref_slice %arg3[%add3A_85] : memref<320000xi32, #tpu.memory_space<hbm>> -> memref<128xi32, #tpu.memory_space<hbm>>
      %dma_start3A_90 = tpu.memref_slice %arg3[%add3A_85] : memref<320000xi32, #tpu.memory_space<hbm>> -> memref<128xi32, #tpu.memory_space<hbm>>
      tpu.enqueue_dma source(%dma_start3A_90 : memref<128xi32, #tpu.memory_space<hbm>>) target(%arg6 : memref<128xi32, #tpu.memory_space<vmem>>) target_semaphore(%arg10 : memref<!tpu.dma_semaphore, #tpu.memory_space<semaphore_mem>>)
      %dma_start3A_91 = arith.constant 0 : i32
      %dma_start3A_92 = tpu.memref_slice %arg2[%add3A_88, %dma_start3A_91] : memref<160000x128xf32, #tpu.memory_space<hbm>> -> memref<128x128xf32, #tpu.memory_space<hbm>>
      %dma_start3A_93 = arith.constant 0 : i32
      %dma_start3A_94 = tpu.memref_slice %arg2[%add3A_88, %dma_start3A_93] : memref<160000x128xf32, #tpu.memory_space<hbm>> -> memref<128x128xf32, #tpu.memory_space<hbm>>
      tpu.enqueue_dma source(%dma_start3A_94 : memref<128x128xf32, #tpu.memory_space<hbm>>) target(%arg8 : memref<128x128xf32, #tpu.memory_space<vmem>>) target_semaphore(%arg10 : memref<!tpu.dma_semaphore, #tpu.memory_space<semaphore_mem>>)
      %add3A_95 = arith.constant 1 : i32
      %add3A_96 = arith.addi %add3A_65, %add3A_95 : i32
      %mul3A_97 = arith.constant 128 : i32
      %mul3A_98 = arith.muli %add3A_96, %mul3A_97 : i32
      %add3A_99 = arith.addi %add3A_4, %mul3A_98 : i32
      %mul3A_100 = arith.constant 128 : i32
      %mul3A_101 = arith.muli %add3A_96, %mul3A_100 : i32
      %add3A_102 = arith.addi %mul3A_6, %mul3A_101 : i32
      %dma_wait3A_103 = tpu.memref_slice %arg3[%add3A_99] : memref<320000xi32, #tpu.memory_space<hbm>> -> memref<128xi32, #tpu.memory_space<hbm>>
      %dma_wait3A_104 = tpu.memref_slice %arg3[%add3A_99] : memref<320000xi32, #tpu.memory_space<hbm>> -> memref<128xi32, #tpu.memory_space<hbm>>
      tpu.wait_dma2 semaphore(%arg11 : memref<!tpu.dma_semaphore, #tpu.memory_space<semaphore_mem>>) src(%dma_wait3A_104 : memref<128xi32, #tpu.memory_space<hbm>>) dst(%arg7 : memref<128xi32, #tpu.memory_space<vmem>>)
      %dma_wait3A_105 = arith.constant 0 : i32
      %dma_wait3A_106 = tpu.memref_slice %arg2[%add3A_102, %dma_wait3A_105] : memref<160000x128xf32, #tpu.memory_space<hbm>> -> memref<128x128xf32, #tpu.memory_space<hbm>>
      %dma_wait3A_107 = arith.constant 0 : i32
      %dma_wait3A_108 = tpu.memref_slice %arg2[%add3A_102, %dma_wait3A_107] : memref<160000x128xf32, #tpu.memory_space<hbm>> -> memref<128x128xf32, #tpu.memory_space<hbm>>
      tpu.wait_dma2 semaphore(%arg11 : memref<!tpu.dma_semaphore, #tpu.memory_space<semaphore_mem>>) src(%dma_wait3A_108 : memref<128x128xf32, #tpu.memory_space<hbm>>) dst(%arg9 : memref<128x128xf32, #tpu.memory_space<vmem>>)
      "tpu.region"() ({
        %run_scoped3A = tpu.sem_alloc : memref<!tpu.dma_semaphore, #tpu.memory_space<semaphore_mem>>
        %dma_start3A_125 = arith.constant 0 : i32
        %dma_start3A_126 = arith.constant 0 : i32
        %dma_start3A_127 = tpu.memref_slice %arg13[%dma_start3A_125, %dma_start3A_126] : memref<10000x128xf32, #tpu.memory_space<vmem_shared>> -> memref<10000x128xf32, #tpu.memory_space<vmem_shared>>
        tpu.enqueue_indirect_dma source(%arg9 : memref<128x128xf32, #tpu.memory_space<vmem>>) target(%dma_start3A_127 : memref<10000x128xf32, #tpu.memory_space<vmem_shared>>) offsets(%arg7 : memref<128xi32, #tpu.memory_space<vmem>>) semaphore(%run_scoped3A : memref<!tpu.dma_semaphore, #tpu.memory_space<semaphore_mem>>) {add = true}
        %dma_wait3A_128 = arith.constant 0 : i32
        %dma_wait3A_129 = arith.constant 0 : i32
        %dma_wait3A_130 = tpu.memref_slice %arg13[%dma_wait3A_128, %dma_wait3A_129] : memref<10000x128xf32, #tpu.memory_space<vmem_shared>> -> memref<10000x128xf32, #tpu.memory_space<vmem_shared>>
        tpu.wait_indirect_dma semaphore(%run_scoped3A : memref<!tpu.dma_semaphore, #tpu.memory_space<semaphore_mem>>) src(%arg9 : memref<128x128xf32, #tpu.memory_space<vmem>>) dst(%dma_wait3A_130 : memref<10000x128xf32, #tpu.memory_space<vmem_shared>>)
        tpu.yield
      }) : () -> ()
      %add3A_109 = arith.constant 2 : i32
      %add3A_110 = arith.addi %add3A_96, %add3A_109 : i32
      %min3A_111 = arith.constant 38 : i32
      %min3A_112 = arith.minsi %add3A_110, %min3A_111 : i32
      %mul3A_113 = arith.constant 128 : i32
      %mul3A_114 = arith.muli %min3A_112, %mul3A_113 : i32
      %add3A_115 = arith.addi %add3A_4, %mul3A_114 : i32
      %mul3A_116 = arith.constant 128 : i32
      %mul3A_117 = arith.muli %min3A_112, %mul3A_116 : i32
      %add3A_118 = arith.addi %mul3A_6, %mul3A_117 : i32
      %dma_start3A_119 = tpu.memref_slice %arg3[%add3A_115] : memref<320000xi32, #tpu.memory_space<hbm>> -> memref<128xi32, #tpu.memory_space<hbm>>
      %dma_start3A_120 = tpu.memref_slice %arg3[%add3A_115] : memref<320000xi32, #tpu.memory_space<hbm>> -> memref<128xi32, #tpu.memory_space<hbm>>
      tpu.enqueue_dma source(%dma_start3A_120 : memref<128xi32, #tpu.memory_space<hbm>>) target(%arg7 : memref<128xi32, #tpu.memory_space<vmem>>) target_semaphore(%arg11 : memref<!tpu.dma_semaphore, #tpu.memory_space<semaphore_mem>>)
      %dma_start3A_121 = arith.constant 0 : i32
      %dma_start3A_122 = tpu.memref_slice %arg2[%add3A_118, %dma_start3A_121] : memref<160000x128xf32, #tpu.memory_space<hbm>> -> memref<128x128xf32, #tpu.memory_space<hbm>>
      %dma_start3A_123 = arith.constant 0 : i32
      %dma_start3A_124 = tpu.memref_slice %arg2[%add3A_118, %dma_start3A_123] : memref<160000x128xf32, #tpu.memory_space<hbm>> -> memref<128x128xf32, #tpu.memory_space<hbm>>
      tpu.enqueue_dma source(%dma_start3A_124 : memref<128x128xf32, #tpu.memory_space<hbm>>) target(%arg9 : memref<128x128xf32, #tpu.memory_space<vmem>>) target_semaphore(%arg11 : memref<!tpu.dma_semaphore, #tpu.memory_space<semaphore_mem>>)
    }
    %scan3A_31 = arith.constant 19 : i32
    %add3A_32 = arith.constant 4864 : i32
    %add3A_33 = arith.addi %add3A_4, %add3A_32 : i32
    %add3A_34 = arith.constant 4864 : i32
    %add3A_35 = arith.addi %mul3A_6, %add3A_34 : i32
    %dma_wait3A = tpu.memref_slice %arg3[%add3A_33] : memref<320000xi32, #tpu.memory_space<hbm>> -> memref<128xi32, #tpu.memory_space<hbm>>
    %dma_wait3A_36 = tpu.memref_slice %arg3[%add3A_33] : memref<320000xi32, #tpu.memory_space<hbm>> -> memref<128xi32, #tpu.memory_space<hbm>>
    tpu.wait_dma2 semaphore(%arg10 : memref<!tpu.dma_semaphore, #tpu.memory_space<semaphore_mem>>) src(%dma_wait3A_36 : memref<128xi32, #tpu.memory_space<hbm>>) dst(%arg6 : memref<128xi32, #tpu.memory_space<vmem>>)
    %dma_wait3A_37 = arith.constant 0 : i32
    %dma_wait3A_38 = tpu.memref_slice %arg2[%add3A_35, %dma_wait3A_37] : memref<160000x128xf32, #tpu.memory_space<hbm>> -> memref<128x128xf32, #tpu.memory_space<hbm>>
    %dma_wait3A_39 = arith.constant 0 : i32
    %dma_wait3A_40 = tpu.memref_slice %arg2[%add3A_35, %dma_wait3A_39] : memref<160000x128xf32, #tpu.memory_space<hbm>> -> memref<128x128xf32, #tpu.memory_space<hbm>>
    tpu.wait_dma2 semaphore(%arg10 : memref<!tpu.dma_semaphore, #tpu.memory_space<semaphore_mem>>) src(%dma_wait3A_40 : memref<128x128xf32, #tpu.memory_space<hbm>>) dst(%arg8 : memref<128x128xf32, #tpu.memory_space<vmem>>)
    "tpu.region"() ({
      %run_scoped3A = tpu.sem_alloc : memref<!tpu.dma_semaphore, #tpu.memory_space<semaphore_mem>>
      %dma_start3A_61 = arith.constant 0 : i32
      %dma_start3A_62 = arith.constant 0 : i32
      %dma_start3A_63 = tpu.memref_slice %arg13[%dma_start3A_61, %dma_start3A_62] : memref<10000x128xf32, #tpu.memory_space<vmem_shared>> -> memref<10000x128xf32, #tpu.memory_space<vmem_shared>>
      tpu.enqueue_indirect_dma source(%arg8 : memref<128x128xf32, #tpu.memory_space<vmem>>) target(%dma_start3A_63 : memref<10000x128xf32, #tpu.memory_space<vmem_shared>>) offsets(%arg6 : memref<128xi32, #tpu.memory_space<vmem>>) semaphore(%run_scoped3A : memref<!tpu.dma_semaphore, #tpu.memory_space<semaphore_mem>>) {add = true}
      %dma_wait3A_64 = arith.constant 0 : i32
      %dma_wait3A_65 = arith.constant 0 : i32
      %dma_wait3A_66 = tpu.memref_slice %arg13[%dma_wait3A_64, %dma_wait3A_65] : memref<10000x128xf32, #tpu.memory_space<vmem_shared>> -> memref<10000x128xf32, #tpu.memory_space<vmem_shared>>
      tpu.wait_indirect_dma semaphore(%run_scoped3A : memref<!tpu.dma_semaphore, #tpu.memory_space<semaphore_mem>>) src(%arg8 : memref<128x128xf32, #tpu.memory_space<vmem>>) dst(%dma_wait3A_66 : memref<10000x128xf32, #tpu.memory_space<vmem_shared>>)
      tpu.yield
    }) : () -> ()
    %add3A_41 = arith.constant 4864 : i32
    %add3A_42 = arith.addi %add3A_4, %add3A_41 : i32
    %add3A_43 = arith.constant 4864 : i32
    %add3A_44 = arith.addi %mul3A_6, %add3A_43 : i32
    %dma_wait3A_45 = tpu.memref_slice %arg3[%add3A_42] : memref<320000xi32, #tpu.memory_space<hbm>> -> memref<128xi32, #tpu.memory_space<hbm>>
    %dma_wait3A_46 = tpu.memref_slice %arg3[%add3A_42] : memref<320000xi32, #tpu.memory_space<hbm>> -> memref<128xi32, #tpu.memory_space<hbm>>
    tpu.wait_dma2 semaphore(%arg11 : memref<!tpu.dma_semaphore, #tpu.memory_space<semaphore_mem>>) src(%dma_wait3A_46 : memref<128xi32, #tpu.memory_space<hbm>>) dst(%arg7 : memref<128xi32, #tpu.memory_space<vmem>>)
    %dma_wait3A_47 = arith.constant 0 : i32
    %dma_wait3A_48 = tpu.memref_slice %arg2[%add3A_44, %dma_wait3A_47] : memref<160000x128xf32, #tpu.memory_space<hbm>> -> memref<128x128xf32, #tpu.memory_space<hbm>>
    %dma_wait3A_49 = arith.constant 0 : i32
    %dma_wait3A_50 = tpu.memref_slice %arg2[%add3A_44, %dma_wait3A_49] : memref<160000x128xf32, #tpu.memory_space<hbm>> -> memref<128x128xf32, #tpu.memory_space<hbm>>
    tpu.wait_dma2 semaphore(%arg11 : memref<!tpu.dma_semaphore, #tpu.memory_space<semaphore_mem>>) src(%dma_wait3A_50 : memref<128x128xf32, #tpu.memory_space<hbm>>) dst(%arg9 : memref<128x128xf32, #tpu.memory_space<vmem>>)
    %add3A_51 = arith.constant 4992 : i32
    %add3A_52 = arith.addi %add3A_4, %add3A_51 : i32
    %add3A_53 = arith.constant 4992 : i32
    %add3A_54 = arith.addi %mul3A_6, %add3A_53 : i32
    "tpu.region"() ({
      %run_scoped3A = tpu.sem_alloc : memref<!tpu.dma_semaphore, #tpu.memory_space<semaphore_mem>>
      %dma_start3A_61 = arith.constant 0 : i32
      %dma_start3A_62 = tpu.memref_slice %arg12[%dma_start3A_61] : memref<8xi32, #tpu.memory_space<vmem>> -> memref<8xi32, #tpu.memory_space<vmem>>
      %dma_start3A_63 = tpu.memref_slice %arg3[%add3A_52] : memref<320000xi32, #tpu.memory_space<hbm>> -> memref<8xi32, #tpu.memory_space<hbm>>
      %dma_start3A_64 = arith.constant 0 : i32
      %dma_start3A_65 = tpu.memref_slice %arg12[%dma_start3A_64] : memref<8xi32, #tpu.memory_space<vmem>> -> memref<8xi32, #tpu.memory_space<vmem>>
      %dma_start3A_66 = tpu.memref_slice %arg3[%add3A_52] : memref<320000xi32, #tpu.memory_space<hbm>> -> memref<8xi32, #tpu.memory_space<hbm>>
      tpu.enqueue_dma source(%dma_start3A_66 : memref<8xi32, #tpu.memory_space<hbm>>) target(%dma_start3A_65 : memref<8xi32, #tpu.memory_space<vmem>>) target_semaphore(%run_scoped3A : memref<!tpu.dma_semaphore, #tpu.memory_space<semaphore_mem>>)
      %dma_wait3A_67 = arith.constant 0 : i32
      %dma_wait3A_68 = tpu.memref_slice %arg12[%dma_wait3A_67] : memref<8xi32, #tpu.memory_space<vmem>> -> memref<8xi32, #tpu.memory_space<vmem>>
      %dma_wait3A_69 = tpu.memref_slice %arg3[%add3A_52] : memref<320000xi32, #tpu.memory_space<hbm>> -> memref<8xi32, #tpu.memory_space<hbm>>
      %dma_wait3A_70 = arith.constant 0 : i32
      %dma_wait3A_71 = tpu.memref_slice %arg12[%dma_wait3A_70] : memref<8xi32, #tpu.memory_space<vmem>> -> memref<8xi32, #tpu.memory_space<vmem>>
      %dma_wait3A_72 = tpu.memref_slice %arg3[%add3A_52] : memref<320000xi32, #tpu.memory_space<hbm>> -> memref<8xi32, #tpu.memory_space<hbm>>
      tpu.wait_dma2 semaphore(%run_scoped3A : memref<!tpu.dma_semaphore, #tpu.memory_space<semaphore_mem>>) src(%dma_wait3A_72 : memref<8xi32, #tpu.memory_space<hbm>>) dst(%dma_wait3A_71 : memref<8xi32, #tpu.memory_space<vmem>>)
      tpu.yield
    }) : () -> ()
    "tpu.region"() ({
      %run_scoped3A = tpu.sem_alloc : memref<!tpu.dma_semaphore, #tpu.memory_space<semaphore_mem>>
      %dma_start3A_61 = arith.constant 0 : i32
      %dma_start3A_62 = arith.constant 0 : i32
      %dma_start3A_63 = tpu.memref_slice %arg8[%dma_start3A_61, %dma_start3A_62] : memref<128x128xf32, #tpu.memory_space<vmem>> -> memref<8x128xf32, #tpu.memory_space<vmem>>
      %dma_start3A_64 = arith.constant 0 : i32
      %dma_start3A_65 = tpu.memref_slice %arg2[%add3A_54, %dma_start3A_64] : memref<160000x128xf32, #tpu.memory_space<hbm>> -> memref<8x128xf32, #tpu.memory_space<hbm>>
      %dma_start3A_66 = arith.constant 0 : i32
      %dma_start3A_67 = arith.constant 0 : i32
      %dma_start3A_68 = tpu.memref_slice %arg8[%dma_start3A_66, %dma_start3A_67] : memref<128x128xf32, #tpu.memory_space<vmem>> -> memref<8x128xf32, #tpu.memory_space<vmem>>
      %dma_start3A_69 = arith.constant 0 : i32
      %dma_start3A_70 = tpu.memref_slice %arg2[%add3A_54, %dma_start3A_69] : memref<160000x128xf32, #tpu.memory_space<hbm>> -> memref<8x128xf32, #tpu.memory_space<hbm>>
      tpu.enqueue_dma source(%dma_start3A_70 : memref<8x128xf32, #tpu.memory_space<hbm>>) target(%dma_start3A_68 : memref<8x128xf32, #tpu.memory_space<vmem>>) target_semaphore(%run_scoped3A : memref<!tpu.dma_semaphore, #tpu.memory_space<semaphore_mem>>)
      %dma_wait3A_71 = arith.constant 0 : i32
      %dma_wait3A_72 = arith.constant 0 : i32
      %dma_wait3A_73 = tpu.memref_slice %arg8[%dma_wait3A_71, %dma_wait3A_72] : memref<128x128xf32, #tpu.memory_space<vmem>> -> memref<8x128xf32, #tpu.memory_space<vmem>>
      %dma_wait3A_74 = arith.constant 0 : i32
      %dma_wait3A_75 = tpu.memref_slice %arg2[%add3A_54, %dma_wait3A_74] : memref<160000x128xf32, #tpu.memory_space<hbm>> -> memref<8x128xf32, #tpu.memory_space<hbm>>
      %dma_wait3A_76 = arith.constant 0 : i32
      %dma_wait3A_77 = arith.constant 0 : i32
      %dma_wait3A_78 = tpu.memref_slice %arg8[%dma_wait3A_76, %dma_wait3A_77] : memref<128x128xf32, #tpu.memory_space<vmem>> -> memref<8x128xf32, #tpu.memory_space<vmem>>
      %dma_wait3A_79 = arith.constant 0 : i32
      %dma_wait3A_80 = tpu.memref_slice %arg2[%add3A_54, %dma_wait3A_79] : memref<160000x128xf32, #tpu.memory_space<hbm>> -> memref<8x128xf32, #tpu.memory_space<hbm>>
      tpu.wait_dma2 semaphore(%run_scoped3A : memref<!tpu.dma_semaphore, #tpu.memory_space<semaphore_mem>>) src(%dma_wait3A_80 : memref<8x128xf32, #tpu.memory_space<hbm>>) dst(%dma_wait3A_78 : memref<8x128xf32, #tpu.memory_space<vmem>>)
      tpu.yield
    }) : () -> ()
    "tpu.region"() ({
      %run_scoped3A = tpu.sem_alloc : memref<!tpu.dma_semaphore, #tpu.memory_space<semaphore_mem>>
      %dma_start3A_61 = arith.constant 0 : i32
      %dma_start3A_62 = arith.constant 0 : i32
      %dma_start3A_63 = tpu.memref_slice %arg8[%dma_start3A_61, %dma_start3A_62] : memref<128x128xf32, #tpu.memory_space<vmem>> -> memref<8x128xf32, #tpu.memory_space<vmem>>
      %dma_start3A_64 = arith.constant 0 : i32
      %dma_start3A_65 = tpu.memref_slice %arg12[%dma_start3A_64] : memref<8xi32, #tpu.memory_space<vmem>> -> memref<8xi32, #tpu.memory_space<vmem>>
      %dma_start3A_66 = arith.constant 0 : i32
      %dma_start3A_67 = arith.constant 0 : i32
      %dma_start3A_68 = tpu.memref_slice %arg13[%dma_start3A_66, %dma_start3A_67] : memref<10000x128xf32, #tpu.memory_space<vmem_shared>> -> memref<10000x128xf32, #tpu.memory_space<vmem_shared>>
      tpu.enqueue_indirect_dma source(%dma_start3A_63 : memref<8x128xf32, #tpu.memory_space<vmem>>) target(%dma_start3A_68 : memref<10000x128xf32, #tpu.memory_space<vmem_shared>>) offsets(%dma_start3A_65 : memref<8xi32, #tpu.memory_space<vmem>>) semaphore(%run_scoped3A : memref<!tpu.dma_semaphore, #tpu.memory_space<semaphore_mem>>) {add = true}
      %dma_wait3A_69 = arith.constant 0 : i32
      %dma_wait3A_70 = arith.constant 0 : i32
      %dma_wait3A_71 = tpu.memref_slice %arg8[%dma_wait3A_69, %dma_wait3A_70] : memref<128x128xf32, #tpu.memory_space<vmem>> -> memref<8x128xf32, #tpu.memory_space<vmem>>
      %dma_wait3A_72 = arith.constant 0 : i32
      %dma_wait3A_73 = tpu.memref_slice %arg12[%dma_wait3A_72] : memref<8xi32, #tpu.memory_space<vmem>> -> memref<8xi32, #tpu.memory_space<vmem>>
      %dma_wait3A_74 = arith.constant 0 : i32
      %dma_wait3A_75 = arith.constant 0 : i32
      %dma_wait3A_76 = tpu.memref_slice %arg13[%dma_wait3A_74, %dma_wait3A_75] : memref<10000x128xf32, #tpu.memory_space<vmem_shared>> -> memref<10000x128xf32, #tpu.memory_space<vmem_shared>>
      tpu.wait_indirect_dma semaphore(%run_scoped3A : memref<!tpu.dma_semaphore, #tpu.memory_space<semaphore_mem>>) src(%dma_wait3A_71 : memref<8x128xf32, #tpu.memory_space<vmem>>) dst(%dma_wait3A_76 : memref<10000x128xf32, #tpu.memory_space<vmem_shared>>)
      tpu.yield
    }) : () -> ()
    %barrier3A_55 = arith.constant 0 : index
    tpu.barrier barrier_id(%barrier3A_55)
    %eq3A_56 = arith.constant 0 : i32
    %eq3A_57 = arith.cmpi eq, %arg1, %eq3A_56 : i32
    %convert_element_type3A_58 = arith.extui %eq3A_57 : i1 to i32
    %cond3A_59 = arith.constant 0 : i32
    %cond3A_60 = arith.cmpi ne, %convert_element_type3A_58, %cond3A_59 : i32
    scf.if %cond3A_60 {
      "tpu.region"() ({
        %run_scoped3A = tpu.sem_alloc : memref<!tpu.dma_semaphore, #tpu.memory_space<semaphore_mem>>
        %dma_start3A_61 = arith.constant 0 : i32
        %dma_start3A_62 = arith.constant 0 : i32
        %dma_start3A_63 = tpu.memref_slice %arg5[%arg0, %dma_start3A_61, %dma_start3A_62] : memref<2x10000x128xf32, #tpu.memory_space<hbm>> -> memref<1x10000x128xf32, #tpu.memory_space<hbm>>
        %dma_start3A_64 = tpu.memref_squeeze %dma_start3A_63 : memref<1x10000x128xf32, #tpu.memory_space<hbm>> -> memref<10000x128xf32, #tpu.memory_space<hbm>>
        tpu.enqueue_dma source(%arg13 : memref<10000x128xf32, #tpu.memory_space<vmem_shared>>) target(%dma_start3A_64 : memref<10000x128xf32, #tpu.memory_space<hbm>>) target_semaphore(%run_scoped3A : memref<!tpu.dma_semaphore, #tpu.memory_space<semaphore_mem>>)
        %dma_wait3A_65 = arith.constant 0 : i32
        %dma_wait3A_66 = arith.constant 0 : i32
        %dma_wait3A_67 = tpu.memref_slice %arg5[%arg0, %dma_wait3A_65, %dma_wait3A_66] : memref<2x10000x128xf32, #tpu.memory_space<hbm>> -> memref<1x10000x128xf32, #tpu.memory_space<hbm>>
        %dma_wait3A_68 = tpu.memref_squeeze %dma_wait3A_67 : memref<1x10000x128xf32, #tpu.memory_space<hbm>> -> memref<10000x128xf32, #tpu.memory_space<hbm>>
        tpu.wait_dma2 semaphore(%run_scoped3A : memref<!tpu.dma_semaphore, #tpu.memory_space<semaphore_mem>>) src(%arg13 : memref<10000x128xf32, #tpu.memory_space<vmem_shared>>) dst(%dma_wait3A_68 : memref<10000x128xf32, #tpu.memory_space<hbm>>)
        tpu.yield
      }) : () -> ()
    } else {
    }
    return
  }
}

module attributes {stable_mosaic.version = 14 : i64} {
  func.func @_node_mm_body(%arg0: memref<10000x128xf32, #tpu.memory_space<vmem>>, %arg1: memref<256x128xf32, #tpu.memory_space<vmem>>, %arg2: memref<10000x128xi32, #tpu.memory_space<vmem>>) attributes {dimension_semantics = [], scalar_prefetch = 0 : i64, scratch_operands = 0 : i64, tpu.core_type = #tpu.core_type<tc>} {
    %get3A = arith.constant 0 : index
    %get3A_0 = arith.constant 0 : index
    %get3A_1 = vector.load %arg0[%get3A, %get3A_0] : memref<10000x128xf32, #tpu.memory_space<vmem>>, vector<10000x128xf32>
    %get3A_2 = arith.constant 0 : index
    %get3A_3 = arith.constant 0 : index
    %get3A_4 = vector.load %arg1[%get3A_2, %get3A_3] : memref<256x128xf32, #tpu.memory_space<vmem>>, vector<256x128xf32>
    %dot_general3A = arith.constant dense<0.000000e+00> : vector<10000x256xf32>
    %dot_general3A_5 = tpu.matmul %get3A_1, %get3A_4, %dot_general3A {dimension_numbers = #tpu.dot_dimension_numbers<[1], [1], [0], [0], [0, 0, 1, 0], [], []>, transpose_lhs_hint = false} : vector<10000x128xf32>, vector<256x128xf32>, vector<10000x256xf32> -> vector<10000x256xf32>
    %slice3A = vector.extract_strided_slice %dot_general3A_5 {offsets = [0, 0], sizes = [10000, 128], strides = [1, 1]} : vector<10000x256xf32> to vector<10000x128xf32>
    %slice3A_6 = vector.extract_strided_slice %dot_general3A_5 {offsets = [0, 128], sizes = [10000, 128], strides = [1, 1]} : vector<10000x256xf32> to vector<10000x128xf32>
    %bitcast_convert_type3A = tpu.bitcast %slice3A : vector<10000x128xf32> -> vector<10000x128xi32>
    %add3A = arith.constant 32768 : i32
    %add3A_7 = vector.broadcast %add3A : i32 to vector<10000x128xi32>
    %add3A_8 = arith.addi %bitcast_convert_type3A, %add3A_7 : vector<10000x128xi32>
    %shift_right_logical3A = arith.constant 16 : i32
    %shift_right_logical3A_9 = vector.broadcast %shift_right_logical3A : i32 to vector<10000x128xi32>
    %shift_right_logical3A_10 = arith.shrui %add3A_8, %shift_right_logical3A_9 : vector<10000x128xi32>
    %bitcast_convert_type3A_11 = tpu.bitcast %slice3A_6 : vector<10000x128xf32> -> vector<10000x128xi32>
    %add3A_12 = arith.constant 32768 : i32
    %add3A_13 = vector.broadcast %add3A_12 : i32 to vector<10000x128xi32>
    %add3A_14 = arith.addi %bitcast_convert_type3A_11, %add3A_13 : vector<10000x128xi32>
    %and3A = arith.constant -65536 : i32
    %and3A_15 = vector.broadcast %and3A : i32 to vector<10000x128xi32>
    %and3A_16 = arith.andi %add3A_14, %and3A_15 : vector<10000x128xi32>
    %or3A = arith.ori %shift_right_logical3A_10, %and3A_16 : vector<10000x128xi32>
    %swap3A = arith.constant 0 : index
    %swap3A_17 = arith.constant 0 : index
    %swap3A_18 = vector.load %arg2[%swap3A, %swap3A_17] : memref<10000x128xi32, #tpu.memory_space<vmem>>, vector<10000x128xi32>
    tpu.vector_store %arg2[%swap3A, %swap3A_17], %or3A {strides = array<i32>} : memref<10000x128xi32, #tpu.memory_space<vmem>>, vector<10000x128xi32>,
    return
  }
}

module attributes {stable_mosaic.version = 14 : i64} {
  func.func @_edge_mm_stats_body(%arg0: i32, %arg1: memref<4000x128xf32, #tpu.memory_space<vmem>>, %arg2: memref<4000x128xi32, #tpu.memory_space<vmem>>, %arg3: memref<256x128xf32, #tpu.memory_space<vmem>>, %arg4: memref<8x256xf32, #tpu.memory_space<vmem>>, %arg5: memref<4000x128xi32, #tpu.memory_space<vmem>>, %arg6: memref<8x256xf32, #tpu.memory_space<vmem>>) attributes {dimension_semantics = [#tpu.dimension_semantics<arbitrary>], iteration_bounds = array<i64: 40>, scalar_prefetch = 0 : i64, scratch_operands = 0 : i64, tpu.core_type = #tpu.core_type<tc>, window_params = [{transform_indices = @transform_0, window_bounds = array<i64: 4000, 128>}, {transform_indices = @transform_1, window_bounds = array<i64: 4000, 128>}, {pipeline_mode = #tpu.pipeline_mode<synchronous>, transform_indices = @transform_2, window_bounds = array<i64: 256, 128>}, {pipeline_mode = #tpu.pipeline_mode<synchronous>, transform_indices = @transform_3, window_bounds = array<i64: 8, 256>}, {transform_indices = @transform_4, window_bounds = array<i64: 4000, 128>}, {pipeline_mode = #tpu.pipeline_mode<synchronous>, transform_indices = @transform_5, window_bounds = array<i64: 8, 256>}]} {
    %get3A = arith.constant 0 : index
    %get3A_0 = arith.constant 0 : index
    %get3A_1 = vector.load %arg1[%get3A, %get3A_0] : memref<4000x128xf32, #tpu.memory_space<vmem>>, vector<4000x128xf32>
    %convert_element_type3A = arith.truncf %get3A_1 : vector<4000x128xf32> to vector<4000x128xbf16>
    %get3A_2 = arith.constant 0 : index
    %get3A_3 = arith.constant 0 : index
    %get3A_4 = vector.load %arg3[%get3A_2, %get3A_3] : memref<256x128xf32, #tpu.memory_space<vmem>>, vector<256x128xf32>
    %convert_element_type3A_5 = arith.truncf %get3A_4 : vector<256x128xf32> to vector<256x128xbf16>
    %dot_general3A = arith.constant dense<0.000000e+00> : vector<4000x256xf32>
    %dot_general3A_6 = tpu.matmul %convert_element_type3A, %convert_element_type3A_5, %dot_general3A {dimension_numbers = #tpu.dot_dimension_numbers<[1], [1], [0], [0], [0, 0, 1, 0], [], []>, transpose_lhs_hint = false} : vector<4000x128xbf16>, vector<256x128xbf16>, vector<4000x256xf32> -> vector<4000x256xf32>
    %get3A_7 = arith.constant 0 : index
    %get3A_8 = arith.constant 0 : index
    %get3A_9 = vector.load %arg2[%get3A_7, %get3A_8] : memref<4000x128xi32, #tpu.memory_space<vmem>>, vector<4000x128xi32>
    %shift_left3A = arith.constant 16 : i32
    %shift_left3A_10 = vector.broadcast %shift_left3A : i32 to vector<4000x128xi32>
    %shift_left3A_11 = arith.shli %get3A_9, %shift_left3A_10 : vector<4000x128xi32>
    %bitcast_convert_type3A = tpu.bitcast %shift_left3A_11 : vector<4000x128xi32> -> vector<4000x128xf32>
    %and3A = arith.constant -65536 : i32
    %and3A_12 = vector.broadcast %and3A : i32 to vector<4000x128xi32>
    %and3A_13 = arith.andi %get3A_9, %and3A_12 : vector<4000x128xi32>
    %bitcast_convert_type3A_14 = tpu.bitcast %and3A_13 : vector<4000x128xi32> -> vector<4000x128xf32>
    %slice3A = vector.extract_strided_slice %dot_general3A_6 {offsets = [0, 0], sizes = [4000, 128], strides = [1, 1]} : vector<4000x256xf32> to vector<4000x128xf32>
    %add3A = arith.addf %slice3A, %bitcast_convert_type3A : vector<4000x128xf32>
    %get3A_15 = arith.constant 0 : index
    %get3A_16 = arith.constant 0 : index
    %get3A_17 = vector.load %arg4[%get3A_15, %get3A_16] : memref<8x256xf32, #tpu.memory_space<vmem>>, vector<1x128xf32>
    %add3A_18 = vector.broadcast %get3A_17 : vector<1x128xf32> to vector<4000x128xf32>
    %add3A_19 = arith.addf %add3A, %add3A_18 : vector<4000x128xf32>
    %slice3A_20 = vector.extract_strided_slice %dot_general3A_6 {offsets = [0, 128], sizes = [4000, 128], strides = [1, 1]} : vector<4000x256xf32> to vector<4000x128xf32>
    %add3A_21 = arith.addf %slice3A_20, %bitcast_convert_type3A_14 : vector<4000x128xf32>
    %get3A_22 = arith.constant 0 : index
    %get3A_23 = arith.constant 128 : index
    %get3A_24 = vector.load %arg4[%get3A_22, %get3A_23] : memref<8x256xf32, #tpu.memory_space<vmem>>, vector<1x128xf32>
    %add3A_25 = vector.broadcast %get3A_24 : vector<1x128xf32> to vector<4000x128xf32>
    %add3A_26 = arith.addf %add3A_21, %add3A_25 : vector<4000x128xf32>
    %bitcast_convert_type3A_27 = tpu.bitcast %add3A_19 : vector<4000x128xf32> -> vector<4000x128xi32>
    %add3A_28 = arith.constant 32768 : i32
    %add3A_29 = vector.broadcast %add3A_28 : i32 to vector<4000x128xi32>
    %add3A_30 = arith.addi %bitcast_convert_type3A_27, %add3A_29 : vector<4000x128xi32>
    %shift_right_logical3A = arith.constant 16 : i32
    %shift_right_logical3A_31 = vector.broadcast %shift_right_logical3A : i32 to vector<4000x128xi32>
    %shift_right_logical3A_32 = arith.shrui %add3A_30, %shift_right_logical3A_31 : vector<4000x128xi32>
    %bitcast_convert_type3A_33 = tpu.bitcast %add3A_26 : vector<4000x128xf32> -> vector<4000x128xi32>
    %add3A_34 = arith.constant 32768 : i32
    %add3A_35 = vector.broadcast %add3A_34 : i32 to vector<4000x128xi32>
    %add3A_36 = arith.addi %bitcast_convert_type3A_33, %add3A_35 : vector<4000x128xi32>
    %and3A_37 = arith.constant -65536 : i32
    %and3A_38 = vector.broadcast %and3A_37 : i32 to vector<4000x128xi32>
    %and3A_39 = arith.andi %add3A_36, %and3A_38 : vector<4000x128xi32>
    %or3A = arith.ori %shift_right_logical3A_32, %and3A_39 : vector<4000x128xi32>
    %swap3A = arith.constant 0 : index
    %swap3A_40 = arith.constant 0 : index
    %swap3A_41 = vector.load %arg5[%swap3A, %swap3A_40] : memref<4000x128xi32, #tpu.memory_space<vmem>>, vector<4000x128xi32>
    tpu.vector_store %arg5[%swap3A, %swap3A_40], %or3A {strides = array<i32>} : memref<4000x128xi32, #tpu.memory_space<vmem>>, vector<4000x128xi32>,
    %eq3A = arith.constant 0 : i32
    %eq3A_42 = arith.cmpi eq, %arg0, %eq3A : i32
    %convert_element_type3A_43 = arith.extui %eq3A_42 : i1 to i32
    %cond3A = arith.constant 0 : i32
    %cond3A_44 = arith.cmpi ne, %convert_element_type3A_43, %cond3A : i32
    scf.if %cond3A_44 {
      %broadcast_in_dim3A_59 = arith.constant 0.000000e+00 : f32
      %broadcast_in_dim3A_60 = vector.broadcast %broadcast_in_dim3A_59 : f32 to vector<8x256xf32>
      %swap3A_61 = arith.constant 0 : index
      %swap3A_62 = arith.constant 0 : index
      %swap3A_63 = vector.load %arg6[%swap3A_61, %swap3A_62] : memref<8x256xf32, #tpu.memory_space<vmem>>, vector<8x256xf32>
      tpu.vector_store %arg6[%swap3A_61, %swap3A_62], %broadcast_in_dim3A_60 {strides = array<i32>} : memref<8x256xf32, #tpu.memory_space<vmem>>, vector<8x256xf32>,
    } else {
    }
    %concatenate3A = tpu.concatenate %add3A_19, %add3A_26 in 1 : vector<4000x128xf32>, vector<4000x128xf32> -> vector<4000x256xf32>
    %reduce_sum3A = arith.constant dense<0.000000e+00> : vector<256xf32>
    %reduce_sum3A_45 = vector.multi_reduction <add>, %concatenate3A, %reduce_sum3A [0] : vector<4000x256xf32> to vector<256xf32>
    %broadcast_in_dim3A = vector.shape_cast %reduce_sum3A_45 : vector<256xf32> to vector<1x256xf32>
    %mul3A = arith.mulf %concatenate3A, %concatenate3A : vector<4000x256xf32>
    %reduce_sum3A_46 = arith.constant dense<0.000000e+00> : vector<256xf32>
    %reduce_sum3A_47 = vector.multi_reduction <add>, %mul3A, %reduce_sum3A_46 [0] : vector<4000x256xf32> to vector<256xf32>
    %broadcast_in_dim3A_48 = vector.shape_cast %reduce_sum3A_47 : vector<256xf32> to vector<1x256xf32>
    %broadcast_in_dim3A_49 = arith.constant 0.000000e+00 : f32
    %broadcast_in_dim3A_50 = vector.broadcast %broadcast_in_dim3A_49 : f32 to vector<6x256xf32>
    %get3A_51 = arith.constant 0 : index
    %get3A_52 = arith.constant 0 : index
    %get3A_53 = vector.load %arg6[%get3A_51, %get3A_52] : memref<8x256xf32, #tpu.memory_space<vmem>>, vector<8x256xf32>
    %concatenate3A_54 = tpu.concatenate %broadcast_in_dim3A, %broadcast_in_dim3A_48, %broadcast_in_dim3A_50 in 0 : vector<1x256xf32>, vector<1x256xf32>, vector<6x256xf32> -> vector<8x256xf32>
    %add3A_55 = arith.addf %get3A_53, %concatenate3A_54 : vector<8x256xf32>
    %swap3A_56 = arith.constant 0 : index
    %swap3A_57 = arith.constant 0 : index
    %swap3A_58 = vector.load %arg6[%swap3A_56, %swap3A_57] : memref<8x256xf32, #tpu.memory_space<vmem>>, vector<8x256xf32>
    tpu.vector_store %arg6[%swap3A_56, %swap3A_57], %add3A_55 {strides = array<i32>} : memref<8x256xf32, #tpu.memory_space<vmem>>, vector<8x256xf32>,
    return
  }
  func.func @transform_0(%arg0: i32) -> (i32, i32) {
    %add3A = arith.constant 40 : i32
    %add3A_0 = arith.addi %arg0, %add3A : i32
    %c0_i32 = arith.constant 0 : i32
    %c0_i32_1 = arith.constant 0 : i32
    return %add3A_0, %c0_i32 : i32, i32
  }
  func.func @transform_1(%arg0: i32) -> (i32, i32) {
    %c0_i32 = arith.constant 0 : i32
    %c0_i32_0 = arith.constant 0 : i32
    return %arg0, %c0_i32 : i32, i32
  }
  func.func @transform_2(%arg0: i32) -> (i32, i32) {
    %c0_i32 = arith.constant 0 : i32
    %c0_i32_0 = arith.constant 0 : i32
    %c0_i32_1 = arith.constant 0 : i32
    return %c0_i32, %c0_i32_0 : i32, i32
  }
  func.func @transform_3(%arg0: i32) -> (i32, i32) {
    %c0_i32 = arith.constant 0 : i32
    %c0_i32_0 = arith.constant 0 : i32
    %c0_i32_1 = arith.constant 0 : i32
    return %c0_i32, %c0_i32_0 : i32, i32
  }
  func.func @transform_4(%arg0: i32) -> (i32, i32) {
    %c0_i32 = arith.constant 0 : i32
    %c0_i32_0 = arith.constant 0 : i32
    return %arg0, %c0_i32 : i32, i32
  }
  func.func @transform_5(%arg0: i32) -> (i32, i32) {
    %c0_i32 = arith.constant 0 : i32
    %c0_i32_0 = arith.constant 0 : i32
    %c0_i32_1 = arith.constant 0 : i32
    return %c0_i32, %c0_i32_0 : i32, i32
  }
}

module attributes {stable_mosaic.version = 14 : i64} {
  func.func @_act_body(%arg0: i32, %arg1: memref<4000x128xi32, #tpu.memory_space<vmem>>, %arg2: memref<8x256xf32, #tpu.memory_space<vmem>>, %arg3: memref<8x256xf32, #tpu.memory_space<vmem>>, %arg4: memref<8x256xf32, #tpu.memory_space<vmem>>, %arg5: memref<4000x128xf32, #tpu.memory_space<vmem>>) attributes {dimension_semantics = [#tpu.dimension_semantics<arbitrary>], iteration_bounds = array<i64: 40>, scalar_prefetch = 0 : i64, scratch_operands = 0 : i64, tpu.core_type = #tpu.core_type<tc>, window_params = [{transform_indices = @transform_0, window_bounds = array<i64: 4000, 128>}, {pipeline_mode = #tpu.pipeline_mode<synchronous>, transform_indices = @transform_1, window_bounds = array<i64: 8, 256>}, {pipeline_mode = #tpu.pipeline_mode<synchronous>, transform_indices = @transform_2, window_bounds = array<i64: 8, 256>}, {pipeline_mode = #tpu.pipeline_mode<synchronous>, transform_indices = @transform_3, window_bounds = array<i64: 8, 256>}, {transform_indices = @transform_4, window_bounds = array<i64: 4000, 128>}]} {
    %get3A = arith.constant 0 : index
    %get3A_0 = arith.constant 0 : index
    %get3A_1 = vector.load %arg2[%get3A, %get3A_0] : memref<8x256xf32, #tpu.memory_space<vmem>>, vector<8x256xf32>
    %get3A_2 = arith.constant 0 : index
    %get3A_3 = arith.constant 0 : index
    %get3A_4 = vector.load %arg3[%get3A_2, %get3A_3] : memref<8x256xf32, #tpu.memory_space<vmem>>, vector<8x256xf32>
    %add3A = arith.addf %get3A_1, %get3A_4 : vector<8x256xf32>
    %slice3A = vector.extract_strided_slice %add3A {offsets = [0, 0], sizes = [1, 256], strides = [1, 1]} : vector<8x256xf32> to vector<1x256xf32>
    %mul3A = arith.constant 3.125000e-06 : f32
    %mul3A_5 = vector.broadcast %mul3A : f32 to vector<1x256xf32>
    %mul3A_6 = arith.mulf %slice3A, %mul3A_5 : vector<1x256xf32>
    %slice3A_7 = vector.extract_strided_slice %add3A {offsets = [1, 0], sizes = [1, 256], strides = [1, 1]} : vector<8x256xf32> to vector<1x256xf32>
    %mul3A_8 = arith.constant 3.125000e-06 : f32
    %mul3A_9 = vector.broadcast %mul3A_8 : f32 to vector<1x256xf32>
    %mul3A_10 = arith.mulf %slice3A_7, %mul3A_9 : vector<1x256xf32>
    %mul3A_11 = arith.mulf %mul3A_6, %mul3A_6 : vector<1x256xf32>
    %sub3A = arith.subf %mul3A_10, %mul3A_11 : vector<1x256xf32>
    %get3A_12 = arith.constant 1 : index
    %get3A_13 = arith.constant 0 : index
    %get3A_14 = vector.load %arg4[%get3A_12, %get3A_13] : memref<8x256xf32, #tpu.memory_space<vmem>>, vector<1x256xf32>
    %add3A_15 = arith.constant 9.99999974E-6 : f32
    %add3A_16 = vector.broadcast %add3A_15 : f32 to vector<1x256xf32>
    %add3A_17 = arith.addf %sub3A, %add3A_16 : vector<1x256xf32>
    %rsqrt3A = math.rsqrt %add3A_17 : vector<1x256xf32>
    %mul3A_18 = arith.mulf %get3A_14, %rsqrt3A : vector<1x256xf32>
    %get3A_19 = arith.constant 2 : index
    %get3A_20 = arith.constant 0 : index
    %get3A_21 = vector.load %arg4[%get3A_19, %get3A_20] : memref<8x256xf32, #tpu.memory_space<vmem>>, vector<1x256xf32>
    %mul3A_22 = arith.mulf %mul3A_6, %mul3A_18 : vector<1x256xf32>
    %sub3A_23 = arith.subf %get3A_21, %mul3A_22 : vector<1x256xf32>
    %get3A_24 = arith.constant 0 : index
    %get3A_25 = arith.constant 0 : index
    %get3A_26 = vector.load %arg1[%get3A_24, %get3A_25] : memref<4000x128xi32, #tpu.memory_space<vmem>>, vector<4000x128xi32>
    %shift_left3A = arith.constant 16 : i32
    %shift_left3A_27 = vector.broadcast %shift_left3A : i32 to vector<4000x128xi32>
    %shift_left3A_28 = arith.shli %get3A_26, %shift_left3A_27 : vector<4000x128xi32>
    %bitcast_convert_type3A = tpu.bitcast %shift_left3A_28 : vector<4000x128xi32> -> vector<4000x128xf32>
    %and3A = arith.constant -65536 : i32
    %and3A_29 = vector.broadcast %and3A : i32 to vector<4000x128xi32>
    %and3A_30 = arith.andi %get3A_26, %and3A_29 : vector<4000x128xi32>
    %bitcast_convert_type3A_31 = tpu.bitcast %and3A_30 : vector<4000x128xi32> -> vector<4000x128xf32>
    %slice3A_32 = vector.extract_strided_slice %mul3A_18 {offsets = [0, 0], sizes = [1, 128], strides = [1, 1]} : vector<1x256xf32> to vector<1x128xf32>
    %mul3A_33 = vector.broadcast %slice3A_32 : vector<1x128xf32> to vector<4000x128xf32>
    %mul3A_34 = arith.mulf %bitcast_convert_type3A, %mul3A_33 : vector<4000x128xf32>
    %slice3A_35 = vector.extract_strided_slice %sub3A_23 {offsets = [0, 0], sizes = [1, 128], strides = [1, 1]} : vector<1x256xf32> to vector<1x128xf32>
    %add3A_36 = vector.broadcast %slice3A_35 : vector<1x128xf32> to vector<4000x128xf32>
    %add3A_37 = arith.addf %mul3A_34, %add3A_36 : vector<4000x128xf32>
    %slice3A_38 = vector.extract_strided_slice %mul3A_18 {offsets = [0, 128], sizes = [1, 128], strides = [1, 1]} : vector<1x256xf32> to vector<1x128xf32>
    %mul3A_39 = vector.broadcast %slice3A_38 : vector<1x128xf32> to vector<4000x128xf32>
    %mul3A_40 = arith.mulf %bitcast_convert_type3A_31, %mul3A_39 : vector<4000x128xf32>
    %slice3A_41 = vector.extract_strided_slice %sub3A_23 {offsets = [0, 128], sizes = [1, 128], strides = [1, 1]} : vector<1x256xf32> to vector<1x128xf32>
    %add3A_42 = vector.broadcast %slice3A_41 : vector<1x128xf32> to vector<4000x128xf32>
    %add3A_43 = arith.addf %mul3A_40, %add3A_42 : vector<4000x128xf32>
    %logistic3A = arith.negf %add3A_37 : vector<4000x128xf32>
    %logistic3A_44 = math.exp %logistic3A : vector<4000x128xf32>
    %logistic3A_45 = arith.constant 1.000000e+00 : f32
    %logistic3A_46 = vector.broadcast %logistic3A_45 : f32 to vector<4000x128xf32>
    %logistic3A_47 = arith.addf %logistic3A_46, %logistic3A_44 : vector<4000x128xf32>
    %logistic3A_48 = arith.divf %logistic3A_46, %logistic3A_47 : vector<4000x128xf32>
    %tanh3A = math.tanh %add3A_43 : vector<4000x128xf32>
    %mul3A_49 = arith.mulf %logistic3A_48, %tanh3A : vector<4000x128xf32>
    %swap3A = arith.constant 0 : index
    %swap3A_50 = arith.constant 0 : index
    %swap3A_51 = vector.load %arg5[%swap3A, %swap3A_50] : memref<4000x128xf32, #tpu.memory_space<vmem>>, vector<4000x128xf32>
    tpu.vector_store %arg5[%swap3A, %swap3A_50], %mul3A_49 {strides = array<i32>} : memref<4000x128xf32, #tpu.memory_space<vmem>>, vector<4000x128xf32>,
    return
  }
  func.func @transform_0(%arg0: i32) -> (i32, i32) {
    %c0_i32 = arith.constant 0 : i32
    %c0_i32_0 = arith.constant 0 : i32
    return %arg0, %c0_i32 : i32, i32
  }
  func.func @transform_1(%arg0: i32) -> (i32, i32) {
    %c0_i32 = arith.constant 0 : i32
    %c0_i32_0 = arith.constant 0 : i32
    %c0_i32_1 = arith.constant 0 : i32
    return %c0_i32, %c0_i32_0 : i32, i32
  }
  func.func @transform_2(%arg0: i32) -> (i32, i32) {
    %c0_i32 = arith.constant 0 : i32
    %c0_i32_0 = arith.constant 0 : i32
    %c0_i32_1 = arith.constant 0 : i32
    return %c0_i32, %c0_i32_0 : i32, i32
  }
  func.func @transform_3(%arg0: i32) -> (i32, i32) {
    %c0_i32 = arith.constant 0 : i32
    %c0_i32_0 = arith.constant 0 : i32
    %c0_i32_1 = arith.constant 0 : i32
    return %c0_i32, %c0_i32_0 : i32, i32
  }
  func.func @transform_4(%arg0: i32) -> (i32, i32) {
    %c0_i32 = arith.constant 0 : i32
    %c0_i32_0 = arith.constant 0 : i32
    return %arg0, %c0_i32 : i32, i32
  }
}

module attributes {stable_mosaic.version = 14 : i64} {
  func.func @_edge_mm_stats_body(%arg0: i32, %arg1: memref<4000x128xf32, #tpu.memory_space<vmem>>, %arg2: memref<4000x128xi32, #tpu.memory_space<vmem>>, %arg3: memref<256x128xf32, #tpu.memory_space<vmem>>, %arg4: memref<8x256xf32, #tpu.memory_space<vmem>>, %arg5: memref<4000x128xi32, #tpu.memory_space<vmem>>, %arg6: memref<8x256xf32, #tpu.memory_space<vmem>>) attributes {dimension_semantics = [#tpu.dimension_semantics<arbitrary>], iteration_bounds = array<i64: 40>, scalar_prefetch = 0 : i64, scratch_operands = 0 : i64, tpu.core_type = #tpu.core_type<tc>, window_params = [{transform_indices = @transform_0, window_bounds = array<i64: 4000, 128>}, {transform_indices = @transform_1, window_bounds = array<i64: 4000, 128>}, {pipeline_mode = #tpu.pipeline_mode<synchronous>, transform_indices = @transform_2, window_bounds = array<i64: 256, 128>}, {pipeline_mode = #tpu.pipeline_mode<synchronous>, transform_indices = @transform_3, window_bounds = array<i64: 8, 256>}, {transform_indices = @transform_4, window_bounds = array<i64: 4000, 128>}, {pipeline_mode = #tpu.pipeline_mode<synchronous>, transform_indices = @transform_5, window_bounds = array<i64: 8, 256>}]} {
    %get3A = arith.constant 0 : index
    %get3A_0 = arith.constant 0 : index
    %get3A_1 = vector.load %arg1[%get3A, %get3A_0] : memref<4000x128xf32, #tpu.memory_space<vmem>>, vector<4000x128xf32>
    %convert_element_type3A = arith.truncf %get3A_1 : vector<4000x128xf32> to vector<4000x128xbf16>
    %get3A_2 = arith.constant 0 : index
    %get3A_3 = arith.constant 0 : index
    %get3A_4 = vector.load %arg3[%get3A_2, %get3A_3] : memref<256x128xf32, #tpu.memory_space<vmem>>, vector<256x128xf32>
    %convert_element_type3A_5 = arith.truncf %get3A_4 : vector<256x128xf32> to vector<256x128xbf16>
    %dot_general3A = arith.constant dense<0.000000e+00> : vector<4000x256xf32>
    %dot_general3A_6 = tpu.matmul %convert_element_type3A, %convert_element_type3A_5, %dot_general3A {dimension_numbers = #tpu.dot_dimension_numbers<[1], [1], [0], [0], [0, 0, 1, 0], [], []>, transpose_lhs_hint = false} : vector<4000x128xbf16>, vector<256x128xbf16>, vector<4000x256xf32> -> vector<4000x256xf32>
    %get3A_7 = arith.constant 0 : index
    %get3A_8 = arith.constant 0 : index
    %get3A_9 = vector.load %arg2[%get3A_7, %get3A_8] : memref<4000x128xi32, #tpu.memory_space<vmem>>, vector<4000x128xi32>
    %shift_left3A = arith.constant 16 : i32
    %shift_left3A_10 = vector.broadcast %shift_left3A : i32 to vector<4000x128xi32>
    %shift_left3A_11 = arith.shli %get3A_9, %shift_left3A_10 : vector<4000x128xi32>
    %bitcast_convert_type3A = tpu.bitcast %shift_left3A_11 : vector<4000x128xi32> -> vector<4000x128xf32>
    %and3A = arith.constant -65536 : i32
    %and3A_12 = vector.broadcast %and3A : i32 to vector<4000x128xi32>
    %and3A_13 = arith.andi %get3A_9, %and3A_12 : vector<4000x128xi32>
    %bitcast_convert_type3A_14 = tpu.bitcast %and3A_13 : vector<4000x128xi32> -> vector<4000x128xf32>
    %slice3A = vector.extract_strided_slice %dot_general3A_6 {offsets = [0, 0], sizes = [4000, 128], strides = [1, 1]} : vector<4000x256xf32> to vector<4000x128xf32>
    %add3A = arith.addf %slice3A, %bitcast_convert_type3A : vector<4000x128xf32>
    %get3A_15 = arith.constant 0 : index
    %get3A_16 = arith.constant 0 : index
    %get3A_17 = vector.load %arg4[%get3A_15, %get3A_16] : memref<8x256xf32, #tpu.memory_space<vmem>>, vector<1x128xf32>
    %add3A_18 = vector.broadcast %get3A_17 : vector<1x128xf32> to vector<4000x128xf32>
    %add3A_19 = arith.addf %add3A, %add3A_18 : vector<4000x128xf32>
    %slice3A_20 = vector.extract_strided_slice %dot_general3A_6 {offsets = [0, 128], sizes = [4000, 128], strides = [1, 1]} : vector<4000x256xf32> to vector<4000x128xf32>
    %add3A_21 = arith.addf %slice3A_20, %bitcast_convert_type3A_14 : vector<4000x128xf32>
    %get3A_22 = arith.constant 0 : index
    %get3A_23 = arith.constant 128 : index
    %get3A_24 = vector.load %arg4[%get3A_22, %get3A_23] : memref<8x256xf32, #tpu.memory_space<vmem>>, vector<1x128xf32>
    %add3A_25 = vector.broadcast %get3A_24 : vector<1x128xf32> to vector<4000x128xf32>
    %add3A_26 = arith.addf %add3A_21, %add3A_25 : vector<4000x128xf32>
    %bitcast_convert_type3A_27 = tpu.bitcast %add3A_19 : vector<4000x128xf32> -> vector<4000x128xi32>
    %add3A_28 = arith.constant 32768 : i32
    %add3A_29 = vector.broadcast %add3A_28 : i32 to vector<4000x128xi32>
    %add3A_30 = arith.addi %bitcast_convert_type3A_27, %add3A_29 : vector<4000x128xi32>
    %shift_right_logical3A = arith.constant 16 : i32
    %shift_right_logical3A_31 = vector.broadcast %shift_right_logical3A : i32 to vector<4000x128xi32>
    %shift_right_logical3A_32 = arith.shrui %add3A_30, %shift_right_logical3A_31 : vector<4000x128xi32>
    %bitcast_convert_type3A_33 = tpu.bitcast %add3A_26 : vector<4000x128xf32> -> vector<4000x128xi32>
    %add3A_34 = arith.constant 32768 : i32
    %add3A_35 = vector.broadcast %add3A_34 : i32 to vector<4000x128xi32>
    %add3A_36 = arith.addi %bitcast_convert_type3A_33, %add3A_35 : vector<4000x128xi32>
    %and3A_37 = arith.constant -65536 : i32
    %and3A_38 = vector.broadcast %and3A_37 : i32 to vector<4000x128xi32>
    %and3A_39 = arith.andi %add3A_36, %and3A_38 : vector<4000x128xi32>
    %or3A = arith.ori %shift_right_logical3A_32, %and3A_39 : vector<4000x128xi32>
    %swap3A = arith.constant 0 : index
    %swap3A_40 = arith.constant 0 : index
    %swap3A_41 = vector.load %arg5[%swap3A, %swap3A_40] : memref<4000x128xi32, #tpu.memory_space<vmem>>, vector<4000x128xi32>
    tpu.vector_store %arg5[%swap3A, %swap3A_40], %or3A {strides = array<i32>} : memref<4000x128xi32, #tpu.memory_space<vmem>>, vector<4000x128xi32>,
    %eq3A = arith.constant 0 : i32
    %eq3A_42 = arith.cmpi eq, %arg0, %eq3A : i32
    %convert_element_type3A_43 = arith.extui %eq3A_42 : i1 to i32
    %cond3A = arith.constant 0 : i32
    %cond3A_44 = arith.cmpi ne, %convert_element_type3A_43, %cond3A : i32
    scf.if %cond3A_44 {
      %broadcast_in_dim3A_59 = arith.constant 0.000000e+00 : f32
      %broadcast_in_dim3A_60 = vector.broadcast %broadcast_in_dim3A_59 : f32 to vector<8x256xf32>
      %swap3A_61 = arith.constant 0 : index
      %swap3A_62 = arith.constant 0 : index
      %swap3A_63 = vector.load %arg6[%swap3A_61, %swap3A_62] : memref<8x256xf32, #tpu.memory_space<vmem>>, vector<8x256xf32>
      tpu.vector_store %arg6[%swap3A_61, %swap3A_62], %broadcast_in_dim3A_60 {strides = array<i32>} : memref<8x256xf32, #tpu.memory_space<vmem>>, vector<8x256xf32>,
    } else {
    }
    %concatenate3A = tpu.concatenate %add3A_19, %add3A_26 in 1 : vector<4000x128xf32>, vector<4000x128xf32> -> vector<4000x256xf32>
    %reduce_sum3A = arith.constant dense<0.000000e+00> : vector<256xf32>
    %reduce_sum3A_45 = vector.multi_reduction <add>, %concatenate3A, %reduce_sum3A [0] : vector<4000x256xf32> to vector<256xf32>
    %broadcast_in_dim3A = vector.shape_cast %reduce_sum3A_45 : vector<256xf32> to vector<1x256xf32>
    %mul3A = arith.mulf %concatenate3A, %concatenate3A : vector<4000x256xf32>
    %reduce_sum3A_46 = arith.constant dense<0.000000e+00> : vector<256xf32>
    %reduce_sum3A_47 = vector.multi_reduction <add>, %mul3A, %reduce_sum3A_46 [0] : vector<4000x256xf32> to vector<256xf32>
    %broadcast_in_dim3A_48 = vector.shape_cast %reduce_sum3A_47 : vector<256xf32> to vector<1x256xf32>
    %broadcast_in_dim3A_49 = arith.constant 0.000000e+00 : f32
    %broadcast_in_dim3A_50 = vector.broadcast %broadcast_in_dim3A_49 : f32 to vector<6x256xf32>
    %get3A_51 = arith.constant 0 : index
    %get3A_52 = arith.constant 0 : index
    %get3A_53 = vector.load %arg6[%get3A_51, %get3A_52] : memref<8x256xf32, #tpu.memory_space<vmem>>, vector<8x256xf32>
    %concatenate3A_54 = tpu.concatenate %broadcast_in_dim3A, %broadcast_in_dim3A_48, %broadcast_in_dim3A_50 in 0 : vector<1x256xf32>, vector<1x256xf32>, vector<6x256xf32> -> vector<8x256xf32>
    %add3A_55 = arith.addf %get3A_53, %concatenate3A_54 : vector<8x256xf32>
    %swap3A_56 = arith.constant 0 : index
    %swap3A_57 = arith.constant 0 : index
    %swap3A_58 = vector.load %arg6[%swap3A_56, %swap3A_57] : memref<8x256xf32, #tpu.memory_space<vmem>>, vector<8x256xf32>
    tpu.vector_store %arg6[%swap3A_56, %swap3A_57], %add3A_55 {strides = array<i32>} : memref<8x256xf32, #tpu.memory_space<vmem>>, vector<8x256xf32>,
    return
  }
  func.func @transform_0(%arg0: i32) -> (i32, i32) {
    %add3A = arith.constant 0 : i32
    %add3A_0 = arith.addi %arg0, %add3A : i32
    %c0_i32 = arith.constant 0 : i32
    %c0_i32_1 = arith.constant 0 : i32
    return %add3A_0, %c0_i32 : i32, i32
  }
  func.func @transform_1(%arg0: i32) -> (i32, i32) {
    %c0_i32 = arith.constant 0 : i32
    %c0_i32_0 = arith.constant 0 : i32
    return %arg0, %c0_i32 : i32, i32
  }
  func.func @transform_2(%arg0: i32) -> (i32, i32) {
    %c0_i32 = arith.constant 0 : i32
    %c0_i32_0 = arith.constant 0 : i32
    %c0_i32_1 = arith.constant 0 : i32
    return %c0_i32, %c0_i32_0 : i32, i32
  }
  func.func @transform_3(%arg0: i32) -> (i32, i32) {
    %c0_i32 = arith.constant 0 : i32
    %c0_i32_0 = arith.constant 0 : i32
    %c0_i32_1 = arith.constant 0 : i32
    return %c0_i32, %c0_i32_0 : i32, i32
  }
  func.func @transform_4(%arg0: i32) -> (i32, i32) {
    %c0_i32 = arith.constant 0 : i32
    %c0_i32_0 = arith.constant 0 : i32
    return %arg0, %c0_i32 : i32, i32
  }
  func.func @transform_5(%arg0: i32) -> (i32, i32) {
    %c0_i32 = arith.constant 0 : i32
    %c0_i32_0 = arith.constant 0 : i32
    %c0_i32_1 = arith.constant 0 : i32
    return %c0_i32, %c0_i32_0 : i32, i32
  }
}

module attributes {stable_mosaic.version = 14 : i64} {
  func.func @_final_body(%arg0: memref<2x10000x128xf32, #tpu.memory_space<vmem>>, %arg1: memref<2x10000x128xf32, #tpu.memory_space<vmem>>, %arg2: memref<10000x128xf32, #tpu.memory_space<vmem>>, %arg3: memref<8x128xf32, #tpu.memory_space<vmem>>, %arg4: memref<10000x128xf32, #tpu.memory_space<vmem>>) attributes {dimension_semantics = [], scalar_prefetch = 0 : i64, scratch_operands = 0 : i64, tpu.core_type = #tpu.core_type<tc>} {
    %get3A = arith.constant 0 : index
    %get3A_0 = arith.constant 0 : index
    %get3A_1 = arith.constant 0 : index
    %get3A_2 = vector.load %arg0[%get3A, %get3A_0, %get3A_1] : memref<2x10000x128xf32, #tpu.memory_space<vmem>>, vector<1x10000x128xf32>
    %get3A_3 = vector.shape_cast %get3A_2 : vector<1x10000x128xf32> to vector<10000x128xf32>
    %get3A_4 = arith.constant 1 : index
    %get3A_5 = arith.constant 0 : index
    %get3A_6 = arith.constant 0 : index
    %get3A_7 = vector.load %arg0[%get3A_4, %get3A_5, %get3A_6] : memref<2x10000x128xf32, #tpu.memory_space<vmem>>, vector<1x10000x128xf32>
    %get3A_8 = vector.shape_cast %get3A_7 : vector<1x10000x128xf32> to vector<10000x128xf32>
    %add3A = arith.addf %get3A_3, %get3A_8 : vector<10000x128xf32>
    %get3A_9 = arith.constant 0 : index
    %get3A_10 = arith.constant 0 : index
    %get3A_11 = arith.constant 0 : index
    %get3A_12 = vector.load %arg1[%get3A_9, %get3A_10, %get3A_11] : memref<2x10000x128xf32, #tpu.memory_space<vmem>>, vector<1x10000x128xf32>
    %get3A_13 = vector.shape_cast %get3A_12 : vector<1x10000x128xf32> to vector<10000x128xf32>
    %get3A_14 = arith.constant 1 : index
    %get3A_15 = arith.constant 0 : index
    %get3A_16 = arith.constant 0 : index
    %get3A_17 = vector.load %arg1[%get3A_14, %get3A_15, %get3A_16] : memref<2x10000x128xf32, #tpu.memory_space<vmem>>, vector<1x10000x128xf32>
    %get3A_18 = vector.shape_cast %get3A_17 : vector<1x10000x128xf32> to vector<10000x128xf32>
    %add3A_19 = arith.addf %get3A_13, %get3A_18 : vector<10000x128xf32>
    %add3A_20 = arith.addf %add3A, %add3A_19 : vector<10000x128xf32>
    %reduce_sum3A = arith.constant dense<0.000000e+00> : vector<128xf32>
    %reduce_sum3A_21 = vector.multi_reduction <add>, %add3A_20, %reduce_sum3A [0] : vector<10000x128xf32> to vector<128xf32>
    %broadcast_in_dim3A = vector.shape_cast %reduce_sum3A_21 : vector<128xf32> to vector<1x128xf32>
    %mul3A = arith.constant 9.99999974E-5 : f32
    %mul3A_22 = vector.broadcast %mul3A : f32 to vector<1x128xf32>
    %mul3A_23 = arith.mulf %broadcast_in_dim3A, %mul3A_22 : vector<1x128xf32>
    %sub3A = vector.broadcast %mul3A_23 : vector<1x128xf32> to vector<10000x128xf32>
    %sub3A_24 = arith.subf %add3A_20, %sub3A : vector<10000x128xf32>
    %mul3A_25 = arith.mulf %sub3A_24, %sub3A_24 : vector<10000x128xf32>
    %reduce_sum3A_26 = arith.constant dense<0.000000e+00> : vector<128xf32>
    %reduce_sum3A_27 = vector.multi_reduction <add>, %mul3A_25, %reduce_sum3A_26 [0] : vector<10000x128xf32> to vector<128xf32>
    %broadcast_in_dim3A_28 = vector.shape_cast %reduce_sum3A_27 : vector<128xf32> to vector<1x128xf32>
    %mul3A_29 = arith.constant 9.99999974E-5 : f32
    %mul3A_30 = vector.broadcast %mul3A_29 : f32 to vector<1x128xf32>
    %mul3A_31 = arith.mulf %broadcast_in_dim3A_28, %mul3A_30 : vector<1x128xf32>
    %add3A_32 = arith.constant 9.99999974E-6 : f32
    %add3A_33 = vector.broadcast %add3A_32 : f32 to vector<1x128xf32>
    %add3A_34 = arith.addf %mul3A_31, %add3A_33 : vector<1x128xf32>
    %rsqrt3A = math.rsqrt %add3A_34 : vector<1x128xf32>
    %mul3A_35 = vector.broadcast %rsqrt3A : vector<1x128xf32> to vector<10000x128xf32>
    %mul3A_36 = arith.mulf %sub3A_24, %mul3A_35 : vector<10000x128xf32>
    %get3A_37 = arith.constant 0 : index
    %get3A_38 = arith.constant 0 : index
    %get3A_39 = vector.load %arg3[%get3A_37, %get3A_38] : memref<8x128xf32, #tpu.memory_space<vmem>>, vector<1x128xf32>
    %mul3A_40 = vector.broadcast %get3A_39 : vector<1x128xf32> to vector<10000x128xf32>
    %mul3A_41 = arith.mulf %mul3A_36, %mul3A_40 : vector<10000x128xf32>
    %get3A_42 = arith.constant 1 : index
    %get3A_43 = arith.constant 0 : index
    %get3A_44 = vector.load %arg3[%get3A_42, %get3A_43] : memref<8x128xf32, #tpu.memory_space<vmem>>, vector<1x128xf32>
    %add3A_45 = vector.broadcast %get3A_44 : vector<1x128xf32> to vector<10000x128xf32>
    %add3A_46 = arith.addf %mul3A_41, %add3A_45 : vector<10000x128xf32>
    %get3A_47 = arith.constant 0 : index
    %get3A_48 = arith.constant 0 : index
    %get3A_49 = vector.load %arg2[%get3A_47, %get3A_48] : memref<10000x128xf32, #tpu.memory_space<vmem>>, vector<10000x128xf32>
    %add3A_50 = arith.addf %get3A_49, %add3A_46 : vector<10000x128xf32>
    %tanh3A = math.tanh %add3A_50 : vector<10000x128xf32>
    %swap3A = arith.constant 0 : index
    %swap3A_51 = arith.constant 0 : index
    %swap3A_52 = vector.load %arg4[%swap3A, %swap3A_51] : memref<10000x128xf32, #tpu.memory_space<vmem>>, vector<10000x128xf32>
    tpu.vector_store %arg4[%swap3A, %swap3A_51], %tanh3A {strides = array<i32>} : memref<10000x128xf32, #tpu.memory_space<vmem>>, vector<10000x128xf32>,
    return
  }
}

</mosaic_0001>

<sc_bundles>
// kernel: kernel.12.cloned.1.call-start
scs
__scs_entry_jumppad:
0x0: {  	(pc) =	sbr.rel $0x88, $3  }
0x1: {  	(tag) =	ssettag $0x0;
	lr =	simm.s32 $0x1  }
0x2: {  	[smem:$0x3F98] =	sst lr;
	_ =	strace $0xD0000000  }
0x3: {  	_ = 	snop  }
0x4: {  	_ = 	snop  }
0x5: {  	_ = 	snop  }
0x6: {  	_ = 	snop  }
0x7: {  	_ = 	snop  }
__scs_overlays_trampoline_lowered:
0x8: {  	[smem:$0x3FA7] =	sst s0  }
0x9: {  	[smem:$0x3FA8] =	sst s1  }
0xa: {  	[smem:$0x3FA9] =	sst s2  }
0xb: {  	[smem:$0x3FAA] =	sst s3  }
0xc: {  	[smem:$0x3FAB] =	sst s4  }
0xd: {  	[smem:$0x3FAC] =	sst s5  }
0xe: {  	[smem:$0x3FAD] =	sst s6  }
0xf: {  	[smem:$0x3FAE] =	sst s7  }
0x10: {  	[smem:$0x3FAF] =	sst s8  }
0x11: {  	[smem:$0x3FB0] =	sst s9;
	s0 =	simm.s32 @!p0 $0x0  }
0x12: {  	s1 =	sld [smem:$0x3F96];
	s0 =	simm.s32 @p0 $0x1  }
0x13: {  	[smem:$0x3FB1] =	sst s0;
	s0 =	simm.s32 @!p1 $0x0  }
0x14: {  	s2 =	sld [smem:$0x3F95];
	s0 =	simm.s32 @p1 $0x1  }
0x15: {  	[smem:$0x3FB2] =	sst s0;
	s0 =	simm.s32 @!p2 $0x0  }
0x16: {  	s3 =	sld [smem:$0x3FDB];
	s0 =	simm.s32 @p2 $0x1  }
0x17: {  	s4 =	simm.s32 $0x1BF5;
	[smem:$0x3FB4] =	sst s0  }
0x18: {  	s0 =	sld [smem:$0x3F97];
	_ =	swait.ge [sflag:s4], $0x0  }
0x19: {  	s7 =	sld [smem:$0x3F98]  }
0x1a: {  	s8 =	sadd.s32 $0xFFFFE003, lr  }
0x1b: {  	s9 =	sadd.s32 $0xFFFFFEF7, lr;
	s5 =	simm.s32 $0xFFFFFFFF;
	p2 =	slt.u32 s8, $0xFFFFF086  }
0x1c: {  	p1 =	slt.u32 s9, $0xF7A;
	s5 =	simm.s32 @!p2 $0x0  }
0x1d: {  	s5 =	simm.s32 @p1 $0x1;
	p0 =	seq.s32 s7, s2  }
0x1e: {  	s7 =	smul.u32 @!p0 $0xF7A, s2;
	p2 =	seq.s32 @!p0 s5, $0x0  }
0x1f: {  	s9 =	smul.u32 $0xF7A, s1;
	s8 =	simm.s32 @!p0 $0x1BF5;
	p2 =	por !p2, p0  }
0x20: {  	[sflag:s8] =	ssyncset.s32 @!p0 $0xFFFFF086;
	s6 =	sadd.s32 @!p0 s3, s7;
	s7 =	simm.s32 @!p0 $0x108  }
0x21: {  	s3 =	sadd.s32 s3, s9;
	s6 =	sadd.s32 @!p0 $0x88, s6;
	s7 =	simm.s32 @p2 $0x1082  }
0x22: {  	[simem:s7], [sflag:s8] =	dma.local @!p0 [hbm:s6], $0xF7A  }
0x23: {  	s9 =	sor.u32 $0xD0000000, s2;
	s6 =	simm.s32 $0x108;
	_ =	swait.ge @!p0 [sflag:s8], $0x0  }
0x24: {  	s3 =	sadd.s32 $0x88, s3;
	s6 =	simm.s32 @!p1 $0x1082;
	[sflag:s4] =	ssyncset.s32 $0xFFFFF086  }
0x25: {  	[simem:s6], [sflag:s4] =	dma.local [hbm:s3], $0xF7A  }
0x26: {  	[smem:$0x3F98] =	sst s1;
	(tag) =	ssettag s2;
	_ =	strace s9  }
0x27: {  	s1 =	sld [smem:$0x3FA8]  }
0x28: {  	s2 =	sld [smem:$0x3FA9]  }
0x29: {  	s4 =	sld [smem:$0x3FAB]  }
0x2a: {  	p0 =	seq.s32 s5, $0x0;
	s5 =	sld [smem:$0x3FAC]  }
0x2b: {  	s6 =	sld [smem:$0x3FAD]  }
0x2c: {  	s7 =	sld [smem:$0x3FAE]  }
0x2d: {  	s3 =	simm.s32 $0x108;
	s8 =	sld [smem:$0x3FAF]  }
0x2e: {  	s3 =	simm.s32 @!p0 $0x1082;
	s9 =	sld [smem:$0x3FB0]  }
0x2f: {  	lr =	sadd.s32 s0, s3;
	s0 =	sld [smem:$0x3FA7]  }
0x30: {  	s3 =	sld [smem:$0x3FAA]  }
0x31: {  	[smem:$0x3FB3] =	sst s10  }
0x32: {  	s10 =	sld [smem:$0x3FB1];
	_ =	sdelay $0x3  }
0x33: {  	p0 =	seq.s32 s10, $0x1;
	s10 =	sld [smem:$0x3FB3];
	_ =	sdelay $0x3  }
0x34: {  	[smem:$0x3FB3] =	sst s10  }
0x35: {  	s10 =	sld [smem:$0x3FB2];
	_ =	sdelay $0x3  }
0x36: {  	p1 =	seq.s32 s10, $0x1;
	s10 =	sld [smem:$0x3FB3];
	_ =	sdelay $0x3  }
0x37: {  	[smem:$0x3FB3] =	sst s10  }
0x38: {  	s10 =	sld [smem:$0x3FB4]  }
0x39: {  	_ = 	snop;
	(pc) =	sbr.ind lr, $3  }
0x3a: {  	_ = 	snop  }
0x3b: {  	_ = 	snop  }
0x3c: {  	p2 =	seq.s32 s10, $0x1;
	s10 =	sld [smem:$0x3FB3]  }
0x3d: {  	_ =	shalt  }
0x3e: {  	_ =	shalt  }
0x3f: {  	_ =	shalt  }
0x40: {  	_ =	shalt  }
0x41: {  	_ =	shalt  }
0x42: {  	_ =	shalt  }
0x43: {  	_ =	shalt  }
0x44: {  	_ =	shalt  }
0x45: {  	_ =	shalt  }
0x46: {  	_ =	shalt  }
0x47: {  	_ =	shalt  }
0x48: {  	_ =	shalt  }
0x49: {  	_ =	shalt  }
0x4a: {  	_ =	shalt  }
0x4b: {  	_ =	shalt  }
0x4c: {  	_ =	shalt  }
0x4d: {  	_ =	shalt  }
0x4e: {  	_ =	shalt  }
0x4f: {  	_ =	shalt  }
0x50: {  	_ =	shalt  }
0x51: {  	_ =	shalt  }
0x52: {  	_ =	shalt  }
0x53: {  	_ =	shalt  }
0x54: {  	_ =	shalt  }
0x55: {  	_ =	shalt  }
0x56: {  	_ =	shalt  }
0x57: {  	_ =	shalt  }
0x58: {  	_ =	shalt  }
0x59: {  	_ =	shalt  }
0x5a: {  	_ =	shalt  }
0x5b: {  	_ =	shalt  }
0x5c: {  	_ =	shalt  }
0x5d: {  	_ =	shalt  }
0x5e: {  	_ =	shalt  }
0x5f: {  	_ =	shalt  }
0x60: {  	_ =	shalt  }
0x61: {  	_ =	shalt  }
0x62: {  	_ =	shalt  }
0x63: {  	_ =	shalt  }
0x64: {  	_ =	shalt  }
0x65: {  	_ =	shalt  }
0x66: {  	_ =	shalt  }
0x67: {  	_ =	shalt  }
0x68: {  	_ =	shalt  }
0x69: {  	_ =	shalt  }
0x6a: {  	_ =	shalt  }
0x6b: {  	_ =	shalt  }
0x6c: {  	_ =	shalt  }
0x6d: {  	_ =	shalt  }
0x6e: {  	_ =	shalt  }
0x6f: {  	_ =	shalt  }
0x70: {  	_ =	shalt  }
0x71: {  	_ =	shalt  }
0x72: {  	_ =	shalt  }
0x73: {  	_ =	shalt  }
0x74: {  	_ =	shalt  }
0x75: {  	_ =	shalt  }
0x76: {  	_ =	shalt  }
0x77: {  	_ =	shalt  }
0x78: {  	_ =	shalt  }
0x79: {  	_ =	shalt  }
0x7a: {  	_ =	shalt  }
0x7b: {  	_ =	shalt  }
0x7c: {  	_ =	shalt  }
0x7d: {  	_ =	shalt  }
0x7e: {  	_ =	shalt  }
0x7f: {  	_ =	shalt  }
0x80: {  	_ =	shalt  }
0x81: {  	_ =	shalt  }
0x82: {  	_ =	shalt  }
0x83: {  	_ =	shalt  }
0x84: {  	_ =	shalt  }
0x85: {  	_ =	shalt  }
0x86: {  	_ =	shalt  }
0x87: {  	_ =	shalt  }
.Lfunc_end0:
.L_simem_size_0:
called_computation_lowered:
.L_overlay_start_0:
0x88: {  	s2 =	sld [smem:$0x3FD9]  }
0x89: {  	s3 =	sld [smem:$0x3FFE];
	_ =	sdelay $0x1  }
0x8a: {  	s1 =	srdreg.scid  }
0x8b: {  	s0 =	sand.u32 $0x1, s1  }
0x8c: {  	s17 =	sshll.u32 s0, $0xA;
	s2 =	sadd.s32 s3, s2  }
0x8d: {  	s2 =	sadd.s32 s2, s17  }
0x8e: {  	[smem:$0x3FBF] =	sst s2  }
0x8f: {  	_ = 	snop  }
0x90: {  	s2 =	sld [smem:$0x3FC7]  }
0x91: {  	s18 =	sld [smem:$0x3FD0];
	(tm) =	ssettm $0x1  }
0x92: {  	s4 =	sld [smem:$0x3FFB];
	_ =	sdelay $0x3  }
0x93: {  	_ =	strace s4  }
0x94: {  	s4 =	sld [smem:$0x3FFC];
	_ =	sdelay $0x3  }
0x95: {  	_ =	strace s4  }
0x96: {  	s4 =	sld [smem:$0x3FFD];
	_ =	sdelay $0x3  }
0x97: {  	_ =	strace s4  }
0x98: {  	_ =	strace $0x8FFFFFFF  }
0x99: {  	s19 =	sld [smem:$0x3FDB];
	_ =	sdelay $0x1  }
0x9a: {  	s5 =	simm.s32 $_scs_section_size  }
0x9b: {  	s6 =	simm.s32 $_size__tile_overlayer_lowered;
	s7 =	simm.s32 $_tile_overlayer_lowered  }
0x9c: {  	s22 =	simm.s32 $0x1BFF;
	s21 =	sshll.u32 s7, $0x1;
	s4 =	sadd.s32 s5, s19  }
0x9d: {  	s8 =	simm.s32 $0x0;
	s20 =	sshll.u32 s6, $0x1;
	s6 =	sadd.s32 s21, s4  }
0x9e: {  	[timem:s8], [sflag:s22] =	dma.local [hbm:s6], s20  }
0x9f: {  	_ =	swait.ge [sflag:s22], s20  }
0xa0: {  	s5 =	ssub.s32 $0x0, s20;
	[sflag:s22] =	ssyncset.done $0x0  }
0xa1: {  	[sflag:s22] =	ssyncadd.s32 s5;
	_ =	sdelay $0x1  }
0xa2: {  	s23 =	simm.s32 $0x1B8B  }
0xa3: {  	_ =	swait.ge [sflag:s23], $0x1  }
0xa4: {  	[sflag:s23] =	ssyncset.done $0x0  }
0xa5: {  	s25 =	simm.s32 $0x1B8E;
	s24 =	sld [smem:$0x3FFE];
	[sflag:s23] =	ssyncadd.s32 $0xFFFFFFFF  }
0xa6: {  	s26 =	simm.s32 $execute0_lowered;
	[smem:$0x3FD2] =	sst s25  }
0xa7: {  	s6 =	sshll.u32 s26, $0x1;
	_ =	strace $0x80000046;
	[dreg:$0x1] =	wrdreg $0xFFFFFFFF  }
0xa8: {  	s28 =	simm.s32 $_size_execute0_lowered;
	s4 =	sadd.s32 s4, s6;
	[dreg:$0x0] =	wrdreg $0x0  }
0xa9: {  	s6 =	sshll.u32 s28, $0x1;
	[dreg:$0x2] =	wrdreg s4  }
0xaa: {  	[dreg:$0x3] =	wrdreg s6  }
0xab: {  	[dreg:$0x4] =	wrdreg $0xC0  }
0xac: {  	_ =	task [dreg:s8], $0x5FFFF  }
0xad: {  	[dreg:$0x1] =	wrdreg $0xFFFFFFFF  }
0xae: {  	[dreg:$0x0] =	wrdreg $0x60  }
0xaf: {  	[dreg:$0x2] =	wrdreg s18  }
0xb0: {  	[dreg:$0x3] =	wrdreg s2  }
0xb1: {  	[dreg:$0x4] =	wrdreg s24  }
0xb2: {  	[dreg:$0x5] =	wrdreg $0x9  }
0xb3: {  	_ =	task.clear_ibuf [dreg:s8], $0x6FFFF;
	_ =	strace $0x90000046  }
0xb4: {  	s29 =	simm.s32 $0x9;
	_ =	strace $0x80000048  }
0xb5: {  	_ =	swait.ge [sflag:s29], $0x1  }
0xb6: {  	[sflag:s29] =	ssyncadd.s32 $0xFFFFFFFF  }
0xb7: {  	_ =	strace $0x90000048  }
0xb8: {  	_ =	sfence  }
0xb9: {  	s30 =	sld [smem:$0x0];
	_ =	sdelay $0x2  }
0xba: {  	s31 =	sshll.u32 s1, $0xD;
	s1 =	sshrl.u32 s1, $0x2  }
0xbb: {  	s3 =	sand.u32 $0x4000, s31;
	s1 =	sadd.s32 s1, s30  }
0xbc: {  	s0 =	sor.u32 s3, s0;
	s1 =	sshll.u32 s1, $0x11  }
0xbd: {  	s0 =	sor.u32 s1, s0  }
0xbe: {  	s0 =	sadd.s32 $0x8F2B, s0  }
0xbf: {  	[sflag:s0] =	ssyncadd.remote.s32 $0x1  }
0xc0: {  	_ =	sfence.sel $0xFFFF  }
0xc1: {  	[dreg:$0x0] =	wrdreg $0xFFFFFFFF;
	(pc) =	sbr.abs _section_cstart, $3  }
0xc2: {  	[dreg:$0x1] =	wrdreg $0xFFFFFFFF  }
0xc3: {  	_ =	task.clear_ibuf [dreg:s8], $0x2FFFF;
	_ =	strace $0x9FFFFFFF  }
0xc4: {  	(tm) =	ssettm $0x7FFFFFFF  }
0xc5: {  	_ =	shalt  }
tec
execute0_lowered:
.L_overlay_start_1:
0x0: {  	(tag) =	ssettag $0x1  }
0x1: {  	s0 =	rddreg [dreg:$0x0]  }
0x2: {  	s1 =	srdreg.scid;
	s20 =	stileid.u32  }
0x3: {  	s3 =	rddreg [dreg:$0x1];
	s17 =	smul.u32 $0x13880, s20  }
0x4: {  	s2 =	rddreg [dreg:$0x2];
	s1 =	sand.u32 $0x1, s1;
	s19 =	smul.u32 $0x1388, s20  }
0x5: {  	s4 =	simm.s32 $0x0;
	s21 =	simm.s32 $0x100;
	s16 =	smul.u32 $0x138800, s1  }
0x6: {  	s22 =	simm.s32 $0x4100;
	s28 =	simm.s32 $0x4;
	s18 =	smul.u32 $0x13880, s1  }
0x7: {  	s5 =	sshll.u32 s1, $0x4;
	s6 =	ssub.s32 $0x2, s1;
	s1 =	smul.u32 $0x9C4000, s1  }
0x8: {  	s30 =	simm.s32 $0x0;
	s5 =	sor.u32 s20, s5;
	s20 =	smul.u32 $0x9C400, s20  }
0x9: {  	[smem:$0x7FF] =	sst s4;
	s2 =	sadd.s32 $0x4000, s2;
	s10 =	smul.u32 $0x1388, s5  }
0xa: {  	_ =	strace $0x80000047;
	s7 =	sshrl.u32 s6, $0x1;
	s9 =	smul.u32 $0x13880, s5  }
0xb: {  	s13 =	smul.u32 $0x9C400, s5;
	s14 =	ssub.s32 s6, s7;
	s16 =	sadd.s32 s16, s2  }
0xc: {  	s29 =	sadd.s32 s19, s18;
	s16 =	sadd.s32 s17, s16;
	s1 =	sadd.s32 s20, s1  }
0xd: {  	s18 =	sadd.s32 $0x180, s29;
	s17 =	sadd.s32 $0x100, s29;
	s20 =	simm.s32 $0x80  }
0xe: {  	s8 =	sadd.s32 $0x80, s10;
	s11 =	sshrl.u32 s10, $0x3;
	s7 =	sadd.s32 s2, s9  }
0xf: {  	s24 =	sshrl.u32 s13, $0x3;
	s10 =	sadd.s32 $0x1380, s10;
	s16 =	sadd.s32 $0x800, s16  }
0x10: {  	s1 =	sshrl.u32 s1, $0x3;
	s31 =	sshrl.u32 s18, $0x3;
	s12 =	sshrl.u32 s8, $0x3  }
0x11: {  	s5 =	sadd.s32 s3, s11;
	s8 =	sshll.u32 s8, $0x4;
	s15 =	sadd.s32 s2, s24  }
0x12: {  	s25 =	sshrl.u32 s10, $0x3;
	s26 =	sshll.u32 s10, $0x4;
	s18 =	sadd.s32 s1, s2  }
0x13: {  	s19 =	sadd.s32 s31, s3;
	s24 =	simm.s32 $0x3;
	s23 =	sadd.s32 s3, s12  }
0x14: {  	s8 =	sadd.s32 s2, s8;
	s9 =	sadd.s32 $0x13000, s15;
	s10 =	sadd.s32 s3, s25  }
0x15: {  	s11 =	sadd.s32 s2, s26;
	s12 =	smax.u32 s14, $0x1;
	s13 =	sadd.s32 $0x260, s5  }
0x16: {  	s14 =	sadd.s32 $0x12000, s15;
	s15 =	sadd.s32 $0x12800, s7;
	s25 =	simm.s32 $0x5  }
0x17: {  	s26 =	simm.s32 $0x2;
	[dreg:$0x4] =	wrdreg s23;
	s23 =	simm.s32 $0x1  }
.LBB2_1:
0x18: {  	[tilespmem:s4], [sflag:$0x1] =	stream.linear.gather [hbm4b:s5+s4], $0x80, $0x38;
	[tilespmem:$0x8100] =	vst v63  }
0x19: {  	s1 =	rddreg [dreg:$0x4]  }
0x1a: {  	[tilespmem:s20], [sflag:$0x2] =	stream.linear.gather [hbm4b:s1+s4], $0x80, $0x38;
	[tilespmem:$0x8100] =	vst v63  }
0x1b: {  	_ = 	snop  }
0x1c: {  	[hbm4b:s7+s4] =	stream.linear.scatter [tilespmem:s21], [sflag:$0x3], $0x4000, $0x38;
	[tilespmem:$0x8100] =	vst v63  }
0x1d: {  	_ = 	snop  }
0x1e: {  	[hbm4b:s8+s4] =	stream.linear.scatter [tilespmem:s22], [sflag:$0x4], $0x4000, $0x38;
	[tilespmem:$0x8100] =	vst v63  }
0x1f: {  	_ =	swait.ge [sflag:s23], $0x80  }
0x20: {  	[sflag:s23] =	ssyncset.done $0x0  }
0x21: {  	[sflag:s23] =	ssyncadd.s32 $0xFFFFFF80  }
0x22: {  	_ =	swait.ge [sflag:s24], $0x4000  }
0x23: {  	[sflag:s24] =	ssyncset.done $0x0  }
0x24: {  	[sflag:s24] =	ssyncadd.s32 $0xFFFFC000  }
0x25: {  	[tilespmem:s21], [sflag:$0x5] =	stream.indirect.gather [hbm4b:s0+s20], $0x80, s4, s20, $0xb8;
	[tilespmem:$0x8100] =	vst v63  }
0x26: {  	_ =	swait.ge [sflag:s25], $0x4000  }
0x27: {  	s2 =	sshrl.u32 s17, $0x3;
	[sflag:s25] =	ssyncset.done $0x0  }
0x28: {  	s1 =	sadd.s32 s3, s2;
	[sflag:s25] =	ssyncadd.s32 $0xFFFFC000  }
0x29: {  	[tilespmem:s4], [sflag:$0x1] =	stream.linear.gather [hbm4b:s1+s4], $0x80, $0x38;
	[tilespmem:$0x8100] =	vst v63  }
0x2a: {  	s6 =	sadd.s32 $0x0, s18  }
0x2b: {  	[hbm4b:s6+s4] =	stream.linear.scatter [tilespmem:s21], [sflag:$0x3], $0x4000, $0x38;
	[tilespmem:$0x8100] =	vst v63  }
0x2c: {  	_ =	swait.ge [sflag:s26], $0x80  }
0x2d: {  	[sflag:s26] =	ssyncset.done $0x0  }
0x2e: {  	[sflag:s26] =	ssyncadd.s32 $0xFFFFFF80  }
0x2f: {  	_ =	swait.ge [sflag:s28], $0x4000  }
0x30: {  	[sflag:s28] =	ssyncset.done $0x0  }
0x31: {  	[sflag:s28] =	ssyncadd.s32 $0xFFFFC000  }
0x32: {  	[tilespmem:s22], [sflag:$0x5] =	stream.indirect.gather [hbm4b:s0+s20], $0x80, s20, s20, $0xb8;
	[tilespmem:$0x8100] =	vst v63  }
0x33: {  	_ =	swait.ge [sflag:s25], $0x4000  }
0x34: {  	s31 =	simm.s32 $0x1000;
	s29 =	sadd.s32 $0x0, s16;
	[sflag:s25] =	ssyncset.done $0x0  }
0x35: {  	s2 =	sadd.s32 $0x20, s19;
	s1 =	sadd.s32 $0x100, s17;
	[sflag:s25] =	ssyncadd.s32 $0xFFFFC000  }
0x36: {  	[tilespmem:s20], [sflag:$0x2] =	stream.linear.gather [hbm4b:s19+s4], $0x80, $0x38;
	[tilespmem:$0x8100] =	vst v63  }
.LBB2_2:
0x37: {  	[hbm4b:s29+s4] =	stream.linear.scatter [tilespmem:s22], [sflag:$0x4], $0x4000, $0x38;
	[tilespmem:$0x8100] =	vst v63  }
0x38: {  	s29 =	smov.u32 s31  }
0x39: {  	p0 =	sne.s32 s31, $0x11000;
	s31 =	sadd.s32 $0x1000, s31;
	_ =	swait.ge [sflag:s23], $0x80  }
0x3a: {  	[sflag:s23] =	ssyncset.done $0x0  }
0x3b: {  	[sflag:s23] =	ssyncadd.s32 $0xFFFFFF80  }
0x3c: {  	_ =	swait.ge [sflag:s24], $0x4000  }
0x3d: {  	[sflag:s24] =	ssyncset.done $0x0  }
0x3e: {  	[sflag:s24] =	ssyncadd.s32 $0xFFFFC000  }
0x3f: {  	[tilespmem:s21], [sflag:$0x5] =	stream.indirect.gather [hbm4b:s0+s20], $0x80, s4, s20, $0xb8;
	[tilespmem:$0x8100] =	vst v63  }
0x40: {  	_ =	swait.ge [sflag:s25], $0x4000  }
0x41: {  	s6 =	sshrl.u32 s1, $0x3;
	[sflag:s25] =	ssyncset.done $0x0  }
0x42: {  	s6 =	sadd.s32 s3, s6;
	[sflag:s25] =	ssyncadd.s32 $0xFFFFC000  }
0x43: {  	[tilespmem:s4], [sflag:$0x1] =	stream.linear.gather [hbm4b:s6+s4], $0x80, $0x38;
	[tilespmem:$0x8100] =	vst v63  }
0x44: {  	s6 =	sadd.s32 s29, s18  }
0x45: {  	[hbm4b:s6+s4] =	stream.linear.scatter [tilespmem:s21], [sflag:$0x3], $0x4000, $0x38;
	[tilespmem:$0x8100] =	vst v63  }
0x46: {  	_ =	swait.ge [sflag:s26], $0x80  }
0x47: {  	[sflag:s26] =	ssyncset.done $0x0  }
0x48: {  	[sflag:s26] =	ssyncadd.s32 $0xFFFFFF80  }
0x49: {  	_ =	swait.ge [sflag:s28], $0x4000  }
0x4a: {  	[sflag:s28] =	ssyncset.done $0x0  }
0x4b: {  	[sflag:s28] =	ssyncadd.s32 $0xFFFFC000  }
0x4c: {  	[tilespmem:s22], [sflag:$0x5] =	stream.indirect.gather [hbm4b:s0+s20], $0x80, s20, s20, $0xb8;
	[tilespmem:$0x8100] =	vst v63  }
.Ltmp0:
0x4d: {  	_ =	swait.ge [sflag:s25], $0x4000;
	(pc) =	sbr.rel @p0 .LBB2_2-.Ltmp0, $4  }
0x4e: {  	[sflag:s25] =	ssyncset.done $0x0  }
0x4f: {  	[sflag:s25] =	ssyncadd.s32 $0xFFFFC000  }
0x50: {  	[tilespmem:s20], [sflag:$0x2] =	stream.linear.gather [hbm4b:s2+s4], $0x80, $0x38;
	[tilespmem:$0x8100] =	vst v63  }
0x51: {  	s1 =	sadd.s32 $0x100, s1;
	s29 =	sadd.s32 s29, s16;
	s2 =	sadd.s32 $0x20, s2  }
0x52: {  	[hbm4b:s29+s4] =	stream.linear.scatter [tilespmem:s22], [sflag:$0x4], $0x4000, $0x38;
	[tilespmem:$0x8100] =	vst v63  }
0x53: {  	_ =	swait.ge [sflag:s23], $0x80  }
0x54: {  	[sflag:s23] =	ssyncset.done $0x0  }
0x55: {  	[sflag:s23] =	ssyncadd.s32 $0xFFFFFF80  }
0x56: {  	_ =	swait.ge [sflag:s24], $0x4000  }
0x57: {  	[sflag:s24] =	ssyncset.done $0x0  }
0x58: {  	[sflag:s24] =	ssyncadd.s32 $0xFFFFC000  }
0x59: {  	[tilespmem:s21], [sflag:$0x5] =	stream.indirect.gather [hbm4b:s0+s20], $0x80, s4, s20, $0xb8;
	[tilespmem:$0x8100] =	vst v63  }
0x5a: {  	_ =	swait.ge [sflag:s25], $0x4000  }
0x5b: {  	[sflag:s25] =	ssyncset.done $0x0  }
0x5c: {  	[sflag:s25] =	ssyncadd.s32 $0xFFFFC000  }
0x5d: {  	[tilespmem:s4], [sflag:$0x1] =	stream.linear.gather [hbm4b:s13+s4], $0x80, $0x38;
	[tilespmem:$0x8100] =	vst v63  }
0x5e: {  	_ = 	snop  }
0x5f: {  	[hbm4b:s14+s4] =	stream.linear.scatter [tilespmem:s21], [sflag:$0x3], $0x4000, $0x38;
	[tilespmem:$0x8100] =	vst v63  }
0x60: {  	_ =	swait.ge [sflag:s26], $0x80  }
0x61: {  	[sflag:s26] =	ssyncset.done $0x0  }
0x62: {  	[sflag:s26] =	ssyncadd.s32 $0xFFFFFF80  }
0x63: {  	_ =	swait.ge [sflag:s28], $0x4000  }
0x64: {  	[sflag:s28] =	ssyncset.done $0x0  }
0x65: {  	[sflag:s28] =	ssyncadd.s32 $0xFFFFC000  }
0x66: {  	[tilespmem:s22], [sflag:$0x5] =	stream.indirect.gather [hbm4b:s0+s20], $0x80, s20, s20, $0xb8;
	[tilespmem:$0x8100] =	vst v63  }
0x67: {  	_ =	swait.ge [sflag:s25], $0x4000  }
0x68: {  	[sflag:s25] =	ssyncset.done $0x0  }
0x69: {  	[sflag:s25] =	ssyncadd.s32 $0xFFFFC000  }
0x6a: {  	[tilespmem:s20], [sflag:$0x2] =	stream.linear.gather [hbm4b:s13+s4], $0x80, $0x38;
	[tilespmem:$0x8100] =	vst v63  }
0x6b: {  	_ = 	snop  }
0x6c: {  	[hbm4b:s15+s4] =	stream.linear.scatter [tilespmem:s22], [sflag:$0x4], $0x4000, $0x38;
	[tilespmem:$0x8100] =	vst v63  }
0x6d: {  	_ =	swait.ge [sflag:s23], $0x80  }
0x6e: {  	[sflag:s23] =	ssyncset.done $0x0  }
0x6f: {  	[sflag:s23] =	ssyncadd.s32 $0xFFFFFF80  }
0x70: {  	_ =	swait.ge [sflag:s24], $0x4000  }
0x71: {  	[sflag:s24] =	ssyncset.done $0x0  }
0x72: {  	[sflag:s24] =	ssyncadd.s32 $0xFFFFC000  }
0x73: {  	[tilespmem:s21], [sflag:$0x5] =	stream.indirect.gather [hbm4b:s0+s20], $0x80, s4, s20, $0xb8;
	[tilespmem:$0x8100] =	vst v63  }
0x74: {  	_ =	swait.ge [sflag:s25], $0x4000  }
0x75: {  	[sflag:s25] =	ssyncset.done $0x0  }
0x76: {  	[sflag:s25] =	ssyncadd.s32 $0xFFFFC000  }
0x77: {  	[hbm4b:s9+s4] =	stream.linear.scatter [tilespmem:s21], [sflag:$0x5], $0x4000, $0x38;
	[tilespmem:$0x8100] =	vst v63  }
0x78: {  	_ =	swait.ge [sflag:s25], $0x4000  }
0x79: {  	[sflag:s25] =	ssyncset.done $0x0  }
0x7a: {  	[sflag:s25] =	ssyncadd.s32 $0xFFFFC000  }
0x7b: {  	_ =	swait.ge [sflag:s26], $0x80  }
0x7c: {  	[sflag:s26] =	ssyncset.done $0x0  }
0x7d: {  	[sflag:s26] =	ssyncadd.s32 $0xFFFFFF80  }
0x7e: {  	_ =	swait.ge [sflag:s28], $0x4000  }
0x7f: {  	[sflag:s28] =	ssyncset.done $0x0  }
0x80: {  	[sflag:s28] =	ssyncadd.s32 $0xFFFFC000  }
0x81: {  	[tilespmem:s4], [sflag:$0x5] =	stream.linear.gather [hbm4b:s10+s4], $0x8, $0x38;
	[tilespmem:$0x8100] =	vst v63  }
0x82: {  	_ =	swait.ge [sflag:s25], $0x8  }
0x83: {  	[sflag:s25] =	ssyncset.done $0x0  }
0x84: {  	s1 =	simm.s32 $0x8;
	[sflag:s25] =	ssyncadd.s32 $0xFFFFFFF8  }
0x85: {  	[tilespmem:s21], [sflag:$0x5] =	stream.indirect.gather [hbm4b:s0+s1], $0x80, s4, s1, $0xb8;
	[tilespmem:$0x8100] =	vst v63  }
0x86: {  	s30 =	sadd.s32 $0x1, s30;
	_ =	swait.ge [sflag:s25], $0x400  }
0x87: {  	p0 =	sne.s32 s30, s12;
	[sflag:s25] =	ssyncset.done $0x0  }
.Ltmp1:
0x88: {  	[sflag:s25] =	ssyncadd.s32 $0xFFFFFC00;
	(pc) =	sbr.rel @p0 .LBB2_1-.Ltmp1, $4  }
0x89: {  	[hbm4b:s11+s4] =	stream.linear.scatter [tilespmem:s21], [sflag:$0x5], $0x400, $0x38;
	[tilespmem:$0x8100] =	vst v63  }
0x8a: {  	_ =	swait.ge [sflag:s25], $0x400  }
0x8b: {  	[sflag:s25] =	ssyncset.done $0x0  }
0x8c: {  	[sflag:s25] =	ssyncadd.s32 $0xFFFFFC00  }
0x8d: {  	_ =	sfence.sel $0x180000  }
0x8e: {  	[bflag:$0x0] =	sbarrier.arrive $0xFFFF  }
0x8f: {  	_ =	strace $0x90000047  }
0x90: {  	s0 =	stileid.u32;
	[bflag:$0x2] =	sbarrier.arrive $0xFFFF  }
0x91: {  	p0 =	sne.s32 s0, $0x0;
	s0 =	rddreg [dreg:$0x3]  }
0x92: {  	s0 =	sadd.s32 @!p0 $0x100000, s0  }
0x93: {  	[sflag:s0] =	ssyncadd.tile.s32 @!p0 $0x1;
	_ =	shalt  }
.Lfunc_end2:
_tile_overlayer_lowered:
.L_overlay_start_2:
0x94: {  	(tag) =	ssettag $0x2  }
0x95: {  	s0 =	rddreg [dreg:$0x0];
	s2 =	stileid.u32  }
0x96: {  	s1 =	rddreg [dreg:$0x1];
	p0 =	sne.s32 s2, $0x0  }
0x97: {  	s3 =	rddreg [dreg:$0x2];
	[bflag:$0x3] =	sbarrier.arrive $0xFFFF;
	s2 =	simm.s32 @!p0 $0x1C05  }
0x98: {  	[timem:s3], [sflag:s2] =	dma.local @!p0 [hbm:s0], s1  }
0x99: {  	s0 =	simm.s32 @!p0 $0x5  }
0x9a: {  	_ =	swait.ge @!p0 [sflag:s0], s1  }
0x9b: {  	s1 =	ssub.s32 @!p0 $0x0, s1;
	[sflag:s0] =	ssyncset.done @!p0 $0x0  }
0x9c: {  	[sflag:s0] =	ssyncadd.s32 @!p0 s1  }
0x9d: {  	[bflag:$0x3] =	sbarrier.arrive $0xFFFF  }
0x9e: {  	_ =	shalt  }

// kernel: kernel.15.cloned.1.call-start
scs
__scs_entry_jumppad:
0x0: {  	(pc) =	sbr.rel $0x88, $3  }
0x1: {  	(tag) =	ssettag $0x0;
	lr =	simm.s32 $0x1  }
0x2: {  	[smem:$0x3F98] =	sst lr;
	_ =	strace $0xD0000000  }
0x3: {  	_ = 	snop  }
0x4: {  	_ = 	snop  }
0x5: {  	_ = 	snop  }
0x6: {  	_ = 	snop  }
0x7: {  	_ = 	snop  }
__scs_overlays_trampoline_lowered:
0x8: {  	[smem:$0x3FA7] =	sst s0  }
0x9: {  	[smem:$0x3FA8] =	sst s1  }
0xa: {  	[smem:$0x3FA9] =	sst s2  }
0xb: {  	[smem:$0x3FAA] =	sst s3  }
0xc: {  	[smem:$0x3FAB] =	sst s4  }
0xd: {  	[smem:$0x3FAC] =	sst s5  }
0xe: {  	[smem:$0x3FAD] =	sst s6  }
0xf: {  	[smem:$0x3FAE] =	sst s7  }
0x10: {  	[smem:$0x3FAF] =	sst s8  }
0x11: {  	[smem:$0x3FB0] =	sst s9;
	s0 =	simm.s32 @!p0 $0x0  }
0x12: {  	s1 =	sld [smem:$0x3F96];
	s0 =	simm.s32 @p0 $0x1  }
0x13: {  	[smem:$0x3FB1] =	sst s0;
	s0 =	simm.s32 @!p1 $0x0  }
0x14: {  	s2 =	sld [smem:$0x3F95];
	s0 =	simm.s32 @p1 $0x1  }
0x15: {  	[smem:$0x3FB2] =	sst s0;
	s0 =	simm.s32 @!p2 $0x0  }
0x16: {  	s3 =	sld [smem:$0x3FDB];
	s0 =	simm.s32 @p2 $0x1  }
0x17: {  	s4 =	simm.s32 $0x1BF5;
	[smem:$0x3FB4] =	sst s0  }
0x18: {  	s0 =	sld [smem:$0x3F97];
	_ =	swait.ge [sflag:s4], $0x0  }
0x19: {  	s7 =	sld [smem:$0x3F98]  }
0x1a: {  	s8 =	sadd.s32 $0xFFFFE003, lr  }
0x1b: {  	s9 =	sadd.s32 $0xFFFFFEF7, lr;
	s5 =	simm.s32 $0xFFFFFFFF;
	p2 =	slt.u32 s8, $0xFFFFF086  }
0x1c: {  	p1 =	slt.u32 s9, $0xF7A;
	s5 =	simm.s32 @!p2 $0x0  }
0x1d: {  	s5 =	simm.s32 @p1 $0x1;
	p0 =	seq.s32 s7, s2  }
0x1e: {  	s7 =	smul.u32 @!p0 $0xF7A, s2;
	p2 =	seq.s32 @!p0 s5, $0x0  }
0x1f: {  	s9 =	smul.u32 $0xF7A, s1;
	s8 =	simm.s32 @!p0 $0x1BF5;
	p2 =	por !p2, p0  }
0x20: {  	[sflag:s8] =	ssyncset.s32 @!p0 $0xFFFFF086;
	s6 =	sadd.s32 @!p0 s3, s7;
	s7 =	simm.s32 @!p0 $0x108  }
0x21: {  	s3 =	sadd.s32 s3, s9;
	s6 =	sadd.s32 @!p0 $0x88, s6;
	s7 =	simm.s32 @p2 $0x1082  }
0x22: {  	[simem:s7], [sflag:s8] =	dma.local @!p0 [hbm:s6], $0xF7A  }
0x23: {  	s9 =	sor.u32 $0xD0000000, s2;
	s6 =	simm.s32 $0x108;
	_ =	swait.ge @!p0 [sflag:s8], $0x0  }
0x24: {  	s3 =	sadd.s32 $0x88, s3;
	s6 =	simm.s32 @!p1 $0x1082;
	[sflag:s4] =	ssyncset.s32 $0xFFFFF086  }
0x25: {  	[simem:s6], [sflag:s4] =	dma.local [hbm:s3], $0xF7A  }
0x26: {  	[smem:$0x3F98] =	sst s1;
	(tag) =	ssettag s2;
	_ =	strace s9  }
0x27: {  	s1 =	sld [smem:$0x3FA8]  }
0x28: {  	s2 =	sld [smem:$0x3FA9]  }
0x29: {  	s4 =	sld [smem:$0x3FAB]  }
0x2a: {  	p0 =	seq.s32 s5, $0x0;
	s5 =	sld [smem:$0x3FAC]  }
0x2b: {  	s6 =	sld [smem:$0x3FAD]  }
0x2c: {  	s7 =	sld [smem:$0x3FAE]  }
0x2d: {  	s3 =	simm.s32 $0x108;
	s8 =	sld [smem:$0x3FAF]  }
0x2e: {  	s3 =	simm.s32 @!p0 $0x1082;
	s9 =	sld [smem:$0x3FB0]  }
0x2f: {  	lr =	sadd.s32 s0, s3;
	s0 =	sld [smem:$0x3FA7]  }
0x30: {  	s3 =	sld [smem:$0x3FAA]  }
0x31: {  	[smem:$0x3FB3] =	sst s10  }
0x32: {  	s10 =	sld [smem:$0x3FB1];
	_ =	sdelay $0x3  }
0x33: {  	p0 =	seq.s32 s10, $0x1;
	s10 =	sld [smem:$0x3FB3];
	_ =	sdelay $0x3  }
0x34: {  	[smem:$0x3FB3] =	sst s10  }
0x35: {  	s10 =	sld [smem:$0x3FB2];
	_ =	sdelay $0x3  }
0x36: {  	p1 =	seq.s32 s10, $0x1;
	s10 =	sld [smem:$0x3FB3];
	_ =	sdelay $0x3  }
0x37: {  	[smem:$0x3FB3] =	sst s10  }
0x38: {  	s10 =	sld [smem:$0x3FB4]  }
0x39: {  	_ = 	snop;
	(pc) =	sbr.ind lr, $3  }
0x3a: {  	_ = 	snop  }
0x3b: {  	_ = 	snop  }
0x3c: {  	p2 =	seq.s32 s10, $0x1;
	s10 =	sld [smem:$0x3FB3]  }
0x3d: {  	_ =	shalt  }
0x3e: {  	_ =	shalt  }
0x3f: {  	_ =	shalt  }
0x40: {  	_ =	shalt  }
0x41: {  	_ =	shalt  }
0x42: {  	_ =	shalt  }
0x43: {  	_ =	shalt  }
0x44: {  	_ =	shalt  }
0x45: {  	_ =	shalt  }
0x46: {  	_ =	shalt  }
0x47: {  	_ =	shalt  }
0x48: {  	_ =	shalt  }
0x49: {  	_ =	shalt  }
0x4a: {  	_ =	shalt  }
0x4b: {  	_ =	shalt  }
0x4c: {  	_ =	shalt  }
0x4d: {  	_ =	shalt  }
0x4e: {  	_ =	shalt  }
0x4f: {  	_ =	shalt  }
0x50: {  	_ =	shalt  }
0x51: {  	_ =	shalt  }
0x52: {  	_ =	shalt  }
0x53: {  	_ =	shalt  }
0x54: {  	_ =	shalt  }
0x55: {  	_ =	shalt  }
0x56: {  	_ =	shalt  }
0x57: {  	_ =	shalt  }
0x58: {  	_ =	shalt  }
0x59: {  	_ =	shalt  }
0x5a: {  	_ =	shalt  }
0x5b: {  	_ =	shalt  }
0x5c: {  	_ =	shalt  }
0x5d: {  	_ =	shalt  }
0x5e: {  	_ =	shalt  }
0x5f: {  	_ =	shalt  }
0x60: {  	_ =	shalt  }
0x61: {  	_ =	shalt  }
0x62: {  	_ =	shalt  }
0x63: {  	_ =	shalt  }
0x64: {  	_ =	shalt  }
0x65: {  	_ =	shalt  }
0x66: {  	_ =	shalt  }
0x67: {  	_ =	shalt  }
0x68: {  	_ =	shalt  }
0x69: {  	_ =	shalt  }
0x6a: {  	_ =	shalt  }
0x6b: {  	_ =	shalt  }
0x6c: {  	_ =	shalt  }
0x6d: {  	_ =	shalt  }
0x6e: {  	_ =	shalt  }
0x6f: {  	_ =	shalt  }
0x70: {  	_ =	shalt  }
0x71: {  	_ =	shalt  }
0x72: {  	_ =	shalt  }
0x73: {  	_ =	shalt  }
0x74: {  	_ =	shalt  }
0x75: {  	_ =	shalt  }
0x76: {  	_ =	shalt  }
0x77: {  	_ =	shalt  }
0x78: {  	_ =	shalt  }
0x79: {  	_ =	shalt  }
0x7a: {  	_ =	shalt  }
0x7b: {  	_ =	shalt  }
0x7c: {  	_ =	shalt  }
0x7d: {  	_ =	shalt  }
0x7e: {  	_ =	shalt  }
0x7f: {  	_ =	shalt  }
0x80: {  	_ =	shalt  }
0x81: {  	_ =	shalt  }
0x82: {  	_ =	shalt  }
0x83: {  	_ =	shalt  }
0x84: {  	_ =	shalt  }
0x85: {  	_ =	shalt  }
0x86: {  	_ =	shalt  }
0x87: {  	_ =	shalt  }
.Lfunc_end0:
.L_simem_size_0:
called_computation.1_lowered:
.L_overlay_start_0:
0x88: {  	s2 =	sld [smem:$0x3FD9]  }
0x89: {  	s3 =	sld [smem:$0x3FFE];
	_ =	sdelay $0x1  }
0x8a: {  	s1 =	srdreg.scid  }
0x8b: {  	s0 =	sand.u32 $0x1, s1  }
0x8c: {  	s17 =	sshll.u32 s0, $0xA;
	s2 =	sadd.s32 s3, s2  }
0x8d: {  	s2 =	sadd.s32 s2, s17  }
0x8e: {  	[smem:$0x3FBF] =	sst s2  }
0x8f: {  	_ = 	snop  }
0x90: {  	s18 =	sld [smem:$0x3FC7]  }
0x91: {  	s4 =	sld [smem:$0x3FD0];
	(tm) =	ssettm $0x1  }
0x92: {  	s19 =	sld [smem:$0x3FFB];
	_ =	sdelay $0x3  }
0x93: {  	_ =	strace s19  }
0x94: {  	s2 =	sld [smem:$0x3FFC];
	_ =	sdelay $0x3  }
0x95: {  	_ =	strace s2  }
0x96: {  	s2 =	sld [smem:$0x3FFD];
	_ =	sdelay $0x3  }
0x97: {  	_ =	strace s2  }
0x98: {  	_ =	strace $0x8FFFFFFF  }
0x99: {  	s20 =	sld [smem:$0x3FDB];
	_ =	sdelay $0x1  }
0x9a: {  	s5 =	simm.s32 $_scs_section_size  }
0x9b: {  	s6 =	simm.s32 $_size__tile_overlayer_lowered;
	s7 =	simm.s32 $_tile_overlayer_lowered  }
0x9c: {  	s8 =	simm.s32 $0x1BFF;
	s21 =	sshll.u32 s7, $0x1;
	s5 =	sadd.s32 s5, s20  }
0x9d: {  	s22 =	simm.s32 $0x0;
	s6 =	sshll.u32 s6, $0x1;
	s7 =	sadd.s32 s21, s5  }
0x9e: {  	[timem:s22], [sflag:s8] =	dma.local [hbm:s7], s6  }
0x9f: {  	_ =	swait.ge [sflag:s8], s6  }
0xa0: {  	s6 =	ssub.s32 $0x0, s6;
	[sflag:s8] =	ssyncset.done $0x0  }
0xa1: {  	[sflag:s8] =	ssyncadd.s32 s6;
	_ =	sdelay $0x1  }
0xa2: {  	s23 =	simm.s32 $0x1B8B  }
0xa3: {  	_ =	swait.ge [sflag:s23], $0x1  }
0xa4: {  	[sflag:s23] =	ssyncset.done $0x0  }
0xa5: {  	[sflag:s23] =	ssyncadd.s32 $0xFFFFFFFF  }
0xa6: {  	s6 =	sld [smem:$0x0]  }
0xa7: {  	s7 =	sand.u32 $0xFFFFFFFE, s1  }
0xa8: {  	p0 =	sne.s32 s1, s7  }
0xa9: {  	s7 =	sshll.u32 @p0 s7, $0xE  }
0xaa: {  	s7 =	sadd.s32 @p0 $0x11B8D, s7;
	s8 =	sshll.u32 @p0 s6, $0x11  }
0xab: {  	s7 =	sor.u32 @p0 s8, s7  }
0xac: {  	[sflag:s7] =	ssyncadd.remote.s32 @p0 $0x1;
	_ =	sdelay $0x1  }
0xad: {  	s7 =	simm.s32 @p0 $0x1B8D  }
0xae: {  	_ =	swait.eq @p0 [sflag:s7], $0x1  }
0xaf: {  	[sflag:s7] =	ssyncadd.s32 @p0 $0xFFFFFFFF  }
0xb0: {  	s8 =	sshll.u32 @!p0 s1, $0xE  }
0xb1: {  	s8 =	sor.u32 @!p0 $0x4000, s8;
	s7 =	simm.s32 @!p0 $0x1B8D  }
0xb2: {  	s6 =	sshll.u32 @!p0 s6, $0x11;
	s8 =	sadd.s32 @!p0 $0x11B8D, s8;
	_ =	swait.eq @!p0 [sflag:s7], $0x1  }
0xb3: {  	s6 =	sor.u32 @!p0 s6, s8;
	[sflag:s7] =	ssyncadd.s32 @!p0 $0xFFFFFFFF  }
0xb4: {  	s25 =	simm.s32 $0x1B8E;
	s24 =	sld [smem:$0x3FFE];
	[sflag:s6] =	ssyncadd.remote.s32 @!p0 $0x1  }
0xb5: {  	s26 =	simm.s32 $execute0_lowered;
	[smem:$0x3FD2] =	sst s25  }
0xb6: {  	s7 =	sshll.u32 s26, $0x1;
	_ =	strace $0x80000049;
	[dreg:$0x1] =	wrdreg $0xFFFFFFFF  }
0xb7: {  	s28 =	simm.s32 $_size_execute0_lowered;
	s5 =	sadd.s32 s5, s7;
	[dreg:$0x0] =	wrdreg $0x0  }
0xb8: {  	s7 =	sshll.u32 s28, $0x1;
	[dreg:$0x2] =	wrdreg s5  }
0xb9: {  	[dreg:$0x3] =	wrdreg s7  }
0xba: {  	[dreg:$0x4] =	wrdreg $0xC0  }
0xbb: {  	_ =	task [dreg:s22], $0x5FFFF  }
0xbc: {  	[dreg:$0x1] =	wrdreg $0xFFFFFFFF  }
0xbd: {  	[dreg:$0x0] =	wrdreg $0x60  }
0xbe: {  	[dreg:$0x2] =	wrdreg s4  }
0xbf: {  	[dreg:$0x3] =	wrdreg s18  }
0xc0: {  	[dreg:$0x4] =	wrdreg s24  }
0xc1: {  	[dreg:$0x5] =	wrdreg $0xA  }
0xc2: {  	_ =	task.clear_ibuf [dreg:s22], $0x6FFFF;
	_ =	strace $0x90000049  }
0xc3: {  	s29 =	simm.s32 $0xA;
	_ =	strace $0x8000004B  }
0xc4: {  	_ =	swait.ge [sflag:s29], $0x1  }
0xc5: {  	[sflag:s29] =	ssyncadd.s32 $0xFFFFFFFF  }
0xc6: {  	_ =	strace $0x9000004B  }
0xc7: {  	_ =	sfence  }
0xc8: {  	s30 =	sld [smem:$0x0];
	_ =	sdelay $0x2  }
0xc9: {  	s31 =	sshll.u32 s1, $0xD;
	s1 =	sshrl.u32 s1, $0x2  }
0xca: {  	s4 =	sand.u32 $0x4000, s31;
	s1 =	sadd.s32 s1, s30  }
0xcb: {  	s0 =	sor.u32 s4, s0;
	s1 =	sshll.u32 s1, $0x11  }
0xcc: {  	s0 =	sor.u32 s1, s0  }
0xcd: {  	s0 =	sadd.s32 $0x8F2B, s0  }
0xce: {  	[sflag:s0] =	ssyncadd.remote.s32 $0x1  }
0xcf: {  	_ =	sfence.sel $0xFFFF  }
0xd0: {  	[dreg:$0x0] =	wrdreg $0xFFFFFFFF;
	(pc) =	sbr.abs _section_cstart, $3  }
0xd1: {  	[dreg:$0x1] =	wrdreg $0xFFFFFFFF  }
0xd2: {  	_ =	task.clear_ibuf [dreg:s22], $0x2FFFF;
	_ =	strace $0x9FFFFFFF  }
0xd3: {  	(tm) =	ssettm $0x7FFFFFFF  }
tec
execute0_lowered:
.L_overlay_start_1:
0x0: {  	(tag) =	ssettag $0x1  }
0x1: {  	s0 =	rddreg [dreg:$0x0]  }
0x2: {  	s1 =	srdreg.scid;
	s15 =	rddreg [dreg:$0x1]  }
0x3: {  	s2 =	rddreg [dreg:$0x2];
	s19 =	stileid.u32  }
0x4: {  	s3 =	simm.s32 $0x0;
	s20 =	simm.s32 $0x100;
	s16 =	smul.u32 $0x13880, s19  }
0x5: {  	s21 =	simm.s32 $0x4100;
	s1 =	sand.u32 $0x1, s1;
	s30 =	smul.u32 $0x1388, s19  }
0x6: {  	s22 =	simm.s32 $0x1;
	s23 =	simm.s32 $0x3;
	s14 =	smul.u32 $0x138800, s1  }
0x7: {  	s24 =	simm.s32 $0x5;
	s29 =	simm.s32 $0x0;
	s18 =	smul.u32 $0x13880, s1  }
0x8: {  	s4 =	sshll.u32 s1, $0x4;
	s25 =	ssub.s32 $0x2, s1;
	s1 =	smul.u32 $0x9C4000, s1  }
0x9: {  	[smem:$0x7FF] =	sst s3;
	s4 =	sor.u32 s19, s4;
	s19 =	smul.u32 $0x9C400, s19  }
0xa: {  	s17 =	sadd.s32 $0x275000, s2;
	s6 =	sshrl.u32 s25, $0x1;
	s5 =	smul.u32 $0x1388, s4  }
0xb: {  	_ =	strace $0x8000004A;
	s7 =	smul.u32 $0x9C400, s4;
	s2 =	ssub.s32 s25, s6  }
0xc: {  	s26 =	smul.u32 $0x13880, s4;
	s14 =	sadd.s32 s14, s17;
	s18 =	sadd.s32 s30, s18  }
0xd: {  	s25 =	simm.s32 $0x2;
	s11 =	smax.u32 s2, $0x1;
	s16 =	sadd.s32 s16, s14  }
0xe: {  	s31 =	sadd.s32 $0x27200, s18;
	s1 =	sadd.s32 s19, s1;
	s18 =	sadd.s32 $0x27280, s18  }
0xf: {  	s19 =	simm.s32 $0x80;
	s5 =	sshrl.u32 s5, $0x3;
	s7 =	sshrl.u32 s7, $0x3  }
0x10: {  	s6 =	sadd.s32 s17, s26;
	s2 =	sadd.s32 $0x800, s16;
	s16 =	sshrl.u32 s31, $0x3  }
0x11: {  	s1 =	sshrl.u32 s1, $0x3;
	s18 =	sshrl.u32 s18, $0x3;
	s26 =	simm.s32 $0x4  }
0x12: {  	s12 =	sadd.s32 s15, s5;
	s13 =	sadd.s32 s17, s7;
	s14 =	sadd.s32 $0x12800, s6  }
0x13: {  	s16 =	sadd.s32 s16, s15;
	s17 =	sadd.s32 s1, s17;
	s18 =	sadd.s32 s18, s15  }
0x14: {  	s28 =	sadd.s32 $0x4E20, s12;
	s5 =	sadd.s32 $0x4E30, s12;
	s7 =	sadd.s32 $0x800, s13  }
0x15: {  	s8 =	sadd.s32 $0x13000, s13;
	s9 =	sadd.s32 $0x5090, s12;
	s10 =	sadd.s32 $0x13800, s13  }
0x16: {  	s12 =	sadd.s32 $0x5080, s12;
	s13 =	sadd.s32 $0x12000, s13;
	[dreg:$0x4] =	wrdreg s28  }
.LBB2_1:
0x17: {  	s1 =	rddreg [dreg:$0x4]  }
0x18: {  	[tilespmem:s3], [sflag:$0x1] =	stream.linear.gather [hbm4b:s1+s3], $0x80, $0x38;
	[tilespmem:$0x8100] =	vst v63  }
0x19: {  	_ = 	snop  }
0x1a: {  	[tilespmem:s19], [sflag:$0x2] =	stream.linear.gather [hbm4b:s5+s3], $0x80, $0x38;
	[tilespmem:$0x8100] =	vst v63  }
0x1b: {  	_ = 	snop  }
0x1c: {  	[hbm4b:s6+s3] =	stream.linear.scatter [tilespmem:s20], [sflag:$0x3], $0x4000, $0x38;
	[tilespmem:$0x8100] =	vst v63  }
0x1d: {  	_ = 	snop  }
0x1e: {  	[hbm4b:s7+s3] =	stream.linear.scatter [tilespmem:s21], [sflag:$0x4], $0x4000, $0x38;
	[tilespmem:$0x8100] =	vst v63  }
0x1f: {  	_ =	swait.ge [sflag:s22], $0x80  }
0x20: {  	[sflag:s22] =	ssyncset.done $0x0  }
0x21: {  	[sflag:s22] =	ssyncadd.s32 $0xFFFFFF80  }
0x22: {  	_ =	swait.ge [sflag:s23], $0x4000  }
0x23: {  	[sflag:s23] =	ssyncset.done $0x0  }
0x24: {  	[sflag:s23] =	ssyncadd.s32 $0xFFFFC000  }
0x25: {  	[tilespmem:s20], [sflag:$0x5] =	stream.indirect.gather [hbm4b:s0+s19], $0x80, s3, s19, $0xb8;
	[tilespmem:$0x8100] =	vst v63  }
0x26: {  	_ =	swait.ge [sflag:s24], $0x4000  }
0x27: {  	[sflag:s24] =	ssyncset.done $0x0  }
0x28: {  	s15 =	sadd.s32 $0x0, s16;
	[sflag:s24] =	ssyncadd.s32 $0xFFFFC000  }
0x29: {  	[tilespmem:s3], [sflag:$0x1] =	stream.linear.gather [hbm4b:s15+s3], $0x80, $0x38;
	[tilespmem:$0x8100] =	vst v63  }
0x2a: {  	_ = 	snop  }
0x2b: {  	[hbm4b:s17+s3] =	stream.linear.scatter [tilespmem:s20], [sflag:$0x3], $0x4000, $0x38;
	[tilespmem:$0x8100] =	vst v63  }
0x2c: {  	_ =	swait.ge [sflag:s25], $0x80  }
0x2d: {  	[sflag:s25] =	ssyncset.done $0x0  }
0x2e: {  	[sflag:s25] =	ssyncadd.s32 $0xFFFFFF80  }
0x2f: {  	_ =	swait.ge [sflag:s26], $0x4000  }
0x30: {  	[sflag:s26] =	ssyncset.done $0x0  }
0x31: {  	[sflag:s26] =	ssyncadd.s32 $0xFFFFC000  }
0x32: {  	[tilespmem:s21], [sflag:$0x5] =	stream.indirect.gather [hbm4b:s0+s19], $0x80, s19, s19, $0xb8;
	[tilespmem:$0x8100] =	vst v63  }
0x33: {  	s28 =	sadd.s32 $0x0, s18;
	_ =	swait.ge [sflag:s24], $0x4000  }
0x34: {  	s30 =	simm.s32 $0x20;
	s31 =	sadd.s32 $0x1000, s2;
	[sflag:s24] =	ssyncset.done $0x0  }
0x35: {  	s1 =	sadd.s32 $0x1000, s17;
	s15 =	smov.u32 s2;
	[sflag:s24] =	ssyncadd.s32 $0xFFFFC000  }
0x36: {  	[tilespmem:s19], [sflag:$0x2] =	stream.linear.gather [hbm4b:s28+s3], $0x80, $0x38;
	[tilespmem:$0x8100] =	vst v63  }
.LBB2_2:
0x37: {  	[hbm4b:s15+s3] =	stream.linear.scatter [tilespmem:s21], [sflag:$0x4], $0x4000, $0x38;
	[tilespmem:$0x8100] =	vst v63  }
0x38: {  	s28 =	smov.u32 s30;
	s15 =	smov.u32 s31  }
0x39: {  	p0 =	sne.s32 s30, $0x220;
	s30 =	sadd.s32 $0x20, s30;
	_ =	swait.ge [sflag:s22], $0x80  }
0x3a: {  	[sflag:s22] =	ssyncset.done $0x0  }
0x3b: {  	[sflag:s22] =	ssyncadd.s32 $0xFFFFFF80  }
0x3c: {  	_ =	swait.ge [sflag:s23], $0x4000  }
0x3d: {  	[sflag:s23] =	ssyncset.done $0x0  }
0x3e: {  	[sflag:s23] =	ssyncadd.s32 $0xFFFFC000  }
0x3f: {  	[tilespmem:s20], [sflag:$0x5] =	stream.indirect.gather [hbm4b:s0+s19], $0x80, s3, s19, $0xb8;
	[tilespmem:$0x8100] =	vst v63  }
0x40: {  	_ =	swait.ge [sflag:s24], $0x4000  }
0x41: {  	[sflag:s24] =	ssyncset.done $0x0  }
0x42: {  	s4 =	sadd.s32 s28, s16;
	[sflag:s24] =	ssyncadd.s32 $0xFFFFC000  }
0x43: {  	[tilespmem:s3], [sflag:$0x1] =	stream.linear.gather [hbm4b:s4+s3], $0x80, $0x38;
	[tilespmem:$0x8100] =	vst v63  }
0x44: {  	_ = 	snop  }
0x45: {  	[hbm4b:s1+s3] =	stream.linear.scatter [tilespmem:s20], [sflag:$0x3], $0x4000, $0x38;
	[tilespmem:$0x8100] =	vst v63  }
0x46: {  	_ =	swait.ge [sflag:s25], $0x80  }
0x47: {  	[sflag:s25] =	ssyncset.done $0x0  }
0x48: {  	[sflag:s25] =	ssyncadd.s32 $0xFFFFFF80  }
0x49: {  	_ =	swait.ge [sflag:s26], $0x4000  }
0x4a: {  	[sflag:s26] =	ssyncset.done $0x0  }
0x4b: {  	[sflag:s26] =	ssyncadd.s32 $0xFFFFC000  }
0x4c: {  	[tilespmem:s21], [sflag:$0x5] =	stream.indirect.gather [hbm4b:s0+s19], $0x80, s19, s19, $0xb8;
	[tilespmem:$0x8100] =	vst v63  }
.Ltmp0:
0x4d: {  	_ =	swait.ge [sflag:s24], $0x4000;
	(pc) =	sbr.rel @p0 .LBB2_2-.Ltmp0, $4  }
0x4e: {  	[sflag:s24] =	ssyncset.done $0x0  }
0x4f: {  	s4 =	sadd.s32 s28, s18;
	[sflag:s24] =	ssyncadd.s32 $0xFFFFC000  }
0x50: {  	[tilespmem:s19], [sflag:$0x2] =	stream.linear.gather [hbm4b:s4+s3], $0x80, $0x38;
	[tilespmem:$0x8100] =	vst v63  }
0x51: {  	s31 =	sadd.s32 $0x1000, s31;
	s1 =	sadd.s32 $0x1000, s1  }
0x52: {  	[hbm4b:s15+s3] =	stream.linear.scatter [tilespmem:s21], [sflag:$0x4], $0x4000, $0x38;
	[tilespmem:$0x8100] =	vst v63  }
0x53: {  	_ =	swait.ge [sflag:s22], $0x80  }
0x54: {  	[sflag:s22] =	ssyncset.done $0x0  }
0x55: {  	[sflag:s22] =	ssyncadd.s32 $0xFFFFFF80  }
0x56: {  	_ =	swait.ge [sflag:s23], $0x4000  }
0x57: {  	[sflag:s23] =	ssyncset.done $0x0  }
0x58: {  	[sflag:s23] =	ssyncadd.s32 $0xFFFFC000  }
0x59: {  	[tilespmem:s20], [sflag:$0x5] =	stream.indirect.gather [hbm4b:s0+s19], $0x80, s3, s19, $0xb8;
	[tilespmem:$0x8100] =	vst v63  }
0x5a: {  	_ =	swait.ge [sflag:s24], $0x4000  }
0x5b: {  	[sflag:s24] =	ssyncset.done $0x0  }
0x5c: {  	[sflag:s24] =	ssyncadd.s32 $0xFFFFC000  }
0x5d: {  	[tilespmem:s3], [sflag:$0x1] =	stream.linear.gather [hbm4b:s12+s3], $0x80, $0x38;
	[tilespmem:$0x8100] =	vst v63  }
0x5e: {  	_ = 	snop  }
0x5f: {  	[hbm4b:s13+s3] =	stream.linear.scatter [tilespmem:s20], [sflag:$0x3], $0x4000, $0x38;
	[tilespmem:$0x8100] =	vst v63  }
0x60: {  	_ =	swait.ge [sflag:s25], $0x80  }
0x61: {  	[sflag:s25] =	ssyncset.done $0x0  }
0x62: {  	[sflag:s25] =	ssyncadd.s32 $0xFFFFFF80  }
0x63: {  	_ =	swait.ge [sflag:s26], $0x4000  }
0x64: {  	[sflag:s26] =	ssyncset.done $0x0  }
0x65: {  	[sflag:s26] =	ssyncadd.s32 $0xFFFFC000  }
0x66: {  	[tilespmem:s21], [sflag:$0x5] =	stream.indirect.gather [hbm4b:s0+s19], $0x80, s19, s19, $0xb8;
	[tilespmem:$0x8100] =	vst v63  }
0x67: {  	_ =	swait.ge [sflag:s24], $0x4000  }
0x68: {  	[sflag:s24] =	ssyncset.done $0x0  }
0x69: {  	[sflag:s24] =	ssyncadd.s32 $0xFFFFC000  }
0x6a: {  	[tilespmem:s19], [sflag:$0x2] =	stream.linear.gather [hbm4b:s12+s3], $0x80, $0x38;
	[tilespmem:$0x8100] =	vst v63  }
0x6b: {  	_ = 	snop  }
0x6c: {  	[hbm4b:s14+s3] =	stream.linear.scatter [tilespmem:s21], [sflag:$0x4], $0x4000, $0x38;
	[tilespmem:$0x8100] =	vst v63  }
0x6d: {  	_ =	swait.ge [sflag:s22], $0x80  }
0x6e: {  	[sflag:s22] =	ssyncset.done $0x0  }
0x6f: {  	[sflag:s22] =	ssyncadd.s32 $0xFFFFFF80  }
0x70: {  	_ =	swait.ge [sflag:s23], $0x4000  }
0x71: {  	[sflag:s23] =	ssyncset.done $0x0  }
0x72: {  	[sflag:s23] =	ssyncadd.s32 $0xFFFFC000  }
0x73: {  	[tilespmem:s20], [sflag:$0x5] =	stream.indirect.gather [hbm4b:s0+s19], $0x80, s3, s19, $0xb8;
	[tilespmem:$0x8100] =	vst v63  }
0x74: {  	_ =	swait.ge [sflag:s24], $0x4000  }
0x75: {  	[sflag:s24] =	ssyncset.done $0x0  }
0x76: {  	[sflag:s24] =	ssyncadd.s32 $0xFFFFC000  }
0x77: {  	[hbm4b:s8+s3] =	stream.linear.scatter [tilespmem:s20], [sflag:$0x5], $0x4000, $0x38;
	[tilespmem:$0x8100] =	vst v63  }
0x78: {  	_ =	swait.ge [sflag:s24], $0x4000  }
0x79: {  	[sflag:s24] =	ssyncset.done $0x0  }
0x7a: {  	[sflag:s24] =	ssyncadd.s32 $0xFFFFC000  }
0x7b: {  	_ =	swait.ge [sflag:s25], $0x80  }
0x7c: {  	[sflag:s25] =	ssyncset.done $0x0  }
0x7d: {  	[sflag:s25] =	ssyncadd.s32 $0xFFFFFF80  }
0x7e: {  	_ =	swait.ge [sflag:s26], $0x4000  }
0x7f: {  	[sflag:s26] =	ssyncset.done $0x0  }
0x80: {  	[sflag:s26] =	ssyncadd.s32 $0xFFFFC000  }
0x81: {  	[tilespmem:s3], [sflag:$0x5] =	stream.linear.gather [hbm4b:s9+s3], $0x8, $0x38;
	[tilespmem:$0x8100] =	vst v63  }
0x82: {  	_ =	swait.ge [sflag:s24], $0x8  }
0x83: {  	[sflag:s24] =	ssyncset.done $0x0  }
0x84: {  	s1 =	simm.s32 $0x8;
	[sflag:s24] =	ssyncadd.s32 $0xFFFFFFF8  }
0x85: {  	[tilespmem:s20], [sflag:$0x5] =	stream.indirect.gather [hbm4b:s0+s1], $0x80, s3, s1, $0xb8;
	[tilespmem:$0x8100] =	vst v63  }
0x86: {  	s29 =	sadd.s32 $0x1, s29;
	_ =	swait.ge [sflag:s24], $0x400  }
0x87: {  	p0 =	sne.s32 s29, s11;
	[sflag:s24] =	ssyncset.done $0x0  }
.Ltmp1:
0x88: {  	[sflag:s24] =	ssyncadd.s32 $0xFFFFFC00;
	(pc) =	sbr.rel @p0 .LBB2_1-.Ltmp1, $4  }
0x89: {  	[hbm4b:s10+s3] =	stream.linear.scatter [tilespmem:s20], [sflag:$0x5], $0x400, $0x38;
	[tilespmem:$0x8100] =	vst v63  }
0x8a: {  	_ =	swait.ge [sflag:s24], $0x400  }
0x8b: {  	[sflag:s24] =	ssyncset.done $0x0  }
0x8c: {  	[sflag:s24] =	ssyncadd.s32 $0xFFFFFC00  }
0x8d: {  	_ =	sfence.sel $0x180000  }
0x8e: {  	[bflag:$0x0] =	sbarrier.arrive $0xFFFF  }
0x8f: {  	_ =	strace $0x9000004A  }
0x90: {  	s0 =	stileid.u32;
	[bflag:$0x2] =	sbarrier.arrive $0xFFFF  }
0x91: {  	p0 =	sne.s32 s0, $0x0;
	s0 =	rddreg [dreg:$0x3]  }
0x92: {  	s0 =	sadd.s32 @!p0 $0x100000, s0  }
0x93: {  	[sflag:s0] =	ssyncadd.tile.s32 @!p0 $0x1;
	_ =	shalt  }
.Lfunc_end2:
_tile_overlayer_lowered:
.L_overlay_start_2:
0x94: {  	(tag) =	ssettag $0x2  }
0x95: {  	s0 =	rddreg [dreg:$0x0];
	s2 =	stileid.u32  }
0x96: {  	s1 =	rddreg [dreg:$0x1];
	p0 =	sne.s32 s2, $0x0  }
0x97: {  	s3 =	rddreg [dreg:$0x2];
	[bflag:$0x3] =	sbarrier.arrive $0xFFFF;
	s2 =	simm.s32 @!p0 $0x1C05  }
0x98: {  	[timem:s3], [sflag:s2] =	dma.local @!p0 [hbm:s0], s1  }
0x99: {  	s0 =	simm.s32 @!p0 $0x5  }
0x9a: {  	_ =	swait.ge @!p0 [sflag:s0], s1  }
0x9b: {  	s1 =	ssub.s32 @!p0 $0x0, s1;
	[sflag:s0] =	ssyncset.done @!p0 $0x0  }
0x9c: {  	[sflag:s0] =	ssyncadd.s32 @!p0 s1  }
0x9d: {  	[bflag:$0x3] =	sbarrier.arrive $0xFFFF  }
0x9e: {  	_ =	shalt  }

// kernel: kernel.18.cloned.1.call-start
scs
__scs_entry_jumppad:
0x0: {  	(pc) =	sbr.rel $0x88, $3  }
0x1: {  	(tag) =	ssettag $0x0;
	lr =	simm.s32 $0x1  }
0x2: {  	[smem:$0x3F98] =	sst lr;
	_ =	strace $0xD0000000  }
0x3: {  	_ = 	snop  }
0x4: {  	_ = 	snop  }
0x5: {  	_ = 	snop  }
0x6: {  	_ = 	snop  }
0x7: {  	_ = 	snop  }
__scs_overlays_trampoline_lowered:
0x8: {  	[smem:$0x3FA7] =	sst s0  }
0x9: {  	[smem:$0x3FA8] =	sst s1  }
0xa: {  	[smem:$0x3FA9] =	sst s2  }
0xb: {  	[smem:$0x3FAA] =	sst s3  }
0xc: {  	[smem:$0x3FAB] =	sst s4  }
0xd: {  	[smem:$0x3FAC] =	sst s5  }
0xe: {  	[smem:$0x3FAD] =	sst s6  }
0xf: {  	[smem:$0x3FAE] =	sst s7  }
0x10: {  	[smem:$0x3FAF] =	sst s8  }
0x11: {  	[smem:$0x3FB0] =	sst s9;
	s0 =	simm.s32 @!p0 $0x0  }
0x12: {  	s1 =	sld [smem:$0x3F96];
	s0 =	simm.s32 @p0 $0x1  }
0x13: {  	[smem:$0x3FB1] =	sst s0;
	s0 =	simm.s32 @!p1 $0x0  }
0x14: {  	s2 =	sld [smem:$0x3F95];
	s0 =	simm.s32 @p1 $0x1  }
0x15: {  	[smem:$0x3FB2] =	sst s0;
	s0 =	simm.s32 @!p2 $0x0  }
0x16: {  	s3 =	sld [smem:$0x3FDB];
	s0 =	simm.s32 @p2 $0x1  }
0x17: {  	s4 =	simm.s32 $0x1BF5;
	[smem:$0x3FB4] =	sst s0  }
0x18: {  	s0 =	sld [smem:$0x3F97];
	_ =	swait.ge [sflag:s4], $0x0  }
0x19: {  	s7 =	sld [smem:$0x3F98]  }
0x1a: {  	s8 =	sadd.s32 $0xFFFFE003, lr  }
0x1b: {  	s9 =	sadd.s32 $0xFFFFFEF7, lr;
	s5 =	simm.s32 $0xFFFFFFFF;
	p2 =	slt.u32 s8, $0xFFFFF086  }
0x1c: {  	p1 =	slt.u32 s9, $0xF7A;
	s5 =	simm.s32 @!p2 $0x0  }
0x1d: {  	s5 =	simm.s32 @p1 $0x1;
	p0 =	seq.s32 s7, s2  }
0x1e: {  	s7 =	smul.u32 @!p0 $0xF7A, s2;
	p2 =	seq.s32 @!p0 s5, $0x0  }
0x1f: {  	s9 =	smul.u32 $0xF7A, s1;
	s8 =	simm.s32 @!p0 $0x1BF5;
	p2 =	por !p2, p0  }
0x20: {  	[sflag:s8] =	ssyncset.s32 @!p0 $0xFFFFF086;
	s6 =	sadd.s32 @!p0 s3, s7;
	s7 =	simm.s32 @!p0 $0x108  }
0x21: {  	s3 =	sadd.s32 s3, s9;
	s6 =	sadd.s32 @!p0 $0x88, s6;
	s7 =	simm.s32 @p2 $0x1082  }
0x22: {  	[simem:s7], [sflag:s8] =	dma.local @!p0 [hbm:s6], $0xF7A  }
0x23: {  	s9 =	sor.u32 $0xD0000000, s2;
	s6 =	simm.s32 $0x108;
	_ =	swait.ge @!p0 [sflag:s8], $0x0  }
0x24: {  	s3 =	sadd.s32 $0x88, s3;
	s6 =	simm.s32 @!p1 $0x1082;
	[sflag:s4] =	ssyncset.s32 $0xFFFFF086  }
0x25: {  	[simem:s6], [sflag:s4] =	dma.local [hbm:s3], $0xF7A  }
0x26: {  	[smem:$0x3F98] =	sst s1;
	(tag) =	ssettag s2;
	_ =	strace s9  }
0x27: {  	s1 =	sld [smem:$0x3FA8]  }
0x28: {  	s2 =	sld [smem:$0x3FA9]  }
0x29: {  	s4 =	sld [smem:$0x3FAB]  }
0x2a: {  	p0 =	seq.s32 s5, $0x0;
	s5 =	sld [smem:$0x3FAC]  }
0x2b: {  	s6 =	sld [smem:$0x3FAD]  }
0x2c: {  	s7 =	sld [smem:$0x3FAE]  }
0x2d: {  	s3 =	simm.s32 $0x108;
	s8 =	sld [smem:$0x3FAF]  }
0x2e: {  	s3 =	simm.s32 @!p0 $0x1082;
	s9 =	sld [smem:$0x3FB0]  }
0x2f: {  	lr =	sadd.s32 s0, s3;
	s0 =	sld [smem:$0x3FA7]  }
0x30: {  	s3 =	sld [smem:$0x3FAA]  }
0x31: {  	[smem:$0x3FB3] =	sst s10  }
0x32: {  	s10 =	sld [smem:$0x3FB1];
	_ =	sdelay $0x3  }
0x33: {  	p0 =	seq.s32 s10, $0x1;
	s10 =	sld [smem:$0x3FB3];
	_ =	sdelay $0x3  }
0x34: {  	[smem:$0x3FB3] =	sst s10  }
0x35: {  	s10 =	sld [smem:$0x3FB2];
	_ =	sdelay $0x3  }
0x36: {  	p1 =	seq.s32 s10, $0x1;
	s10 =	sld [smem:$0x3FB3];
	_ =	sdelay $0x3  }
0x37: {  	[smem:$0x3FB3] =	sst s10  }
0x38: {  	s10 =	sld [smem:$0x3FB4]  }
0x39: {  	_ = 	snop;
	(pc) =	sbr.ind lr, $3  }
0x3a: {  	_ = 	snop  }
0x3b: {  	_ = 	snop  }
0x3c: {  	p2 =	seq.s32 s10, $0x1;
	s10 =	sld [smem:$0x3FB3]  }
0x3d: {  	_ =	shalt  }
0x3e: {  	_ =	shalt  }
0x3f: {  	_ =	shalt  }
0x40: {  	_ =	shalt  }
0x41: {  	_ =	shalt  }
0x42: {  	_ =	shalt  }
0x43: {  	_ =	shalt  }
0x44: {  	_ =	shalt  }
0x45: {  	_ =	shalt  }
0x46: {  	_ =	shalt  }
0x47: {  	_ =	shalt  }
0x48: {  	_ =	shalt  }
0x49: {  	_ =	shalt  }
0x4a: {  	_ =	shalt  }
0x4b: {  	_ =	shalt  }
0x4c: {  	_ =	shalt  }
0x4d: {  	_ =	shalt  }
0x4e: {  	_ =	shalt  }
0x4f: {  	_ =	shalt  }
0x50: {  	_ =	shalt  }
0x51: {  	_ =	shalt  }
0x52: {  	_ =	shalt  }
0x53: {  	_ =	shalt  }
0x54: {  	_ =	shalt  }
0x55: {  	_ =	shalt  }
0x56: {  	_ =	shalt  }
0x57: {  	_ =	shalt  }
0x58: {  	_ =	shalt  }
0x59: {  	_ =	shalt  }
0x5a: {  	_ =	shalt  }
0x5b: {  	_ =	shalt  }
0x5c: {  	_ =	shalt  }
0x5d: {  	_ =	shalt  }
0x5e: {  	_ =	shalt  }
0x5f: {  	_ =	shalt  }
0x60: {  	_ =	shalt  }
0x61: {  	_ =	shalt  }
0x62: {  	_ =	shalt  }
0x63: {  	_ =	shalt  }
0x64: {  	_ =	shalt  }
0x65: {  	_ =	shalt  }
0x66: {  	_ =	shalt  }
0x67: {  	_ =	shalt  }
0x68: {  	_ =	shalt  }
0x69: {  	_ =	shalt  }
0x6a: {  	_ =	shalt  }
0x6b: {  	_ =	shalt  }
0x6c: {  	_ =	shalt  }
0x6d: {  	_ =	shalt  }
0x6e: {  	_ =	shalt  }
0x6f: {  	_ =	shalt  }
0x70: {  	_ =	shalt  }
0x71: {  	_ =	shalt  }
0x72: {  	_ =	shalt  }
0x73: {  	_ =	shalt  }
0x74: {  	_ =	shalt  }
0x75: {  	_ =	shalt  }
0x76: {  	_ =	shalt  }
0x77: {  	_ =	shalt  }
0x78: {  	_ =	shalt  }
0x79: {  	_ =	shalt  }
0x7a: {  	_ =	shalt  }
0x7b: {  	_ =	shalt  }
0x7c: {  	_ =	shalt  }
0x7d: {  	_ =	shalt  }
0x7e: {  	_ =	shalt  }
0x7f: {  	_ =	shalt  }
0x80: {  	_ =	shalt  }
0x81: {  	_ =	shalt  }
0x82: {  	_ =	shalt  }
0x83: {  	_ =	shalt  }
0x84: {  	_ =	shalt  }
0x85: {  	_ =	shalt  }
0x86: {  	_ =	shalt  }
0x87: {  	_ =	shalt  }
.Lfunc_end0:
.L_simem_size_0:
called_computation.2_lowered:
.L_overlay_start_0:
0x88: {  	s2 =	sld [smem:$0x3FD9]  }
0x89: {  	s3 =	sld [smem:$0x3FFE];
	_ =	sdelay $0x1  }
0x8a: {  	s1 =	srdreg.scid  }
0x8b: {  	s0 =	sand.u32 $0x1, s1  }
0x8c: {  	s17 =	sshll.u32 s0, $0xA;
	s2 =	sadd.s32 s3, s2  }
0x8d: {  	s2 =	sadd.s32 s2, s17  }
0x8e: {  	[smem:$0x3FBF] =	sst s2  }
0x8f: {  	_ = 	snop  }
0x90: {  	s2 =	sld [smem:$0x3FC7]  }
0x91: {  	s18 =	sld [smem:$0x3FD0];
	(tm) =	ssettm $0x1  }
0x92: {  	s4 =	sld [smem:$0x3FFB];
	_ =	sdelay $0x3  }
0x93: {  	_ =	strace s4  }
0x94: {  	s4 =	sld [smem:$0x3FFC];
	_ =	sdelay $0x3  }
0x95: {  	_ =	strace s4  }
0x96: {  	s4 =	sld [smem:$0x3FFD];
	_ =	sdelay $0x3  }
0x97: {  	_ =	strace s4  }
0x98: {  	_ =	strace $0x8FFFFFFF  }
0x99: {  	s19 =	sld [smem:$0x3FDB];
	_ =	sdelay $0x1  }
0x9a: {  	s5 =	simm.s32 $_scs_section_size  }
0x9b: {  	s6 =	simm.s32 $_size__tile_overlayer_lowered;
	s7 =	simm.s32 $_tile_overlayer_lowered  }
0x9c: {  	s22 =	simm.s32 $0x1BFF;
	s21 =	sshll.u32 s7, $0x1;
	s4 =	sadd.s32 s5, s19  }
0x9d: {  	s8 =	simm.s32 $0x0;
	s20 =	sshll.u32 s6, $0x1;
	s6 =	sadd.s32 s21, s4  }
0x9e: {  	[timem:s8], [sflag:s22] =	dma.local [hbm:s6], s20  }
0x9f: {  	_ =	swait.ge [sflag:s22], s20  }
0xa0: {  	s5 =	ssub.s32 $0x0, s20;
	[sflag:s22] =	ssyncset.done $0x0  }
0xa1: {  	[sflag:s22] =	ssyncadd.s32 s5;
	_ =	sdelay $0x1  }
0xa2: {  	s23 =	simm.s32 $0x1B8B  }
0xa3: {  	_ =	swait.ge [sflag:s23], $0x1  }
0xa4: {  	[sflag:s23] =	ssyncset.done $0x0  }
0xa5: {  	s25 =	simm.s32 $0x1B8E;
	s24 =	sld [smem:$0x3FFE];
	[sflag:s23] =	ssyncadd.s32 $0xFFFFFFFF  }
0xa6: {  	s26 =	simm.s32 $execute0_lowered;
	[smem:$0x3FD2] =	sst s25  }
0xa7: {  	s6 =	sshll.u32 s26, $0x1;
	_ =	strace $0x8000004C;
	[dreg:$0x1] =	wrdreg $0xFFFFFFFF  }
0xa8: {  	s28 =	simm.s32 $_size_execute0_lowered;
	s4 =	sadd.s32 s4, s6;
	[dreg:$0x0] =	wrdreg $0x0  }
0xa9: {  	s6 =	sshll.u32 s28, $0x1;
	[dreg:$0x2] =	wrdreg s4  }
0xaa: {  	[dreg:$0x3] =	wrdreg s6  }
0xab: {  	[dreg:$0x4] =	wrdreg $0xC0  }
0xac: {  	_ =	task [dreg:s8], $0x5FFFF  }
0xad: {  	[dreg:$0x1] =	wrdreg $0xFFFFFFFF  }
0xae: {  	[dreg:$0x0] =	wrdreg $0x60  }
0xaf: {  	[dreg:$0x2] =	wrdreg s24  }
0xb0: {  	[dreg:$0x3] =	wrdreg s2  }
0xb1: {  	[dreg:$0x4] =	wrdreg s18  }
0xb2: {  	[dreg:$0x5] =	wrdreg $0x81800  }
0xb3: {  	[dreg:$0x6] =	wrdreg $0x9  }
0xb4: {  	_ =	task.clear_ibuf [dreg:s8], $0x7FFFF;
	_ =	strace $0x9000004C  }
0xb5: {  	s29 =	simm.s32 $0x9;
	_ =	strace $0x8000004E  }
0xb6: {  	_ =	swait.ge [sflag:s29], $0x1  }
0xb7: {  	[sflag:s29] =	ssyncadd.s32 $0xFFFFFFFF  }
0xb8: {  	_ =	strace $0x9000004E  }
0xb9: {  	_ =	sfence  }
0xba: {  	s30 =	sld [smem:$0x0];
	_ =	sdelay $0x2  }
0xbb: {  	s31 =	sshll.u32 s1, $0xD;
	s1 =	sshrl.u32 s1, $0x2  }
0xbc: {  	s3 =	sand.u32 $0x4000, s31;
	s1 =	sadd.s32 s1, s30  }
0xbd: {  	s0 =	sor.u32 s3, s0;
	s1 =	sshll.u32 s1, $0x11  }
0xbe: {  	s0 =	sor.u32 s1, s0  }
0xbf: {  	s0 =	sadd.s32 $0x8F2B, s0  }
0xc0: {  	[sflag:s0] =	ssyncadd.remote.s32 $0x1  }
0xc1: {  	_ =	sfence.sel $0xFFFF  }
0xc2: {  	[dreg:$0x0] =	wrdreg $0xFFFFFFFF;
	(pc) =	sbr.abs _section_cstart, $3  }
0xc3: {  	[dreg:$0x1] =	wrdreg $0xFFFFFFFF  }
0xc4: {  	_ =	task.clear_ibuf [dreg:s8], $0x2FFFF;
	_ =	strace $0x9FFFFFFF  }
0xc5: {  	(tm) =	ssettm $0x7FFFFFFF  }
tec
execute0_lowered:
.L_overlay_start_1:
0x0: {  	(tag) =	ssettag $0x1  }
0x1: {  	s0 =	rddreg [dreg:$0x0]  }
0x2: {  	s1 =	rddreg [dreg:$0x1]  }
0x3: {  	s3 =	rddreg [dreg:$0x3]  }
0x4: {  	s4 =	srdreg.scid;
	s16 =	stileid.u32  }
0x5: {  	s20 =	simm.s32 $0x80;
	s28 =	simm.s32 $0x0;
	s19 =	smul.u32 $0x1388, s16  }
0x6: {  	s11 =	sand.u32 $0x1, s4;
	s4 =	simm.s32 $0x0;
	s29 =	smul.u32 $0x13880, s16  }
0x7: {  	s14 =	sadd.s32 $0x274000, s0;
	p0 =	sne.s32 s16, $0x0;
	s6 =	smul.u32 $0x27100, s11  }
0x8: {  	s5 =	sshll.u32 s11, $0x4;
	[smem:$0x7FF] =	sst s4;
	s15 =	smul.u32 $0x138800, s11  }
0x9: {  	s7 =	ssub.s32 $0x2, s11;
	s18 =	smul.u32 $0x13880, s11;
	s5 =	sor.u32 s16, s5  }
0xa: {  	_ =	strace $0x8000004D;
	s8 =	sshrl.u32 s7, $0x1;
	s12 =	smul.u32 $0x1388, s5  }
0xb: {  	s9 =	smul.u32 $0x13880, s5;
	s0 =	sadd.s32 s6, s0;
	s13 =	ssub.s32 s7, s8  }
0xc: {  	s15 =	sadd.s32 s15, s14;
	s18 =	sadd.s32 s19, s18;
	s19 =	simm.s32 $0x100  }
0xd: {  	s11 =	sadd.s32 $0x4E5000, s0;
	s0 =	sadd.s32 s29, s15;
	s30 =	sadd.s32 $0x180, s18  }
0xe: {  	s16 =	sadd.s32 $0x100, s18;
	s18 =	sshrl.u32 @!p0 s3, $0x3;
	s21 =	sshrl.u32 s12, $0x3  }
0xf: {  	s22 =	sadd.s32 $0x80, s12;
	s6 =	sadd.s32 s14, s9;
	s10 =	sadd.s32 $0x1380, s12  }
0x10: {  	s17 =	sadd.s32 $0x1300, s12;
	s12 =	smax.u32 s13, $0x1;
	s15 =	sadd.s32 $0x1000, s0  }
0x11: {  	s31 =	sshrl.u32 s30, $0x3;
	s5 =	sadd.s32 s1, s21;
	s23 =	sshrl.u32 s22, $0x3  }
0x12: {  	s24 =	sshll.u32 s22, $0x4;
	s25 =	sshrl.u32 s10, $0x3;
	s10 =	sshll.u32 s10, $0x4  }
0x13: {  	s26 =	sshrl.u32 s17, $0x3;
	s17 =	sshll.u32 s17, $0x4;
	s21 =	simm.s32 $0x4100  }
0x14: {  	s22 =	simm.s32 $0x1;
	s7 =	sadd.s32 s1, s23;
	s8 =	sadd.s32 s14, s24  }
0x15: {  	s9 =	sadd.s32 s1, s25;
	s10 =	sadd.s32 s14, s10;
	s13 =	sadd.s32 s1, s26  }
0x16: {  	s14 =	sadd.s32 s14, s17;
	s17 =	sadd.s32 s31, s1;
	s23 =	simm.s32 $0x3  }
0x17: {  	s24 =	simm.s32 $0x2;
	s25 =	simm.s32 $0x8100;
	s26 =	simm.s32 $0x8  }
.LBB2_1:
0x18: {  	s0 =	simm.s32 @!p0 $0x1C03;
	s2 =	rddreg [dreg:$0x2]  }
0x19: {  	[spmem:s18], [sflag:s0] =	dma.local @!p0 [hbm:s2], $0x27100  }
0x1a: {  	s0 =	simm.s32 @!p0 $0x3  }
0x1b: {  	_ =	swait.ge @!p0 [sflag:s0], $0x27100  }
0x1c: {  	[sflag:s0] =	ssyncset.done @!p0 $0x0  }
0x1d: {  	[sflag:s0] =	ssyncadd.s32 @!p0 $0xFFFD8F00  }
0x1e: {  	[bflag:$0x0] =	sbarrier.arrive $0xFFFF  }
0x1f: {  	[tilespmem:s4], [sflag:$0x1] =	stream.linear.gather [hbm4b:s5+s4], $0x80, $0x38;
	[tilespmem:$0x1BA00] =	vst v63  }
0x20: {  	_ = 	snop  }
0x21: {  	[tilespmem:s19], [sflag:$0x1] =	stream.linear.gather [hbm4b:s6+s4], $0x4000, $0x38;
	[tilespmem:$0x1BA00] =	vst v63  }
0x22: {  	_ = 	snop  }
0x23: {  	[tilespmem:s20], [sflag:$0x2] =	stream.linear.gather [hbm4b:s7+s4], $0x80, $0x38;
	[tilespmem:$0x1BA00] =	vst v63  }
0x24: {  	_ = 	snop  }
0x25: {  	[tilespmem:s21], [sflag:$0x2] =	stream.linear.gather [hbm4b:s8+s4], $0x4000, $0x38;
	[tilespmem:$0x1BA00] =	vst v63  }
0x26: {  	_ =	swait.ge [sflag:s22], $0x80  }
0x27: {  	[sflag:s22] =	ssyncset.done $0x0  }
0x28: {  	[sflag:s22] =	ssyncadd.s32 $0xFFFFFF80  }
0x29: {  	_ =	swait.ge [sflag:s22], $0x4000  }
0x2a: {  	[sflag:s22] =	ssyncset.done $0x0  }
0x2b: {  	[sflag:s22] =	ssyncadd.s32 $0xFFFFC000  }
0x2c: {  	[spmem:s3] =	stream.indirect.scatter.add.f32 [tilespmem:s19], [sflag:$0x3], $0x80, s4, s20, $0xb8;
	[tilespmem:$0x1BA00] =	vst v63  }
0x2d: {  	_ =	swait.ge [sflag:s23], $0x4000  }
0x2e: {  	s2 =	sshrl.u32 s16, $0x3;
	[sflag:s23] =	ssyncset.done $0x0  }
0x2f: {  	s0 =	sadd.s32 s1, s2;
	[sflag:s23] =	ssyncadd.s32 $0xFFFFC000  }
0x30: {  	[tilespmem:s4], [sflag:$0x1] =	stream.linear.gather [hbm4b:s0+s4], $0x80, $0x38;
	[tilespmem:$0x1BA00] =	vst v63  }
0x31: {  	_ = 	snop  }
0x32: {  	[tilespmem:s19], [sflag:$0x1] =	stream.linear.gather [hbm4b:s15+s4], $0x4000, $0x38;
	[tilespmem:$0x1BA00] =	vst v63  }
0x33: {  	_ =	swait.ge [sflag:s24], $0x80  }
0x34: {  	[sflag:s24] =	ssyncset.done $0x0  }
0x35: {  	[sflag:s24] =	ssyncadd.s32 $0xFFFFFF80  }
0x36: {  	_ =	swait.ge [sflag:s24], $0x4000  }
0x37: {  	[sflag:s24] =	ssyncset.done $0x0  }
0x38: {  	[sflag:s24] =	ssyncadd.s32 $0xFFFFC000  }
0x39: {  	[spmem:s3] =	stream.indirect.scatter.add.f32 [tilespmem:s21], [sflag:$0x3], $0x80, s20, s20, $0xb8;
	[tilespmem:$0x1BA00] =	vst v63  }
0x3a: {  	s29 =	simm.s32 $0x20;
	_ =	swait.ge [sflag:s23], $0x4000  }
0x3b: {  	s30 =	sadd.s32 $0x1000, s15;
	s31 =	sadd.s32 $0x100, s16;
	[sflag:s23] =	ssyncset.done $0x0  }
0x3c: {  	s2 =	sadd.s32 $0x0, s17;
	s0 =	sadd.s32 $0x800, s15;
	[sflag:s23] =	ssyncadd.s32 $0xFFFFC000  }
0x3d: {  	[tilespmem:s20], [sflag:$0x2] =	stream.linear.gather [hbm4b:s2+s4], $0x80, $0x38;
	[tilespmem:$0x1BA00] =	vst v63  }
.LBB2_2:
0x3e: {  	[tilespmem:s21], [sflag:$0x2] =	stream.linear.gather [hbm4b:s0+s4], $0x4000, $0x38;
	[tilespmem:$0x1BA00] =	vst v63  }
0x3f: {  	s0 =	smov.u32 s29  }
0x40: {  	p1 =	sne.s32 s29, $0x220;
	s29 =	sadd.s32 $0x20, s29;
	_ =	swait.ge [sflag:s22], $0x80  }
0x41: {  	[sflag:s22] =	ssyncset.done $0x0  }
0x42: {  	[sflag:s22] =	ssyncadd.s32 $0xFFFFFF80  }
0x43: {  	_ =	swait.ge [sflag:s22], $0x4000  }
0x44: {  	[sflag:s22] =	ssyncset.done $0x0  }
0x45: {  	[sflag:s22] =	ssyncadd.s32 $0xFFFFC000  }
0x46: {  	[spmem:s3] =	stream.indirect.scatter.add.f32 [tilespmem:s19], [sflag:$0x3], $0x80, s4, s20, $0xb8;
	[tilespmem:$0x1BA00] =	vst v63  }
0x47: {  	_ =	swait.ge [sflag:s23], $0x4000  }
0x48: {  	s2 =	sshrl.u32 s31, $0x3;
	[sflag:s23] =	ssyncset.done $0x0  }
0x49: {  	s2 =	sadd.s32 s1, s2;
	[sflag:s23] =	ssyncadd.s32 $0xFFFFC000  }
0x4a: {  	[tilespmem:s4], [sflag:$0x1] =	stream.linear.gather [hbm4b:s2+s4], $0x80, $0x38;
	[tilespmem:$0x1BA00] =	vst v63  }
0x4b: {  	_ = 	snop  }
0x4c: {  	[tilespmem:s19], [sflag:$0x1] =	stream.linear.gather [hbm4b:s30+s4], $0x4000, $0x38;
	[tilespmem:$0x1BA00] =	vst v63  }
0x4d: {  	_ =	swait.ge [sflag:s24], $0x80  }
0x4e: {  	[sflag:s24] =	ssyncset.done $0x0  }
0x4f: {  	[sflag:s24] =	ssyncadd.s32 $0xFFFFFF80  }
0x50: {  	_ =	swait.ge [sflag:s24], $0x4000  }
0x51: {  	[sflag:s24] =	ssyncset.done $0x0  }
0x52: {  	[sflag:s24] =	ssyncadd.s32 $0xFFFFC000  }
0x53: {  	[spmem:s3] =	stream.indirect.scatter.add.f32 [tilespmem:s21], [sflag:$0x3], $0x80, s20, s20, $0xb8;
	[tilespmem:$0x1BA00] =	vst v63  }
.Ltmp0:
0x54: {  	_ =	swait.ge [sflag:s23], $0x4000;
	(pc) =	sbr.rel @p1 .LBB2_2-.Ltmp0, $4  }
0x55: {  	[sflag:s23] =	ssyncset.done $0x0  }
0x56: {  	s0 =	sadd.s32 s0, s17;
	[sflag:s23] =	ssyncadd.s32 $0xFFFFC000  }
0x57: {  	[tilespmem:s20], [sflag:$0x2] =	stream.linear.gather [hbm4b:s0+s4], $0x80, $0x38;
	[tilespmem:$0x1BA00] =	vst v63  }
0x58: {  	s31 =	sadd.s32 $0x100, s31;
	s0 =	sadd.s32 $0x800, s30;
	s30 =	sadd.s32 $0x1000, s30  }
0x59: {  	[tilespmem:s21], [sflag:$0x2] =	stream.linear.gather [hbm4b:s0+s4], $0x4000, $0x38;
	[tilespmem:$0x1BA00] =	vst v63  }
0x5a: {  	_ =	swait.ge [sflag:s22], $0x80  }
0x5b: {  	[sflag:s22] =	ssyncset.done $0x0  }
0x5c: {  	[sflag:s22] =	ssyncadd.s32 $0xFFFFFF80  }
0x5d: {  	_ =	swait.ge [sflag:s22], $0x4000  }
0x5e: {  	[sflag:s22] =	ssyncset.done $0x0  }
0x5f: {  	[sflag:s22] =	ssyncadd.s32 $0xFFFFC000  }
0x60: {  	[spmem:s3] =	stream.indirect.scatter.add.f32 [tilespmem:s19], [sflag:$0x3], $0x80, s4, s20, $0xb8;
	[tilespmem:$0x1BA00] =	vst v63  }
0x61: {  	_ =	swait.ge [sflag:s23], $0x4000  }
0x62: {  	[sflag:s23] =	ssyncset.done $0x0  }
0x63: {  	[sflag:s23] =	ssyncadd.s32 $0xFFFFC000  }
0x64: {  	[tilespmem:s4], [sflag:$0x1] =	stream.linear.gather [hbm4b:s13+s4], $0x80, $0x38;
	[tilespmem:$0x1BA00] =	vst v63  }
0x65: {  	_ = 	snop  }
0x66: {  	[tilespmem:s19], [sflag:$0x1] =	stream.linear.gather [hbm4b:s14+s4], $0x4000, $0x38;
	[tilespmem:$0x1BA00] =	vst v63  }
0x67: {  	_ =	swait.ge [sflag:s24], $0x80  }
0x68: {  	[sflag:s24] =	ssyncset.done $0x0  }
0x69: {  	[sflag:s24] =	ssyncadd.s32 $0xFFFFFF80  }
0x6a: {  	_ =	swait.ge [sflag:s24], $0x4000  }
0x6b: {  	[sflag:s24] =	ssyncset.done $0x0  }
0x6c: {  	[sflag:s24] =	ssyncadd.s32 $0xFFFFC000  }
0x6d: {  	[spmem:s3] =	stream.indirect.scatter.add.f32 [tilespmem:s21], [sflag:$0x3], $0x80, s20, s20, $0xb8;
	[tilespmem:$0x1BA00] =	vst v63  }
0x6e: {  	_ =	swait.ge [sflag:s23], $0x4000  }
0x6f: {  	[sflag:s23] =	ssyncset.done $0x0  }
0x70: {  	[sflag:s23] =	ssyncadd.s32 $0xFFFFC000  }
0x71: {  	[tilespmem:s20], [sflag:$0x2] =	stream.linear.gather [hbm4b:s13+s4], $0x80, $0x38;
	[tilespmem:$0x1BA00] =	vst v63  }
0x72: {  	_ = 	snop  }
0x73: {  	[tilespmem:s21], [sflag:$0x2] =	stream.linear.gather [hbm4b:s14+s4], $0x4000, $0x38;
	[tilespmem:$0x1BA00] =	vst v63  }
0x74: {  	_ =	swait.ge [sflag:s22], $0x80  }
0x75: {  	[sflag:s22] =	ssyncset.done $0x0  }
0x76: {  	[sflag:s22] =	ssyncadd.s32 $0xFFFFFF80  }
0x77: {  	_ =	swait.ge [sflag:s22], $0x4000  }
0x78: {  	[sflag:s22] =	ssyncset.done $0x0  }
0x79: {  	[sflag:s22] =	ssyncadd.s32 $0xFFFFC000  }
0x7a: {  	[spmem:s3] =	stream.indirect.scatter.add.f32 [tilespmem:s19], [sflag:$0x3], $0x80, s4, s20, $0xb8;
	[tilespmem:$0x1BA00] =	vst v63  }
0x7b: {  	_ =	swait.ge [sflag:s23], $0x4000  }
0x7c: {  	[sflag:s23] =	ssyncset.done $0x0  }
0x7d: {  	[sflag:s23] =	ssyncadd.s32 $0xFFFFC000  }
0x7e: {  	_ =	swait.ge [sflag:s24], $0x80  }
0x7f: {  	[sflag:s24] =	ssyncset.done $0x0  }
0x80: {  	[sflag:s24] =	ssyncadd.s32 $0xFFFFFF80  }
0x81: {  	_ =	swait.ge [sflag:s24], $0x4000  }
0x82: {  	[sflag:s24] =	ssyncset.done $0x0  }
0x83: {  	[sflag:s24] =	ssyncadd.s32 $0xFFFFC000  }
0x84: {  	[tilespmem:s25], [sflag:$0x3] =	stream.linear.gather [hbm4b:s9+s4], $0x8, $0x38;
	[tilespmem:$0x1BA00] =	vst v63  }
0x85: {  	_ =	swait.ge [sflag:s23], $0x8  }
0x86: {  	[sflag:s23] =	ssyncset.done $0x0  }
0x87: {  	[sflag:s23] =	ssyncadd.s32 $0xFFFFFFF8  }
0x88: {  	[tilespmem:s19], [sflag:$0x3] =	stream.linear.gather [hbm4b:s10+s4], $0x400, $0x38;
	[tilespmem:$0x1BA00] =	vst v63  }
0x89: {  	_ =	swait.ge [sflag:s23], $0x400  }
0x8a: {  	[sflag:s23] =	ssyncset.done $0x0  }
0x8b: {  	[sflag:s23] =	ssyncadd.s32 $0xFFFFFC00  }
0x8c: {  	[spmem:s3] =	stream.indirect.scatter.add.f32 [tilespmem:s19], [sflag:$0x3], $0x80, s25, s26, $0xb8;
	[tilespmem:$0x1BA00] =	vst v63  }
0x8d: {  	_ =	swait.ge [sflag:s23], $0x400  }
0x8e: {  	[sflag:s23] =	ssyncset.done $0x0  }
0x8f: {  	s28 =	sadd.s32 $0x1, s28;
	[sflag:s23] =	ssyncadd.s32 $0xFFFFFC00  }
0x90: {  	s0 =	simm.s32 @!p0 $0x1C03;
	p1 =	sne.s32 s28, s12;
	[bflag:$0x0] =	sbarrier.arrive $0xFFFF  }
0x91: {  	[hbm:s11], [sflag:s0] =	dma.local @!p0 [spmem:s18], $0x27100  }
.Ltmp1:
0x92: {  	_ = 	snop;
	(pc) =	sbr.rel @p1 .LBB2_1-.Ltmp1, $4  }
0x93: {  	s0 =	simm.s32 @!p0 $0x3  }
0x94: {  	_ =	swait.ge @!p0 [sflag:s0], $0x27100  }
0x95: {  	[sflag:s0] =	ssyncset.done @!p0 $0x0  }
0x96: {  	[sflag:s0] =	ssyncadd.s32 @!p0 $0xFFFD8F00  }
0x97: {  	_ =	sfence.sel $0x180000  }
0x98: {  	[bflag:$0x0] =	sbarrier.arrive $0xFFFF  }
0x99: {  	_ =	strace $0x9000004D  }
0x9a: {  	[bflag:$0x2] =	sbarrier.arrive $0xFFFF  }
0x9b: {  	s0 =	rddreg [dreg:$0x4]  }
0x9c: {  	s0 =	sadd.s32 @!p0 $0x100000, s0  }
0x9d: {  	[sflag:s0] =	ssyncadd.tile.s32 @!p0 $0x1;
	_ =	shalt  }
.Lfunc_end2:
_tile_overlayer_lowered:
.L_overlay_start_2:
0x9e: {  	(tag) =	ssettag $0x2  }
0x9f: {  	s0 =	rddreg [dreg:$0x0];
	s2 =	stileid.u32  }
0xa0: {  	s1 =	rddreg [dreg:$0x1];
	p0 =	sne.s32 s2, $0x0  }
0xa1: {  	s3 =	rddreg [dreg:$0x2];
	[bflag:$0x3] =	sbarrier.arrive $0xFFFF;
	s2 =	simm.s32 @!p0 $0x1C03  }
0xa2: {  	[timem:s3], [sflag:s2] =	dma.local @!p0 [hbm:s0], s1  }
0xa3: {  	s0 =	simm.s32 @!p0 $0x3  }
0xa4: {  	_ =	swait.ge @!p0 [sflag:s0], s1  }
0xa5: {  	s1 =	ssub.s32 @!p0 $0x0, s1;
	[sflag:s0] =	ssyncset.done @!p0 $0x0  }
0xa6: {  	[sflag:s0] =	ssyncadd.s32 @!p0 s1  }
0xa7: {  	[bflag:$0x3] =	sbarrier.arrive $0xFFFF  }
0xa8: {  	_ =	shalt  }

// kernel: kernel.21.cloned.1.call-start
scs
__scs_entry_jumppad:
0x0: {  	(pc) =	sbr.rel $0x88, $3  }
0x1: {  	(tag) =	ssettag $0x0;
	lr =	simm.s32 $0x1  }
0x2: {  	[smem:$0x3F98] =	sst lr;
	_ =	strace $0xD0000000  }
0x3: {  	_ = 	snop  }
0x4: {  	_ = 	snop  }
0x5: {  	_ = 	snop  }
0x6: {  	_ = 	snop  }
0x7: {  	_ = 	snop  }
__scs_overlays_trampoline_lowered:
0x8: {  	[smem:$0x3FA7] =	sst s0  }
0x9: {  	[smem:$0x3FA8] =	sst s1  }
0xa: {  	[smem:$0x3FA9] =	sst s2  }
0xb: {  	[smem:$0x3FAA] =	sst s3  }
0xc: {  	[smem:$0x3FAB] =	sst s4  }
0xd: {  	[smem:$0x3FAC] =	sst s5  }
0xe: {  	[smem:$0x3FAD] =	sst s6  }
0xf: {  	[smem:$0x3FAE] =	sst s7  }
0x10: {  	[smem:$0x3FAF] =	sst s8  }
0x11: {  	[smem:$0x3FB0] =	sst s9;
	s0 =	simm.s32 @!p0 $0x0  }
0x12: {  	s1 =	sld [smem:$0x3F96];
	s0 =	simm.s32 @p0 $0x1  }
0x13: {  	[smem:$0x3FB1] =	sst s0;
	s0 =	simm.s32 @!p1 $0x0  }
0x14: {  	s2 =	sld [smem:$0x3F95];
	s0 =	simm.s32 @p1 $0x1  }
0x15: {  	[smem:$0x3FB2] =	sst s0;
	s0 =	simm.s32 @!p2 $0x0  }
0x16: {  	s3 =	sld [smem:$0x3FDB];
	s0 =	simm.s32 @p2 $0x1  }
0x17: {  	s4 =	simm.s32 $0x1BF5;
	[smem:$0x3FB4] =	sst s0  }
0x18: {  	s0 =	sld [smem:$0x3F97];
	_ =	swait.ge [sflag:s4], $0x0  }
0x19: {  	s7 =	sld [smem:$0x3F98]  }
0x1a: {  	s8 =	sadd.s32 $0xFFFFE003, lr  }
0x1b: {  	s9 =	sadd.s32 $0xFFFFFEF7, lr;
	s5 =	simm.s32 $0xFFFFFFFF;
	p2 =	slt.u32 s8, $0xFFFFF086  }
0x1c: {  	p1 =	slt.u32 s9, $0xF7A;
	s5 =	simm.s32 @!p2 $0x0  }
0x1d: {  	s5 =	simm.s32 @p1 $0x1;
	p0 =	seq.s32 s7, s2  }
0x1e: {  	s7 =	smul.u32 @!p0 $0xF7A, s2;
	p2 =	seq.s32 @!p0 s5, $0x0  }
0x1f: {  	s9 =	smul.u32 $0xF7A, s1;
	s8 =	simm.s32 @!p0 $0x1BF5;
	p2 =	por !p2, p0  }
0x20: {  	[sflag:s8] =	ssyncset.s32 @!p0 $0xFFFFF086;
	s6 =	sadd.s32 @!p0 s3, s7;
	s7 =	simm.s32 @!p0 $0x108  }
0x21: {  	s3 =	sadd.s32 s3, s9;
	s6 =	sadd.s32 @!p0 $0x88, s6;
	s7 =	simm.s32 @p2 $0x1082  }
0x22: {  	[simem:s7], [sflag:s8] =	dma.local @!p0 [hbm:s6], $0xF7A  }
0x23: {  	s9 =	sor.u32 $0xD0000000, s2;
	s6 =	simm.s32 $0x108;
	_ =	swait.ge @!p0 [sflag:s8], $0x0  }
0x24: {  	s3 =	sadd.s32 $0x88, s3;
	s6 =	simm.s32 @!p1 $0x1082;
	[sflag:s4] =	ssyncset.s32 $0xFFFFF086  }
0x25: {  	[simem:s6], [sflag:s4] =	dma.local [hbm:s3], $0xF7A  }
0x26: {  	[smem:$0x3F98] =	sst s1;
	(tag) =	ssettag s2;
	_ =	strace s9  }
0x27: {  	s1 =	sld [smem:$0x3FA8]  }
0x28: {  	s2 =	sld [smem:$0x3FA9]  }
0x29: {  	s4 =	sld [smem:$0x3FAB]  }
0x2a: {  	p0 =	seq.s32 s5, $0x0;
	s5 =	sld [smem:$0x3FAC]  }
0x2b: {  	s6 =	sld [smem:$0x3FAD]  }
0x2c: {  	s7 =	sld [smem:$0x3FAE]  }
0x2d: {  	s3 =	simm.s32 $0x108;
	s8 =	sld [smem:$0x3FAF]  }
0x2e: {  	s3 =	simm.s32 @!p0 $0x1082;
	s9 =	sld [smem:$0x3FB0]  }
0x2f: {  	lr =	sadd.s32 s0, s3;
	s0 =	sld [smem:$0x3FA7]  }
0x30: {  	s3 =	sld [smem:$0x3FAA]  }
0x31: {  	[smem:$0x3FB3] =	sst s10  }
0x32: {  	s10 =	sld [smem:$0x3FB1];
	_ =	sdelay $0x3  }
0x33: {  	p0 =	seq.s32 s10, $0x1;
	s10 =	sld [smem:$0x3FB3];
	_ =	sdelay $0x3  }
0x34: {  	[smem:$0x3FB3] =	sst s10  }
0x35: {  	s10 =	sld [smem:$0x3FB2];
	_ =	sdelay $0x3  }
0x36: {  	p1 =	seq.s32 s10, $0x1;
	s10 =	sld [smem:$0x3FB3];
	_ =	sdelay $0x3  }
0x37: {  	[smem:$0x3FB3] =	sst s10  }
0x38: {  	s10 =	sld [smem:$0x3FB4]  }
0x39: {  	_ = 	snop;
	(pc) =	sbr.ind lr, $3  }
0x3a: {  	_ = 	snop  }
0x3b: {  	_ = 	snop  }
0x3c: {  	p2 =	seq.s32 s10, $0x1;
	s10 =	sld [smem:$0x3FB3]  }
0x3d: {  	_ =	shalt  }
0x3e: {  	_ =	shalt  }
0x3f: {  	_ =	shalt  }
0x40: {  	_ =	shalt  }
0x41: {  	_ =	shalt  }
0x42: {  	_ =	shalt  }
0x43: {  	_ =	shalt  }
0x44: {  	_ =	shalt  }
0x45: {  	_ =	shalt  }
0x46: {  	_ =	shalt  }
0x47: {  	_ =	shalt  }
0x48: {  	_ =	shalt  }
0x49: {  	_ =	shalt  }
0x4a: {  	_ =	shalt  }
0x4b: {  	_ =	shalt  }
0x4c: {  	_ =	shalt  }
0x4d: {  	_ =	shalt  }
0x4e: {  	_ =	shalt  }
0x4f: {  	_ =	shalt  }
0x50: {  	_ =	shalt  }
0x51: {  	_ =	shalt  }
0x52: {  	_ =	shalt  }
0x53: {  	_ =	shalt  }
0x54: {  	_ =	shalt  }
0x55: {  	_ =	shalt  }
0x56: {  	_ =	shalt  }
0x57: {  	_ =	shalt  }
0x58: {  	_ =	shalt  }
0x59: {  	_ =	shalt  }
0x5a: {  	_ =	shalt  }
0x5b: {  	_ =	shalt  }
0x5c: {  	_ =	shalt  }
0x5d: {  	_ =	shalt  }
0x5e: {  	_ =	shalt  }
0x5f: {  	_ =	shalt  }
0x60: {  	_ =	shalt  }
0x61: {  	_ =	shalt  }
0x62: {  	_ =	shalt  }
0x63: {  	_ =	shalt  }
0x64: {  	_ =	shalt  }
0x65: {  	_ =	shalt  }
0x66: {  	_ =	shalt  }
0x67: {  	_ =	shalt  }
0x68: {  	_ =	shalt  }
0x69: {  	_ =	shalt  }
0x6a: {  	_ =	shalt  }
0x6b: {  	_ =	shalt  }
0x6c: {  	_ =	shalt  }
0x6d: {  	_ =	shalt  }
0x6e: {  	_ =	shalt  }
0x6f: {  	_ =	shalt  }
0x70: {  	_ =	shalt  }
0x71: {  	_ =	shalt  }
0x72: {  	_ =	shalt  }
0x73: {  	_ =	shalt  }
0x74: {  	_ =	shalt  }
0x75: {  	_ =	shalt  }
0x76: {  	_ =	shalt  }
0x77: {  	_ =	shalt  }
0x78: {  	_ =	shalt  }
0x79: {  	_ =	shalt  }
0x7a: {  	_ =	shalt  }
0x7b: {  	_ =	shalt  }
0x7c: {  	_ =	shalt  }
0x7d: {  	_ =	shalt  }
0x7e: {  	_ =	shalt  }
0x7f: {  	_ =	shalt  }
0x80: {  	_ =	shalt  }
0x81: {  	_ =	shalt  }
0x82: {  	_ =	shalt  }
0x83: {  	_ =	shalt  }
0x84: {  	_ =	shalt  }
0x85: {  	_ =	shalt  }
0x86: {  	_ =	shalt  }
0x87: {  	_ =	shalt  }
.Lfunc_end0:
.L_simem_size_0:
called_computation.3_lowered:
.L_overlay_start_0:
0x88: {  	s2 =	sld [smem:$0x3FD9]  }
0x89: {  	s3 =	sld [smem:$0x3FFE];
	_ =	sdelay $0x1  }
0x8a: {  	s1 =	srdreg.scid  }
0x8b: {  	s0 =	sand.u32 $0x1, s1  }
0x8c: {  	s17 =	sshll.u32 s0, $0xA;
	s2 =	sadd.s32 s3, s2  }
0x8d: {  	s2 =	sadd.s32 s2, s17  }
0x8e: {  	[smem:$0x3FBF] =	sst s2  }
0x8f: {  	_ = 	snop  }
0x90: {  	s18 =	sld [smem:$0x3FC7]  }
0x91: {  	s4 =	sld [smem:$0x3FD0];
	(tm) =	ssettm $0x1  }
0x92: {  	s19 =	sld [smem:$0x3FFB];
	_ =	sdelay $0x3  }
0x93: {  	_ =	strace s19  }
0x94: {  	s2 =	sld [smem:$0x3FFC];
	_ =	sdelay $0x3  }
0x95: {  	_ =	strace s2  }
0x96: {  	s2 =	sld [smem:$0x3FFD];
	_ =	sdelay $0x3  }
0x97: {  	_ =	strace s2  }
0x98: {  	_ =	strace $0x8FFFFFFF  }
0x99: {  	s20 =	sld [smem:$0x3FDB];
	_ =	sdelay $0x1  }
0x9a: {  	s5 =	simm.s32 $_scs_section_size  }
0x9b: {  	s6 =	simm.s32 $_size__tile_overlayer_lowered;
	s7 =	simm.s32 $_tile_overlayer_lowered  }
0x9c: {  	s8 =	simm.s32 $0x1BFF;
	s21 =	sshll.u32 s7, $0x1;
	s5 =	sadd.s32 s5, s20  }
0x9d: {  	s22 =	simm.s32 $0x0;
	s6 =	sshll.u32 s6, $0x1;
	s7 =	sadd.s32 s21, s5  }
0x9e: {  	[timem:s22], [sflag:s8] =	dma.local [hbm:s7], s6  }
0x9f: {  	_ =	swait.ge [sflag:s8], s6  }
0xa0: {  	s6 =	ssub.s32 $0x0, s6;
	[sflag:s8] =	ssyncset.done $0x0  }
0xa1: {  	[sflag:s8] =	ssyncadd.s32 s6;
	_ =	sdelay $0x1  }
0xa2: {  	s23 =	simm.s32 $0x1B8B  }
0xa3: {  	_ =	swait.ge [sflag:s23], $0x1  }
0xa4: {  	[sflag:s23] =	ssyncset.done $0x0  }
0xa5: {  	[sflag:s23] =	ssyncadd.s32 $0xFFFFFFFF  }
0xa6: {  	s6 =	sld [smem:$0x0]  }
0xa7: {  	s7 =	sand.u32 $0xFFFFFFFE, s1  }
0xa8: {  	p0 =	sne.s32 s1, s7  }
0xa9: {  	s7 =	sshll.u32 @p0 s7, $0xE  }
0xaa: {  	s7 =	sadd.s32 @p0 $0x11B8D, s7;
	s8 =	sshll.u32 @p0 s6, $0x11  }
0xab: {  	s7 =	sor.u32 @p0 s8, s7  }
0xac: {  	[sflag:s7] =	ssyncadd.remote.s32 @p0 $0x1;
	_ =	sdelay $0x1  }
0xad: {  	s7 =	simm.s32 @p0 $0x1B8D  }
0xae: {  	_ =	swait.eq @p0 [sflag:s7], $0x1  }
0xaf: {  	[sflag:s7] =	ssyncadd.s32 @p0 $0xFFFFFFFF  }
0xb0: {  	s8 =	sshll.u32 @!p0 s1, $0xE  }
0xb1: {  	s8 =	sor.u32 @!p0 $0x4000, s8;
	s7 =	simm.s32 @!p0 $0x1B8D  }
0xb2: {  	s6 =	sshll.u32 @!p0 s6, $0x11;
	s8 =	sadd.s32 @!p0 $0x11B8D, s8;
	_ =	swait.eq @!p0 [sflag:s7], $0x1  }
0xb3: {  	s6 =	sor.u32 @!p0 s6, s8;
	[sflag:s7] =	ssyncadd.s32 @!p0 $0xFFFFFFFF  }
0xb4: {  	s25 =	simm.s32 $0x1B8E;
	s24 =	sld [smem:$0x3FFE];
	[sflag:s6] =	ssyncadd.remote.s32 @!p0 $0x1  }
0xb5: {  	s26 =	simm.s32 $execute0_lowered;
	[smem:$0x3FD2] =	sst s25  }
0xb6: {  	s7 =	sshll.u32 s26, $0x1;
	_ =	strace $0x8000004F;
	[dreg:$0x1] =	wrdreg $0xFFFFFFFF  }
0xb7: {  	s28 =	simm.s32 $_size_execute0_lowered;
	s5 =	sadd.s32 s5, s7;
	[dreg:$0x0] =	wrdreg $0x0  }
0xb8: {  	s7 =	sshll.u32 s28, $0x1;
	[dreg:$0x2] =	wrdreg s5  }
0xb9: {  	[dreg:$0x3] =	wrdreg s7  }
0xba: {  	[dreg:$0x4] =	wrdreg $0xC0  }
0xbb: {  	_ =	task [dreg:s22], $0x5FFFF  }
0xbc: {  	[dreg:$0x1] =	wrdreg $0xFFFFFFFF  }
0xbd: {  	[dreg:$0x0] =	wrdreg $0x60  }
0xbe: {  	[dreg:$0x2] =	wrdreg s24  }
0xbf: {  	[dreg:$0x3] =	wrdreg s18  }
0xc0: {  	[dreg:$0x4] =	wrdreg s4  }
0xc1: {  	[dreg:$0x5] =	wrdreg $0x81800  }
0xc2: {  	[dreg:$0x6] =	wrdreg $0xA  }
0xc3: {  	_ =	task.clear_ibuf [dreg:s22], $0x7FFFF;
	_ =	strace $0x9000004F  }
0xc4: {  	s29 =	simm.s32 $0xA;
	_ =	strace $0x80000051  }
0xc5: {  	_ =	swait.ge [sflag:s29], $0x1  }
0xc6: {  	[sflag:s29] =	ssyncadd.s32 $0xFFFFFFFF  }
0xc7: {  	_ =	strace $0x90000051  }
0xc8: {  	_ =	sfence  }
0xc9: {  	s30 =	sld [smem:$0x0];
	_ =	sdelay $0x2  }
0xca: {  	s31 =	sshll.u32 s1, $0xD;
	s1 =	sshrl.u32 s1, $0x2  }
0xcb: {  	s4 =	sand.u32 $0x4000, s31;
	s1 =	sadd.s32 s1, s30  }
0xcc: {  	s0 =	sor.u32 s4, s0;
	s1 =	sshll.u32 s1, $0x11  }
0xcd: {  	s0 =	sor.u32 s1, s0  }
0xce: {  	s0 =	sadd.s32 $0x8F2B, s0  }
0xcf: {  	[sflag:s0] =	ssyncadd.remote.s32 $0x1  }
0xd0: {  	_ =	sfence.sel $0xFFFF  }
0xd1: {  	[dreg:$0x0] =	wrdreg $0xFFFFFFFF;
	(pc) =	sbr.abs _section_cstart, $3  }
0xd2: {  	[dreg:$0x1] =	wrdreg $0xFFFFFFFF  }
0xd3: {  	_ =	task.clear_ibuf [dreg:s22], $0x2FFFF;
	_ =	strace $0x9FFFFFFF  }
0xd4: {  	(tm) =	ssettm $0x7FFFFFFF  }
0xd5: {  	_ =	shalt  }
tec
execute0_lowered:
.L_overlay_start_1:
0x0: {  	(tag) =	ssettag $0x1  }
0x1: {  	s4 =	rddreg [dreg:$0x0]  }
0x2: {  	s16 =	rddreg [dreg:$0x1]  }
0x3: {  	s1 =	rddreg [dreg:$0x2]  }
0x4: {  	s2 =	rddreg [dreg:$0x3]  }
0x5: {  	s3 =	srdreg.scid;
	s15 =	stileid.u32  }
0x6: {  	s20 =	simm.s32 $0x4100;
	s21 =	simm.s32 $0x1;
	s18 =	smul.u32 $0x13880, s15  }
0x7: {  	s22 =	simm.s32 $0x3;
	s9 =	sand.u32 $0x1, s3;
	s29 =	smul.u32 $0x1388, s15  }
0x8: {  	s23 =	simm.s32 $0x2;
	s24 =	simm.s32 $0x8100;
	s7 =	smul.u32 $0x27100, s9  }
0x9: {  	s3 =	simm.s32 $0x0;
	s5 =	sshll.u32 s9, $0x4;
	s17 =	smul.u32 $0x138800, s9  }
0xa: {  	s13 =	sadd.s32 $0x533200, s4;
	s19 =	smul.u32 $0x13880, s9;
	s5 =	sor.u32 s15, s5  }
0xb: {  	p0 =	sne.s32 s15, $0x0;
	[smem:$0x7FF] =	sst s3;
	s6 =	smul.u32 $0x1388, s5  }
0xc: {  	s8 =	ssub.s32 $0x2, s9;
	_ =	strace $0x80000050;
	s10 =	smul.u32 $0x13880, s5  }
0xd: {  	s11 =	sshrl.u32 s8, $0x1;
	s25 =	smul.u32 $0x9C400, s5;
	s14 =	sadd.s32 s7, s4  }
0xe: {  	s11 =	ssub.s32 s8, s11;
	s17 =	sadd.s32 s17, s13;
	s30 =	sadd.s32 s29, s19  }
0xf: {  	s19 =	simm.s32 $0x80;
	s11 =	smax.u32 s11, $0x1;
	s17 =	sadd.s32 s18, s17  }
0x10: {  	s31 =	sadd.s32 $0x27280, s30;
	s18 =	sadd.s32 $0x27200, s30;
	s6 =	sshrl.u32 s6, $0x3  }
0x11: {  	s5 =	sadd.s32 s13, s10;
	s26 =	sshrl.u32 s25, $0x3;
	s10 =	sadd.s32 $0x3000, s14  }
0x12: {  	s14 =	sadd.s32 $0x1800, s17;
	s17 =	sshrl.u32 s31, $0x3;
	s18 =	sshrl.u32 s18, $0x3  }
0x13: {  	s25 =	simm.s32 $0x8;
	s12 =	sadd.s32 s16, s6;
	s28 =	sadd.s32 s13, s26  }
0x14: {  	s13 =	sadd.s32 $0x13000, s5;
	s15 =	sadd.s32 s17, s16;
	s16 =	sadd.s32 s18, s16  }
0x15: {  	s17 =	sshrl.u32 @!p0 s2, $0x3;
	s18 =	simm.s32 $0x100;
	s26 =	simm.s32 $0x0  }
0x16: {  	s4 =	sadd.s32 $0x4E20, s12;
	s6 =	sadd.s32 $0x4E30, s12;
	s7 =	sadd.s32 $0x800, s28  }
0x17: {  	s8 =	sadd.s32 $0x5090, s12;
	s9 =	sadd.s32 $0x13800, s28;
	s12 =	sadd.s32 $0x5080, s12  }
.LBB2_1:
0x18: {  	s28 =	simm.s32 @!p0 $0x1C03  }
0x19: {  	[spmem:s17], [sflag:s28] =	dma.local @!p0 [hbm:s1], $0x27100  }
0x1a: {  	s28 =	simm.s32 @!p0 $0x3  }
0x1b: {  	_ =	swait.ge @!p0 [sflag:s28], $0x27100  }
0x1c: {  	[sflag:s28] =	ssyncset.done @!p0 $0x0  }
0x1d: {  	[sflag:s28] =	ssyncadd.s32 @!p0 $0xFFFD8F00  }
0x1e: {  	[bflag:$0x0] =	sbarrier.arrive $0xFFFF  }
0x1f: {  	[tilespmem:s3], [sflag:$0x1] =	stream.linear.gather [hbm4b:s4+s3], $0x80, $0x38;
	[tilespmem:$0x1BA00] =	vst v63  }
0x20: {  	_ = 	snop  }
0x21: {  	[tilespmem:s18], [sflag:$0x1] =	stream.linear.gather [hbm4b:s5+s3], $0x4000, $0x38;
	[tilespmem:$0x1BA00] =	vst v63  }
0x22: {  	_ = 	snop  }
0x23: {  	[tilespmem:s19], [sflag:$0x2] =	stream.linear.gather [hbm4b:s6+s3], $0x80, $0x38;
	[tilespmem:$0x1BA00] =	vst v63  }
0x24: {  	_ = 	snop  }
0x25: {  	[tilespmem:s20], [sflag:$0x2] =	stream.linear.gather [hbm4b:s7+s3], $0x4000, $0x38;
	[tilespmem:$0x1BA00] =	vst v63  }
0x26: {  	_ =	swait.ge [sflag:s21], $0x80  }
0x27: {  	[sflag:s21] =	ssyncset.done $0x0  }
0x28: {  	[sflag:s21] =	ssyncadd.s32 $0xFFFFFF80  }
0x29: {  	_ =	swait.ge [sflag:s21], $0x4000  }
0x2a: {  	[sflag:s21] =	ssyncset.done $0x0  }
0x2b: {  	[sflag:s21] =	ssyncadd.s32 $0xFFFFC000  }
0x2c: {  	[spmem:s2] =	stream.indirect.scatter.add.f32 [tilespmem:s18], [sflag:$0x3], $0x80, s3, s19, $0xb8;
	[tilespmem:$0x1BA00] =	vst v63  }
0x2d: {  	_ =	swait.ge [sflag:s22], $0x4000  }
0x2e: {  	[sflag:s22] =	ssyncset.done $0x0  }
0x2f: {  	s28 =	sadd.s32 $0x0, s16;
	[sflag:s22] =	ssyncadd.s32 $0xFFFFC000  }
0x30: {  	[tilespmem:s3], [sflag:$0x1] =	stream.linear.gather [hbm4b:s28+s3], $0x80, $0x38;
	[tilespmem:$0x1BA00] =	vst v63  }
0x31: {  	s28 =	sadd.s32 $0xFFFFF800, s14  }
0x32: {  	[tilespmem:s18], [sflag:$0x1] =	stream.linear.gather [hbm4b:s28+s3], $0x4000, $0x38;
	[tilespmem:$0x1BA00] =	vst v63  }
0x33: {  	_ =	swait.ge [sflag:s23], $0x80  }
0x34: {  	[sflag:s23] =	ssyncset.done $0x0  }
0x35: {  	[sflag:s23] =	ssyncadd.s32 $0xFFFFFF80  }
0x36: {  	_ =	swait.ge [sflag:s23], $0x4000  }
0x37: {  	[sflag:s23] =	ssyncset.done $0x0  }
0x38: {  	[sflag:s23] =	ssyncadd.s32 $0xFFFFC000  }
0x39: {  	[spmem:s2] =	stream.indirect.scatter.add.f32 [tilespmem:s20], [sflag:$0x3], $0x80, s19, s19, $0xb8;
	[tilespmem:$0x1BA00] =	vst v63  }
0x3a: {  	_ =	swait.ge [sflag:s22], $0x4000  }
0x3b: {  	[sflag:s22] =	ssyncset.done $0x0  }
0x3c: {  	s28 =	sadd.s32 $0x0, s15;
	[sflag:s22] =	ssyncadd.s32 $0xFFFFC000  }
0x3d: {  	[tilespmem:s19], [sflag:$0x2] =	stream.linear.gather [hbm4b:s28+s3], $0x80, $0x38;
	[tilespmem:$0x1BA00] =	vst v63  }
0x3e: {  	s29 =	sadd.s32 $0x1000, s14;
	s30 =	smov.u32 s14;
	s28 =	simm.s32 $0x20  }
.LBB2_2:
0x3f: {  	[tilespmem:s20], [sflag:$0x2] =	stream.linear.gather [hbm4b:s30+s3], $0x4000, $0x38;
	[tilespmem:$0x1BA00] =	vst v63  }
0x40: {  	s31 =	smov.u32 s28;
	s30 =	smov.u32 s29  }
0x41: {  	p1 =	sne.s32 s28, $0x220;
	s28 =	sadd.s32 $0x20, s28;
	_ =	swait.ge [sflag:s21], $0x80  }
0x42: {  	[sflag:s21] =	ssyncset.done $0x0  }
0x43: {  	[sflag:s21] =	ssyncadd.s32 $0xFFFFFF80  }
0x44: {  	_ =	swait.ge [sflag:s21], $0x4000  }
0x45: {  	[sflag:s21] =	ssyncset.done $0x0  }
0x46: {  	[sflag:s21] =	ssyncadd.s32 $0xFFFFC000  }
0x47: {  	[spmem:s2] =	stream.indirect.scatter.add.f32 [tilespmem:s18], [sflag:$0x3], $0x80, s3, s19, $0xb8;
	[tilespmem:$0x1BA00] =	vst v63  }
0x48: {  	_ =	swait.ge [sflag:s22], $0x4000  }
0x49: {  	[sflag:s22] =	ssyncset.done $0x0  }
0x4a: {  	s0 =	sadd.s32 s31, s16;
	[sflag:s22] =	ssyncadd.s32 $0xFFFFC000  }
0x4b: {  	[tilespmem:s3], [sflag:$0x1] =	stream.linear.gather [hbm4b:s0+s3], $0x80, $0x38;
	[tilespmem:$0x1BA00] =	vst v63  }
0x4c: {  	s0 =	sadd.s32 $0xFFFFF800, s29  }
0x4d: {  	[tilespmem:s18], [sflag:$0x1] =	stream.linear.gather [hbm4b:s0+s3], $0x4000, $0x38;
	[tilespmem:$0x1BA00] =	vst v63  }
0x4e: {  	_ =	swait.ge [sflag:s23], $0x80  }
0x4f: {  	[sflag:s23] =	ssyncset.done $0x0  }
0x50: {  	[sflag:s23] =	ssyncadd.s32 $0xFFFFFF80  }
0x51: {  	_ =	swait.ge [sflag:s23], $0x4000  }
0x52: {  	[sflag:s23] =	ssyncset.done $0x0  }
0x53: {  	[sflag:s23] =	ssyncadd.s32 $0xFFFFC000  }
0x54: {  	[spmem:s2] =	stream.indirect.scatter.add.f32 [tilespmem:s20], [sflag:$0x3], $0x80, s19, s19, $0xb8;
	[tilespmem:$0x1BA00] =	vst v63  }
.Ltmp0:
0x55: {  	_ =	swait.ge [sflag:s22], $0x4000;
	(pc) =	sbr.rel @p1 .LBB2_2-.Ltmp0, $4  }
0x56: {  	[sflag:s22] =	ssyncset.done $0x0  }
0x57: {  	s0 =	sadd.s32 s31, s15;
	[sflag:s22] =	ssyncadd.s32 $0xFFFFC000  }
0x58: {  	[tilespmem:s19], [sflag:$0x2] =	stream.linear.gather [hbm4b:s0+s3], $0x80, $0x38;
	[tilespmem:$0x1BA00] =	vst v63  }
0x59: {  	s29 =	sadd.s32 $0x1000, s29  }
0x5a: {  	[tilespmem:s20], [sflag:$0x2] =	stream.linear.gather [hbm4b:s30+s3], $0x4000, $0x38;
	[tilespmem:$0x1BA00] =	vst v63  }
0x5b: {  	_ =	swait.ge [sflag:s21], $0x80  }
0x5c: {  	[sflag:s21] =	ssyncset.done $0x0  }
0x5d: {  	[sflag:s21] =	ssyncadd.s32 $0xFFFFFF80  }
0x5e: {  	_ =	swait.ge [sflag:s21], $0x4000  }
0x5f: {  	[sflag:s21] =	ssyncset.done $0x0  }
0x60: {  	[sflag:s21] =	ssyncadd.s32 $0xFFFFC000  }
0x61: {  	[spmem:s2] =	stream.indirect.scatter.add.f32 [tilespmem:s18], [sflag:$0x3], $0x80, s3, s19, $0xb8;
	[tilespmem:$0x1BA00] =	vst v63  }
0x62: {  	_ =	swait.ge [sflag:s22], $0x4000  }
0x63: {  	[sflag:s22] =	ssyncset.done $0x0  }
0x64: {  	[sflag:s22] =	ssyncadd.s32 $0xFFFFC000  }
0x65: {  	[tilespmem:s3], [sflag:$0x1] =	stream.linear.gather [hbm4b:s12+s3], $0x80, $0x38;
	[tilespmem:$0x1BA00] =	vst v63  }
0x66: {  	_ = 	snop  }
0x67: {  	[tilespmem:s18], [sflag:$0x1] =	stream.linear.gather [hbm4b:s13+s3], $0x4000, $0x38;
	[tilespmem:$0x1BA00] =	vst v63  }
0x68: {  	_ =	swait.ge [sflag:s23], $0x80  }
0x69: {  	[sflag:s23] =	ssyncset.done $0x0  }
0x6a: {  	[sflag:s23] =	ssyncadd.s32 $0xFFFFFF80  }
0x6b: {  	_ =	swait.ge [sflag:s23], $0x4000  }
0x6c: {  	[sflag:s23] =	ssyncset.done $0x0  }
0x6d: {  	[sflag:s23] =	ssyncadd.s32 $0xFFFFC000  }
0x6e: {  	[spmem:s2] =	stream.indirect.scatter.add.f32 [tilespmem:s20], [sflag:$0x3], $0x80, s19, s19, $0xb8;
	[tilespmem:$0x1BA00] =	vst v63  }
0x6f: {  	_ =	swait.ge [sflag:s22], $0x4000  }
0x70: {  	[sflag:s22] =	ssyncset.done $0x0  }
0x71: {  	[sflag:s22] =	ssyncadd.s32 $0xFFFFC000  }
0x72: {  	[tilespmem:s19], [sflag:$0x2] =	stream.linear.gather [hbm4b:s12+s3], $0x80, $0x38;
	[tilespmem:$0x1BA00] =	vst v63  }
0x73: {  	_ = 	snop  }
0x74: {  	[tilespmem:s20], [sflag:$0x2] =	stream.linear.gather [hbm4b:s13+s3], $0x4000, $0x38;
	[tilespmem:$0x1BA00] =	vst v63  }
0x75: {  	_ =	swait.ge [sflag:s21], $0x80  }
0x76: {  	[sflag:s21] =	ssyncset.done $0x0  }
0x77: {  	[sflag:s21] =	ssyncadd.s32 $0xFFFFFF80  }
0x78: {  	_ =	swait.ge [sflag:s21], $0x4000  }
0x79: {  	[sflag:s21] =	ssyncset.done $0x0  }
0x7a: {  	[sflag:s21] =	ssyncadd.s32 $0xFFFFC000  }
0x7b: {  	[spmem:s2] =	stream.indirect.scatter.add.f32 [tilespmem:s18], [sflag:$0x3], $0x80, s3, s19, $0xb8;
	[tilespmem:$0x1BA00] =	vst v63  }
0x7c: {  	_ =	swait.ge [sflag:s22], $0x4000  }
0x7d: {  	[sflag:s22] =	ssyncset.done $0x0  }
0x7e: {  	[sflag:s22] =	ssyncadd.s32 $0xFFFFC000  }
0x7f: {  	_ =	swait.ge [sflag:s23], $0x80  }
0x80: {  	[sflag:s23] =	ssyncset.done $0x0  }
0x81: {  	[sflag:s23] =	ssyncadd.s32 $0xFFFFFF80  }
0x82: {  	_ =	swait.ge [sflag:s23], $0x4000  }
0x83: {  	[sflag:s23] =	ssyncset.done $0x0  }
0x84: {  	[sflag:s23] =	ssyncadd.s32 $0xFFFFC000  }
0x85: {  	[tilespmem:s24], [sflag:$0x3] =	stream.linear.gather [hbm4b:s8+s3], $0x8, $0x38;
	[tilespmem:$0x1BA00] =	vst v63  }
0x86: {  	_ =	swait.ge [sflag:s22], $0x8  }
0x87: {  	[sflag:s22] =	ssyncset.done $0x0  }
0x88: {  	[sflag:s22] =	ssyncadd.s32 $0xFFFFFFF8  }
0x89: {  	[tilespmem:s18], [sflag:$0x3] =	stream.linear.gather [hbm4b:s9+s3], $0x400, $0x38;
	[tilespmem:$0x1BA00] =	vst v63  }
0x8a: {  	_ =	swait.ge [sflag:s22], $0x400  }
0x8b: {  	[sflag:s22] =	ssyncset.done $0x0  }
0x8c: {  	[sflag:s22] =	ssyncadd.s32 $0xFFFFFC00  }
0x8d: {  	[spmem:s2] =	stream.indirect.scatter.add.f32 [tilespmem:s18], [sflag:$0x3], $0x80, s24, s25, $0xb8;
	[tilespmem:$0x1BA00] =	vst v63  }
0x8e: {  	_ =	swait.ge [sflag:s22], $0x400  }
0x8f: {  	[sflag:s22] =	ssyncset.done $0x0  }
0x90: {  	s26 =	sadd.s32 $0x1, s26;
	[sflag:s22] =	ssyncadd.s32 $0xFFFFFC00  }
0x91: {  	s0 =	simm.s32 @!p0 $0x1C03;
	p1 =	sne.s32 s26, s11;
	[bflag:$0x0] =	sbarrier.arrive $0xFFFF  }
0x92: {  	[hbm:s10], [sflag:s0] =	dma.local @!p0 [spmem:s17], $0x27100  }
.Ltmp1:
0x93: {  	_ = 	snop;
	(pc) =	sbr.rel @p1 .LBB2_1-.Ltmp1, $4  }
0x94: {  	s0 =	simm.s32 @!p0 $0x3  }
0x95: {  	_ =	swait.ge @!p0 [sflag:s0], $0x27100  }
0x96: {  	[sflag:s0] =	ssyncset.done @!p0 $0x0  }
0x97: {  	[sflag:s0] =	ssyncadd.s32 @!p0 $0xFFFD8F00  }
0x98: {  	_ =	sfence.sel $0x180000  }
0x99: {  	[bflag:$0x0] =	sbarrier.arrive $0xFFFF  }
0x9a: {  	_ =	strace $0x90000050  }
0x9b: {  	[bflag:$0x2] =	sbarrier.arrive $0xFFFF  }
0x9c: {  	s0 =	rddreg [dreg:$0x4]  }
0x9d: {  	s0 =	sadd.s32 @!p0 $0x100000, s0  }
0x9e: {  	[sflag:s0] =	ssyncadd.tile.s32 @!p0 $0x1;
	_ =	shalt  }
.Lfunc_end2:
_tile_overlayer_lowered:
.L_overlay_start_2:
0x9f: {  	(tag) =	ssettag $0x2  }
0xa0: {  	s0 =	rddreg [dreg:$0x0];
	s2 =	stileid.u32  }
0xa1: {  	s1 =	rddreg [dreg:$0x1];
	p0 =	sne.s32 s2, $0x0  }
0xa2: {  	s3 =	rddreg [dreg:$0x2];
	[bflag:$0x3] =	sbarrier.arrive $0xFFFF;
	s2 =	simm.s32 @!p0 $0x1C03  }
0xa3: {  	[timem:s3], [sflag:s2] =	dma.local @!p0 [hbm:s0], s1  }
0xa4: {  	s0 =	simm.s32 @!p0 $0x3  }
0xa5: {  	_ =	swait.ge @!p0 [sflag:s0], s1  }
0xa6: {  	s1 =	ssub.s32 @!p0 $0x0, s1;
	[sflag:s0] =	ssyncset.done @!p0 $0x0  }
0xa7: {  	[sflag:s0] =	ssyncadd.s32 @!p0 s1  }
0xa8: {  	[bflag:$0x3] =	sbarrier.arrive $0xFFFF  }
0xa9: {  	_ =	shalt  }

</sc_bundles>
